<compile_context>
chip_gen: v7x
topology: tpu7x:2x2x1
jax: 0.10.2.dev20260603
libtpu: 0.0.44.dev20260713+nightly
codegen_flags: <defaults>
</compile_context>

<pallas_src>
import functools

import jax
import jax.numpy as jnp
import numpy as np
from jax import lax
from jax.experimental import pallas as pl
from jax.experimental.pallas import tpu as pltpu
from jax.experimental.pallas import tpu_sc as plsc

_SQRT_HALF = float(1.0 / np.sqrt(2.0))

_COS_C = (0.9999994437071105, -19.739034397802136, 64.93061450604583,
          -85.29598723642509, 58.91264615607875, -21.283194092739)
_SIN_C = (6.283185032070381, -41.34161604838464, 81.60091445490433,
          -76.62656323680581, 41.4034983175444, -12.576488687586403)


def _poly_z(z, coeffs):
    acc = jnp.full_like(z, coeffs[-1])
    for c in coeffs[-2::-1]:
        acc = acc * z + c
    return acc

_SC_CORES = 2
_SC_SUBCORES = 16
_SC_WORKERS = _SC_CORES * _SC_SUBCORES
_CHUNK = 128

_DEG = 128


def _gelu(t):
    return 0.5 * t * (1.0 + lax.erf(t * _SQRT_HALF))



def _node_body(x_ref, pos_ref, bp_ref, w1_ref, b1_ref, w2_ref, b2_ref,
               w3_ref, b3_ref, out_ref):
    f32 = jnp.float32
    bf16 = jnp.bfloat16
    t = jnp.dot(x_ref[...], w1_ref[...], preferred_element_type=f32) + b1_ref[...]
    t = _gelu(t.astype(bf16))
    t = jnp.dot(t, w2_ref[...].astype(bf16), preferred_element_type=f32) + b2_ref[...]
    t = _gelu(t.astype(bf16))
    t = jnp.dot(t, w3_ref[...].astype(bf16), preferred_element_type=f32) + b3_ref[...]
    f = jnp.dot(pos_ref[...], bp_ref[...], preferred_element_type=f32)
    u = f - jnp.round(f)
    z = u * u
    cosv = _poly_z(z, _COS_C)
    sinv = u * _poly_z(z, _SIN_C)
    out_ref[...] = t + jnp.concatenate([cosv, sinv], axis=1)


def _node_mlp(x, pos8, bproj, W1, b1, W2, b2, W3, b3):
    n, d = x.shape
    h = W1.shape[1]
    tn = 2000
    grid = n // tn
    ndim = pos8.shape[1]
    full = lambda a: pl.BlockSpec(a.shape, lambda i: (0,) * a.ndim)
    return pl.pallas_call(
        _node_body,
        grid=(grid,),
        in_specs=[
            pl.BlockSpec((tn, d), lambda i: (i, 0)),
            pl.BlockSpec((tn, ndim), lambda i: (i, 0)),
            full(bproj), full(W1), full(b1), full(W2), full(b2), full(W3), full(b3),
        ],
        out_specs=pl.BlockSpec((tn, h), lambda i: (i, 0)),
        out_shape=jax.ShapeDtypeStruct((n, h), jnp.float32),
    )(x, pos8, bproj, W1, b1, W2, b2, W3, b3)



def _sc_gather(hp, src3):
    nw, cpw, ch = src3.shape
    wdim = hp.shape[1]
    e = nw * cpw * ch
    rows_per_w = cpw * ch
    mesh = plsc.VectorSubcoreMesh(core_axis_name="c", subcore_axis_name="s")

    @functools.partial(
        pl.kernel,
        mesh=mesh,
        out_type=jax.ShapeDtypeStruct((e, wdim), jnp.float32),
        scratch_types=[
            pltpu.VMEM((cpw, ch), jnp.int32),
            pltpu.VMEM((2, ch, wdim), jnp.float32),
            pltpu.SemaphoreType.DMA,
            pltpu.SemaphoreType.DMA,
        ],
    )
    def gather_kernel(h_hbm, src_hbm, out_hbm, idx_v, rows_v, sem0, sem1):
        wid = lax.axis_index("s") * _SC_CORES + lax.axis_index("c")
        base = wid * rows_per_w
        pltpu.sync_copy(src_hbm.at[wid], idx_v)
        pltpu.async_copy(h_hbm.at[idx_v.at[0]], rows_v.at[0], sem0)

        def body(i, carry):
            c0 = 2 * i
            pltpu.async_copy(h_hbm.at[idx_v.at[c0 + 1]], rows_v.at[1], sem1)
            pltpu.make_async_copy(h_hbm.at[idx_v.at[c0]], rows_v.at[0], sem0).wait()
            pltpu.sync_copy(rows_v.at[0], out_hbm.at[pl.ds(base + c0 * ch, ch)])

            @pl.when(i + 1 < cpw // 2)
            def _():
                pltpu.async_copy(h_hbm.at[idx_v.at[c0 + 2]], rows_v.at[0], sem0)

            pltpu.make_async_copy(h_hbm.at[idx_v.at[c0 + 1]], rows_v.at[1], sem1).wait()
            pltpu.sync_copy(rows_v.at[1], out_hbm.at[pl.ds(base + (c0 + 1) * ch, ch)])
            return carry

        lax.fori_loop(0, cpw // 2, body, 0)

    return gather_kernel(hp, src3)



def _edge_body(ts, g_ref, hd_ref, off_ref, m1a_ref, m1b_ref,
               mb1_ref, m2_ref, mb2_ref, m3_ref, mb3_ref, out_ref):
    f32 = jnp.float32
    bf16 = jnp.bfloat16
    te = ts * _DEG
    h2 = m1b_ref.shape[1]
    dst1 = (jnp.dot(hd_ref[...].astype(bf16), m1b_ref[...].astype(bf16),
                    preferred_element_type=f32) + mb1_ref[...])
    dst1e = jnp.broadcast_to(dst1.reshape(ts, 1, h2),
                             (ts, _DEG, h2)).reshape(te, h2)
    a = (jnp.dot(g_ref[...].astype(bf16), m1a_ref[...].astype(bf16),
                 preferred_element_type=f32) + dst1e)
    a = _gelu(a.astype(bf16))
    a = _gelu((jnp.dot(a, m2_ref[...].astype(bf16), preferred_element_type=f32)
              + mb2_ref[...]).astype(bf16))
    a = (jnp.dot(a, m3_ref[...].astype(bf16), preferred_element_type=f32)
         + mb3_ref[...])
    h = a.shape[1]
    seg = jnp.sum(a.reshape(ts, _DEG, h), axis=1)
    out_ref[...] = seg * (1.0 / _DEG) + off_ref[...]


def _edge_mlp(g, hd, ts, blk0, off, M1, mb1, M2, mb2, M3, mb3):
    e, h = g.shape
    te = ts * _DEG
    s = e // _DEG
    grid = e // te
    full = lambda a: pl.BlockSpec(a.shape, lambda i: (0,) * a.ndim)
    return pl.pallas_call(
        functools.partial(_edge_body, ts),
        grid=(grid,),
        in_specs=[
            pl.BlockSpec((te, h), lambda i: (i, 0)),
            pl.BlockSpec((ts, h), lambda i: (i + blk0, 0)),
            full(off),
            pl.BlockSpec((h, 2 * h), lambda i: (0, 0)),
            pl.BlockSpec((h, 2 * h), lambda i: (1, 0)),
            full(mb1), full(M2), full(mb2), full(M3), full(mb3),
        ],
        out_specs=pl.BlockSpec((ts, h), lambda i: (i, 0)),
        out_shape=jax.ShapeDtypeStruct((s, h), jnp.float32),
    )(g, hd, off, M1, M1, mb1, M2, mb2, M3, mb3)



def kernel(x, mesh_pos, mesh_edges, batch_idx, b, W1, b1, W2, b2, W3, b3,
           M1, mb1, M2, mb2, M3, mb3):
    n, d = x.shape
    h = W1.shape[1]
    e = mesh_edges.shape[0]
    s = e // _DEG

    hn = _node_mlp(x, mesh_pos, b.T, W1, b1.reshape(1, h), W2,
                   b2.reshape(1, h), W3, b3.reshape(1, h))

    off = (jnp.max(batch_idx) + 1 - 1).astype(jnp.float32).reshape(1, 1)
    ts = 16
    nsplit = 4
    ek = e // nsplit
    cpw = ek // (_SC_WORKERS * _CHUNK)
    src = mesh_edges[:, 1]
    parts = []
    for k in range(nsplit):
        src3 = lax.slice(src, (k * ek,), ((k + 1) * ek,)).reshape(
            _SC_WORKERS, cpw, _CHUNK)
        gk = _sc_gather(hn, src3)
        parts.append(_edge_mlp(gk, hn, ts, k * (ek // _DEG // ts), off,
                               M1, mb1.reshape(1, -1), M2,
                               mb2.reshape(1, -1), M3, mb3.reshape(1, -1)))
    pooled = jnp.concatenate(parts, axis=0)
    return pooled.reshape(1, s, h)

# --- scband reference (transcript-rebuilt; emitter-appended) ---
"""Pipeline reference for scband-cfd-pool-gaussian-sincos-pos-49744311222707 (READ-ONLY COPY).

The authoritative reference and input builder live on the scoring server;
editing this copy changes nothing except your own understanding.
"""

import jax, jax.numpy as jnp
import numpy as np

N = 50000
D = 128
H = 128
S = 2048
DEG = 128
NDIM = 2
STD = 1.0


def _xavier(key, fan_in, fan_out):
    lim = float(np.sqrt(6.0 / (fan_in + fan_out)))
    return jax.random.uniform(key, (fan_in, fan_out), minval=-lim, maxval=lim, dtype=jnp.float32)


def setup_inputs(seed: int = 0) -> dict:
    key = jax.random.key(seed)
    ks = jax.random.split(key, 12)
    x = jax.random.normal(ks[0], (N, D), dtype=jnp.float32)
    mesh_pos = jax.random.uniform(ks[1], (N, NDIM), dtype=jnp.float32)
    # edges sorted by dst (supernode) as assumed by segment_csr; each supernode has DEG incoming edges
    dst = jnp.repeat(jnp.arange(S, dtype=jnp.int32), DEG)
    src = jax.random.randint(ks[2], (S * DEG,), 0, N, dtype=jnp.int32)
    mesh_edges = jnp.stack([dst, src], axis=1)  # columns: (dst, src), matching mesh_edges.unbind(1)
    batch_idx = jnp.zeros((N,), dtype=jnp.int32)
    b = jax.random.normal(ks[3], (H // 2, NDIM), dtype=jnp.float32) * STD  # gaussian fourier buffer
    W1 = _xavier(ks[4], D, H)
    W2 = _xavier(ks[5], H, H)
    W3 = _xavier(ks[6], H, H)
    M1 = _xavier(ks[7], 2 * H, 2 * H)
    M2 = _xavier(ks[8], 2 * H, H)
    M3 = _xavier(ks[9], H, H)
    z = lambda n: jnp.zeros((n,), dtype=jnp.float32)
    return {
        'x': x, 'mesh_pos': mesh_pos, 'mesh_edges': mesh_edges, 'batch_idx': batch_idx, 'b': b,
        'W1': W1, 'b1': z(H), 'W2': W2, 'b2': z(H), 'W3': W3, 'b3': z(H),
        'M1': M1, 'mb1': z(2 * H), 'M2': M2, 'mb2': z(H), 'M3': M3, 'mb3': z(H),
    }


def reference(x, mesh_pos, mesh_edges, batch_idx, b, W1, b1, W2, b2, W3, b3, M1, mb1, M2, mb2, M3, mb3):
    gelu = lambda t: jax.nn.gelu(t, approximate=False)  # torch nn.GELU default = exact erf
    # input_proj
    h = gelu(x @ W1 + b1)
    h = gelu(h @ W2 + b2)
    h = h @ W3 + b3
    # pos_embed: gaussian sincos
    proj = 2.0 * jnp.pi * (mesh_pos @ b.T)
    h = h + jnp.concatenate([jnp.cos(proj), jnp.sin(proj)], axis=-1)
    # message passing: gather src/dst, MLP, segment-mean onto dst supernodes
    dst_idx = mesh_edges[:, 0]
    src_idx = mesh_edges[:, 1]
    m = jnp.concatenate([h[src_idx], h[dst_idx]], axis=1)
    m = gelu(m @ M1 + mb1)
    m = gelu(m @ M2 + mb2)
    m = m @ M3 + mb3
    num_seg = mesh_edges.shape[0] // DEG  # edges sorted by dst covering 0..S-1 -> segment_csr == segment mean by dst
    seg_sum = jax.ops.segment_sum(m, dst_idx, num_segments=num_seg)
    counts = jax.ops.segment_sum(jnp.ones((m.shape[0],), jnp.float32), dst_idx, num_segments=num_seg)
    pooled = seg_sum / counts[:, None]
    batch_size = 1
    pooled = pooled + (jnp.max(batch_idx) + 1 - batch_size).astype(pooled.dtype)
    return pooled.reshape(batch_size, num_seg // batch_size, pooled.shape[-1])

if __name__ == "__main__":
    import jax
    _d = setup_inputs()
    print(jax.jit(kernel)(*tuple(_d.values())))

</pallas_src>

<mosaic_0001>
#map = affine_map<(d0, d1) -> (0, 0)>
#map1 = affine_map<(d0, d1) -> (0, 0, 0)>
module attributes {stable_mosaic.version = 14 : i64} {
  func.func @gather_kernel(%arg0: i32, %arg1: i32, %arg2: memref<50000x128xf32, #tpu.memory_space<hbm>>, %arg3: memref<32x16x128xi32, #tpu.memory_space<hbm>>, %arg4: memref<65536x128xf32, #tpu.memory_space<hbm>>, %arg5: memref<16x128xi32, #tpu.memory_space<vmem>>, %arg6: memref<2x128x128xf32, #tpu.memory_space<vmem>>, %arg7: memref<!tpu.dma_semaphore, #tpu.memory_space<semaphore_mem>>, %arg8: memref<!tpu.dma_semaphore, #tpu.memory_space<semaphore_mem>>) attributes {dimension_semantics = [#tpu.dimension_semantics<core_parallel>, #tpu.dimension_semantics<subcore_parallel>], iteration_bounds = array<i64: 2, 16>, scalar_prefetch = 0 : i64, scratch_operands = 4 : i64, tpu.core_type = #tpu.core_type<sc_vector_subcore>, window_params = [{transform_indices = #map}, {transform_indices = #map1}, {transform_indices = #map}]} {
    %mul3A = arith.constant 2 : i32
    %mul3A_0 = arith.muli %arg1, %mul3A : i32
    %add3A = arith.addi %mul3A_0, %arg0 : i32
    %mul3A_1 = arith.constant 2048 : i32
    %mul3A_2 = arith.muli %add3A, %mul3A_1 : i32
    "tpu.region"() ({
      %run_scoped3A = tpu.sem_alloc : memref<!tpu.dma_semaphore, #tpu.memory_space<semaphore_mem>>
      %dma_start3A_19 = arith.constant 0 : i32
      %dma_start3A_20 = arith.constant 0 : i32
      %dma_start3A_21 = tpu.memref_slice %arg3[%add3A, %dma_start3A_19, %dma_start3A_20] : memref<32x16x128xi32, #tpu.memory_space<hbm>> -> memref<1x16x128xi32, #tpu.memory_space<hbm>>
      %dma_start3A_22 = tpu.memref_squeeze %dma_start3A_21 : memref<1x16x128xi32, #tpu.memory_space<hbm>> -> memref<16x128xi32, #tpu.memory_space<hbm>>
      %dma_start3A_23 = arith.constant 0 : i32
      %dma_start3A_24 = arith.constant 0 : i32
      %dma_start3A_25 = tpu.memref_slice %arg3[%add3A, %dma_start3A_23, %dma_start3A_24] : memref<32x16x128xi32, #tpu.memory_space<hbm>> -> memref<1x16x128xi32, #tpu.memory_space<hbm>>
      %dma_start3A_26 = tpu.memref_squeeze %dma_start3A_25 : memref<1x16x128xi32, #tpu.memory_space<hbm>> -> memref<16x128xi32, #tpu.memory_space<hbm>>
      tpu.enqueue_dma source(%dma_start3A_26 : memref<16x128xi32, #tpu.memory_space<hbm>>) target(%arg5 : memref<16x128xi32, #tpu.memory_space<vmem>>) target_semaphore(%run_scoped3A : memref<!tpu.dma_semaphore, #tpu.memory_space<semaphore_mem>>)
      %dma_wait3A = arith.constant 0 : i32
      %dma_wait3A_27 = arith.constant 0 : i32
      %dma_wait3A_28 = tpu.memref_slice %arg3[%add3A, %dma_wait3A, %dma_wait3A_27] : memref<32x16x128xi32, #tpu.memory_space<hbm>> -> memref<1x16x128xi32, #tpu.memory_space<hbm>>
      %dma_wait3A_29 = tpu.memref_squeeze %dma_wait3A_28 : memref<1x16x128xi32, #tpu.memory_space<hbm>> -> memref<16x128xi32, #tpu.memory_space<hbm>>
      %dma_wait3A_30 = arith.constant 0 : i32
      %dma_wait3A_31 = arith.constant 0 : i32
      %dma_wait3A_32 = tpu.memref_slice %arg3[%add3A, %dma_wait3A_30, %dma_wait3A_31] : memref<32x16x128xi32, #tpu.memory_space<hbm>> -> memref<1x16x128xi32, #tpu.memory_space<hbm>>
      %dma_wait3A_33 = tpu.memref_squeeze %dma_wait3A_32 : memref<1x16x128xi32, #tpu.memory_space<hbm>> -> memref<16x128xi32, #tpu.memory_space<hbm>>
      tpu.wait_dma2 semaphore(%run_scoped3A : memref<!tpu.dma_semaphore, #tpu.memory_space<semaphore_mem>>) src(%dma_wait3A_33 : memref<16x128xi32, #tpu.memory_space<hbm>>) dst(%arg5 : memref<16x128xi32, #tpu.memory_space<vmem>>)
      tpu.yield
    }) : () -> ()
    %dma_start3A = arith.constant 0 : i32
    %dma_start3A_3 = arith.constant 0 : i32
    %dma_start3A_4 = arith.constant 0 : i32
    %dma_start3A_5 = arith.constant 0 : i32
    %dma_start3A_6 = tpu.memref_slice %arg6[%dma_start3A_3, %dma_start3A_4, %dma_start3A_5] : memref<2x128x128xf32, #tpu.memory_space<vmem>> -> memref<1x128x128xf32, #tpu.memory_space<vmem>>
    %dma_start3A_7 = tpu.memref_squeeze %dma_start3A_6 : memref<1x128x128xf32, #tpu.memory_space<vmem>> -> memref<128x128xf32, #tpu.memory_space<vmem>>
    %dma_start3A_8 = arith.constant 0 : i32
    %dma_start3A_9 = tpu.memref_slice %arg5[%dma_start3A, %dma_start3A_8] : memref<16x128xi32, #tpu.memory_space<vmem>> -> memref<1x128xi32, #tpu.memory_space<vmem>>
    %dma_start3A_10 = tpu.memref_squeeze %dma_start3A_9 : memref<1x128xi32, #tpu.memory_space<vmem>> -> memref<128xi32, #tpu.memory_space<vmem>>
    %dma_start3A_11 = arith.constant 0 : i32
    %dma_start3A_12 = arith.constant 0 : i32
    %dma_start3A_13 = tpu.memref_slice %arg2[%dma_start3A_11, %dma_start3A_12] : memref<50000x128xf32, #tpu.memory_space<hbm>> -> memref<50000x128xf32, #tpu.memory_space<hbm>>
    tpu.enqueue_indirect_dma source(%dma_start3A_13 : memref<50000x128xf32, #tpu.memory_space<hbm>>) target(%dma_start3A_7 : memref<128x128xf32, #tpu.memory_space<vmem>>) offsets(%dma_start3A_10 : memref<128xi32, #tpu.memory_space<vmem>>) semaphore(%arg7 : memref<!tpu.dma_semaphore, #tpu.memory_space<semaphore_mem>>)
    %scan3A = arith.constant 0 : i32
    %scan3A_14 = arith.constant 0 : i32
    %scan3A_15 = arith.constant 8 : i32
    %scan3A_16 = arith.addi %scan3A_14, %scan3A_15 : i32
    %scan3A_17 = arith.constant 1 : i32
    scf.for %scan3A_19 = %scan3A_14 to %scan3A_16 step %scan3A_17  : i32 {
      %mul3A_20 = arith.constant 2 : i32
      %mul3A_21 = arith.muli %mul3A_20, %scan3A_19 : i32
      %add3A_22 = arith.constant 1 : i32
      %add3A_23 = arith.addi %mul3A_21, %add3A_22 : i32
      %dma_start3A_24 = arith.constant 1 : i32
      %dma_start3A_25 = arith.constant 0 : i32
      %dma_start3A_26 = arith.constant 0 : i32
      %dma_start3A_27 = tpu.memref_slice %arg6[%dma_start3A_24, %dma_start3A_25, %dma_start3A_26] : memref<2x128x128xf32, #tpu.memory_space<vmem>> -> memref<1x128x128xf32, #tpu.memory_space<vmem>>
      %dma_start3A_28 = tpu.memref_squeeze %dma_start3A_27 : memref<1x128x128xf32, #tpu.memory_space<vmem>> -> memref<128x128xf32, #tpu.memory_space<vmem>>
      %dma_start3A_29 = arith.constant 0 : i32
      %dma_start3A_30 = tpu.memref_slice %arg5[%add3A_23, %dma_start3A_29] : memref<16x128xi32, #tpu.memory_space<vmem>> -> memref<1x128xi32, #tpu.memory_space<vmem>>
      %dma_start3A_31 = tpu.memref_squeeze %dma_start3A_30 : memref<1x128xi32, #tpu.memory_space<vmem>> -> memref<128xi32, #tpu.memory_space<vmem>>
      %dma_start3A_32 = arith.constant 0 : i32
      %dma_start3A_33 = arith.constant 0 : i32
      %dma_start3A_34 = tpu.memref_slice %arg2[%dma_start3A_32, %dma_start3A_33] : memref<50000x128xf32, #tpu.memory_space<hbm>> -> memref<50000x128xf32, #tpu.memory_space<hbm>>
      tpu.enqueue_indirect_dma source(%dma_start3A_34 : memref<50000x128xf32, #tpu.memory_space<hbm>>) target(%dma_start3A_28 : memref<128x128xf32, #tpu.memory_space<vmem>>) offsets(%dma_start3A_31 : memref<128xi32, #tpu.memory_space<vmem>>) semaphore(%arg8 : memref<!tpu.dma_semaphore, #tpu.memory_space<semaphore_mem>>)
      %dma_wait3A = arith.constant 0 : i32
      %dma_wait3A_35 = arith.constant 0 : i32
      %dma_wait3A_36 = arith.constant 0 : i32
      %dma_wait3A_37 = tpu.memref_slice %arg6[%dma_wait3A, %dma_wait3A_35, %dma_wait3A_36] : memref<2x128x128xf32, #tpu.memory_space<vmem>> -> memref<1x128x128xf32, #tpu.memory_space<vmem>>
      %dma_wait3A_38 = tpu.memref_squeeze %dma_wait3A_37 : memref<1x128x128xf32, #tpu.memory_space<vmem>> -> memref<128x128xf32, #tpu.memory_space<vmem>>
      %dma_wait3A_39 = arith.constant 0 : i32
      %dma_wait3A_40 = tpu.memref_slice %arg5[%mul3A_21, %dma_wait3A_39] : memref<16x128xi32, #tpu.memory_space<vmem>> -> memref<1x128xi32, #tpu.memory_space<vmem>>
      %dma_wait3A_41 = tpu.memref_squeeze %dma_wait3A_40 : memref<1x128xi32, #tpu.memory_space<vmem>> -> memref<128xi32, #tpu.memory_space<vmem>>
      %dma_wait3A_42 = arith.constant 0 : i32
      %dma_wait3A_43 = arith.constant 0 : i32
      %dma_wait3A_44 = tpu.memref_slice %arg2[%dma_wait3A_42, %dma_wait3A_43] : memref<50000x128xf32, #tpu.memory_space<hbm>> -> memref<50000x128xf32, #tpu.memory_space<hbm>>
      tpu.wait_indirect_dma semaphore(%arg7 : memref<!tpu.dma_semaphore, #tpu.memory_space<semaphore_mem>>) src(%dma_wait3A_44 : memref<50000x128xf32, #tpu.memory_space<hbm>>) dst(%dma_wait3A_38 : memref<128x128xf32, #tpu.memory_space<vmem>>)
      %mul3A_45 = arith.constant 128 : i32
      %mul3A_46 = arith.muli %mul3A_21, %mul3A_45 : i32
      %add3A_47 = arith.addi %mul3A_2, %mul3A_46 : i32
      %run_scoped3A = arith.constant 0 : i32
      "tpu.region"() ({
        %run_scoped3A_71 = tpu.sem_alloc : memref<!tpu.dma_semaphore, #tpu.memory_space<semaphore_mem>>
        %dma_start3A_72 = arith.constant 0 : i32
        %dma_start3A_73 = arith.constant 0 : i32
        %dma_start3A_74 = tpu.memref_slice %arg6[%run_scoped3A, %dma_start3A_72, %dma_start3A_73] : memref<2x128x128xf32, #tpu.memory_space<vmem>> -> memref<1x128x128xf32, #tpu.memory_space<vmem>>
        %dma_start3A_75 = tpu.memref_squeeze %dma_start3A_74 : memref<1x128x128xf32, #tpu.memory_space<vmem>> -> memref<128x128xf32, #tpu.memory_space<vmem>>
        %dma_start3A_76 = arith.constant 0 : i32
        %dma_start3A_77 = tpu.memref_slice %arg4[%add3A_47, %dma_start3A_76] : memref<65536x128xf32, #tpu.memory_space<hbm>> -> memref<128x128xf32, #tpu.memory_space<hbm>>
        %dma_start3A_78 = arith.constant 0 : i32
        %dma_start3A_79 = tpu.memref_slice %arg4[%add3A_47, %dma_start3A_78] : memref<65536x128xf32, #tpu.memory_space<hbm>> -> memref<128x128xf32, #tpu.memory_space<hbm>>
        %dma_start3A_80 = arith.constant 0 : i32
        %dma_start3A_81 = arith.constant 0 : i32
        %dma_start3A_82 = tpu.memref_slice %arg6[%run_scoped3A, %dma_start3A_80, %dma_start3A_81] : memref<2x128x128xf32, #tpu.memory_space<vmem>> -> memref<1x128x128xf32, #tpu.memory_space<vmem>>
        %dma_start3A_83 = tpu.memref_squeeze %dma_start3A_82 : memref<1x128x128xf32, #tpu.memory_space<vmem>> -> memref<128x128xf32, #tpu.memory_space<vmem>>
        tpu.enqueue_dma source(%dma_start3A_83 : memref<128x128xf32, #tpu.memory_space<vmem>>) target(%dma_start3A_79 : memref<128x128xf32, #tpu.memory_space<hbm>>) target_semaphore(%run_scoped3A_71 : memref<!tpu.dma_semaphore, #tpu.memory_space<semaphore_mem>>)
        %dma_wait3A_84 = arith.constant 0 : i32
        %dma_wait3A_85 = arith.constant 0 : i32
        %dma_wait3A_86 = tpu.memref_slice %arg6[%run_scoped3A, %dma_wait3A_84, %dma_wait3A_85] : memref<2x128x128xf32, #tpu.memory_space<vmem>> -> memref<1x128x128xf32, #tpu.memory_space<vmem>>
        %dma_wait3A_87 = tpu.memref_squeeze %dma_wait3A_86 : memref<1x128x128xf32, #tpu.memory_space<vmem>> -> memref<128x128xf32, #tpu.memory_space<vmem>>
        %dma_wait3A_88 = arith.constant 0 : i32
        %dma_wait3A_89 = tpu.memref_slice %arg4[%add3A_47, %dma_wait3A_88] : memref<65536x128xf32, #tpu.memory_space<hbm>> -> memref<128x128xf32, #tpu.memory_space<hbm>>
        %dma_wait3A_90 = arith.constant 0 : i32
        %dma_wait3A_91 = tpu.memref_slice %arg4[%add3A_47, %dma_wait3A_90] : memref<65536x128xf32, #tpu.memory_space<hbm>> -> memref<128x128xf32, #tpu.memory_space<hbm>>
        %dma_wait3A_92 = arith.constant 0 : i32
        %dma_wait3A_93 = arith.constant 0 : i32
        %dma_wait3A_94 = tpu.memref_slice %arg6[%run_scoped3A, %dma_wait3A_92, %dma_wait3A_93] : memref<2x128x128xf32, #tpu.memory_space<vmem>> -> memref<1x128x128xf32, #tpu.memory_space<vmem>>
        %dma_wait3A_95 = tpu.memref_squeeze %dma_wait3A_94 : memref<1x128x128xf32, #tpu.memory_space<vmem>> -> memref<128x128xf32, #tpu.memory_space<vmem>>
        tpu.wait_dma2 semaphore(%run_scoped3A_71 : memref<!tpu.dma_semaphore, #tpu.memory_space<semaphore_mem>>) src(%dma_wait3A_95 : memref<128x128xf32, #tpu.memory_space<vmem>>) dst(%dma_wait3A_91 : memref<128x128xf32, #tpu.memory_space<hbm>>)
        tpu.yield
      }) : () -> ()
      %add3A_48 = arith.constant 1 : i32
      %add3A_49 = arith.addi %scan3A_19, %add3A_48 : i32
      %lt3A = arith.constant 8 : i32
      %lt3A_50 = arith.cmpi slt, %add3A_49, %lt3A : i32
      %convert_element_type3A = arith.extui %lt3A_50 : i1 to i32
      %cond3A = arith.constant 0 : i32
      %cond3A_51 = arith.cmpi ne, %convert_element_type3A, %cond3A : i32
      scf.if %cond3A_51 {
        %add3A_71 = arith.constant 2 : i32
        %add3A_72 = arith.addi %mul3A_21, %add3A_71 : i32
        %dma_start3A_73 = arith.constant 0 : i32
        %dma_start3A_74 = arith.constant 0 : i32
        %dma_start3A_75 = arith.constant 0 : i32
        %dma_start3A_76 = tpu.memref_slice %arg6[%dma_start3A_73, %dma_start3A_74, %dma_start3A_75] : memref<2x128x128xf32, #tpu.memory_space<vmem>> -> memref<1x128x128xf32, #tpu.memory_space<vmem>>
        %dma_start3A_77 = tpu.memref_squeeze %dma_start3A_76 : memref<1x128x128xf32, #tpu.memory_space<vmem>> -> memref<128x128xf32, #tpu.memory_space<vmem>>
        %dma_start3A_78 = arith.constant 0 : i32
        %dma_start3A_79 = tpu.memref_slice %arg5[%add3A_72, %dma_start3A_78] : memref<16x128xi32, #tpu.memory_space<vmem>> -> memref<1x128xi32, #tpu.memory_space<vmem>>
        %dma_start3A_80 = tpu.memref_squeeze %dma_start3A_79 : memref<1x128xi32, #tpu.memory_space<vmem>> -> memref<128xi32, #tpu.memory_space<vmem>>
        %dma_start3A_81 = arith.constant 0 : i32
        %dma_start3A_82 = arith.constant 0 : i32
        %dma_start3A_83 = tpu.memref_slice %arg2[%dma_start3A_81, %dma_start3A_82] : memref<50000x128xf32, #tpu.memory_space<hbm>> -> memref<50000x128xf32, #tpu.memory_space<hbm>>
        tpu.enqueue_indirect_dma source(%dma_start3A_83 : memref<50000x128xf32, #tpu.memory_space<hbm>>) target(%dma_start3A_77 : memref<128x128xf32, #tpu.memory_space<vmem>>) offsets(%dma_start3A_80 : memref<128xi32, #tpu.memory_space<vmem>>) semaphore(%arg7 : memref<!tpu.dma_semaphore, #tpu.memory_space<semaphore_mem>>)
      } else {
      }
      %add3A_52 = arith.constant 1 : i32
      %add3A_53 = arith.addi %mul3A_21, %add3A_52 : i32
      %dma_wait3A_54 = arith.constant 1 : i32
      %dma_wait3A_55 = arith.constant 0 : i32
      %dma_wait3A_56 = arith.constant 0 : i32
      %dma_wait3A_57 = tpu.memref_slice %arg6[%dma_wait3A_54, %dma_wait3A_55, %dma_wait3A_56] : memref<2x128x128xf32, #tpu.memory_space<vmem>> -> memref<1x128x128xf32, #tpu.memory_space<vmem>>
      %dma_wait3A_58 = tpu.memref_squeeze %dma_wait3A_57 : memref<1x128x128xf32, #tpu.memory_space<vmem>> -> memref<128x128xf32, #tpu.memory_space<vmem>>
      %dma_wait3A_59 = arith.constant 0 : i32
      %dma_wait3A_60 = tpu.memref_slice %arg5[%add3A_53, %dma_wait3A_59] : memref<16x128xi32, #tpu.memory_space<vmem>> -> memref<1x128xi32, #tpu.memory_space<vmem>>
      %dma_wait3A_61 = tpu.memref_squeeze %dma_wait3A_60 : memref<1x128xi32, #tpu.memory_space<vmem>> -> memref<128xi32, #tpu.memory_space<vmem>>
      %dma_wait3A_62 = arith.constant 0 : i32
      %dma_wait3A_63 = arith.constant 0 : i32
      %dma_wait3A_64 = tpu.memref_slice %arg2[%dma_wait3A_62, %dma_wait3A_63] : memref<50000x128xf32, #tpu.memory_space<hbm>> -> memref<50000x128xf32, #tpu.memory_space<hbm>>
      tpu.wait_indirect_dma semaphore(%arg8 : memref<!tpu.dma_semaphore, #tpu.memory_space<semaphore_mem>>) src(%dma_wait3A_64 : memref<50000x128xf32, #tpu.memory_space<hbm>>) dst(%dma_wait3A_58 : memref<128x128xf32, #tpu.memory_space<vmem>>)
      %add3A_65 = arith.constant 1 : i32
      %add3A_66 = arith.addi %mul3A_21, %add3A_65 : i32
      %mul3A_67 = arith.constant 128 : i32
      %mul3A_68 = arith.muli %add3A_66, %mul3A_67 : i32
      %add3A_69 = arith.addi %mul3A_2, %mul3A_68 : i32
      %run_scoped3A_70 = arith.constant 1 : i32
      "tpu.region"() ({
        %run_scoped3A_71 = tpu.sem_alloc : memref<!tpu.dma_semaphore, #tpu.memory_space<semaphore_mem>>
        %dma_start3A_72 = arith.constant 0 : i32
        %dma_start3A_73 = arith.constant 0 : i32
        %dma_start3A_74 = tpu.memref_slice %arg6[%run_scoped3A_70, %dma_start3A_72, %dma_start3A_73] : memref<2x128x128xf32, #tpu.memory_space<vmem>> -> memref<1x128x128xf32, #tpu.memory_space<vmem>>
        %dma_start3A_75 = tpu.memref_squeeze %dma_start3A_74 : memref<1x128x128xf32, #tpu.memory_space<vmem>> -> memref<128x128xf32, #tpu.memory_space<vmem>>
        %dma_start3A_76 = arith.constant 0 : i32
        %dma_start3A_77 = tpu.memref_slice %arg4[%add3A_69, %dma_start3A_76] : memref<65536x128xf32, #tpu.memory_space<hbm>> -> memref<128x128xf32, #tpu.memory_space<hbm>>
        %dma_start3A_78 = arith.constant 0 : i32
        %dma_start3A_79 = tpu.memref_slice %arg4[%add3A_69, %dma_start3A_78] : memref<65536x128xf32, #tpu.memory_space<hbm>> -> memref<128x128xf32, #tpu.memory_space<hbm>>
        %dma_start3A_80 = arith.constant 0 : i32
        %dma_start3A_81 = arith.constant 0 : i32
        %dma_start3A_82 = tpu.memref_slice %arg6[%run_scoped3A_70, %dma_start3A_80, %dma_start3A_81] : memref<2x128x128xf32, #tpu.memory_space<vmem>> -> memref<1x128x128xf32, #tpu.memory_space<vmem>>
        %dma_start3A_83 = tpu.memref_squeeze %dma_start3A_82 : memref<1x128x128xf32, #tpu.memory_space<vmem>> -> memref<128x128xf32, #tpu.memory_space<vmem>>
        tpu.enqueue_dma source(%dma_start3A_83 : memref<128x128xf32, #tpu.memory_space<vmem>>) target(%dma_start3A_79 : memref<128x128xf32, #tpu.memory_space<hbm>>) target_semaphore(%run_scoped3A_71 : memref<!tpu.dma_semaphore, #tpu.memory_space<semaphore_mem>>)
        %dma_wait3A_84 = arith.constant 0 : i32
        %dma_wait3A_85 = arith.constant 0 : i32
        %dma_wait3A_86 = tpu.memref_slice %arg6[%run_scoped3A_70, %dma_wait3A_84, %dma_wait3A_85] : memref<2x128x128xf32, #tpu.memory_space<vmem>> -> memref<1x128x128xf32, #tpu.memory_space<vmem>>
        %dma_wait3A_87 = tpu.memref_squeeze %dma_wait3A_86 : memref<1x128x128xf32, #tpu.memory_space<vmem>> -> memref<128x128xf32, #tpu.memory_space<vmem>>
        %dma_wait3A_88 = arith.constant 0 : i32
        %dma_wait3A_89 = tpu.memref_slice %arg4[%add3A_69, %dma_wait3A_88] : memref<65536x128xf32, #tpu.memory_space<hbm>> -> memref<128x128xf32, #tpu.memory_space<hbm>>
        %dma_wait3A_90 = arith.constant 0 : i32
        %dma_wait3A_91 = tpu.memref_slice %arg4[%add3A_69, %dma_wait3A_90] : memref<65536x128xf32, #tpu.memory_space<hbm>> -> memref<128x128xf32, #tpu.memory_space<hbm>>
        %dma_wait3A_92 = arith.constant 0 : i32
        %dma_wait3A_93 = arith.constant 0 : i32
        %dma_wait3A_94 = tpu.memref_slice %arg6[%run_scoped3A_70, %dma_wait3A_92, %dma_wait3A_93] : memref<2x128x128xf32, #tpu.memory_space<vmem>> -> memref<1x128x128xf32, #tpu.memory_space<vmem>>
        %dma_wait3A_95 = tpu.memref_squeeze %dma_wait3A_94 : memref<1x128x128xf32, #tpu.memory_space<vmem>> -> memref<128x128xf32, #tpu.memory_space<vmem>>
        tpu.wait_dma2 semaphore(%run_scoped3A_71 : memref<!tpu.dma_semaphore, #tpu.memory_space<semaphore_mem>>) src(%dma_wait3A_95 : memref<128x128xf32, #tpu.memory_space<vmem>>) dst(%dma_wait3A_91 : memref<128x128xf32, #tpu.memory_space<hbm>>)
        tpu.yield
      }) : () -> ()
    }
    %scan3A_18 = arith.constant 8 : i32
    return
  }
}

#map = affine_map<(d0, d1) -> (0, 0)>
#map1 = affine_map<(d0, d1) -> (0, 0, 0)>
module attributes {stable_mosaic.version = 14 : i64} {
  func.func @gather_kernel(%arg0: i32, %arg1: i32, %arg2: memref<50000x128xf32, #tpu.memory_space<hbm>>, %arg3: memref<32x16x128xi32, #tpu.memory_space<hbm>>, %arg4: memref<65536x128xf32, #tpu.memory_space<hbm>>, %arg5: memref<16x128xi32, #tpu.memory_space<vmem>>, %arg6: memref<2x128x128xf32, #tpu.memory_space<vmem>>, %arg7: memref<!tpu.dma_semaphore, #tpu.memory_space<semaphore_mem>>, %arg8: memref<!tpu.dma_semaphore, #tpu.memory_space<semaphore_mem>>) attributes {dimension_semantics = [#tpu.dimension_semantics<core_parallel>, #tpu.dimension_semantics<subcore_parallel>], iteration_bounds = array<i64: 2, 16>, scalar_prefetch = 0 : i64, scratch_operands = 4 : i64, tpu.core_type = #tpu.core_type<sc_vector_subcore>, window_params = [{transform_indices = #map}, {transform_indices = #map1}, {transform_indices = #map}]} {
    %mul3A = arith.constant 2 : i32
    %mul3A_0 = arith.muli %arg1, %mul3A : i32
    %add3A = arith.addi %mul3A_0, %arg0 : i32
    %mul3A_1 = arith.constant 2048 : i32
    %mul3A_2 = arith.muli %add3A, %mul3A_1 : i32
    "tpu.region"() ({
      %run_scoped3A = tpu.sem_alloc : memref<!tpu.dma_semaphore, #tpu.memory_space<semaphore_mem>>
      %dma_start3A_19 = arith.constant 0 : i32
      %dma_start3A_20 = arith.constant 0 : i32
      %dma_start3A_21 = tpu.memref_slice %arg3[%add3A, %dma_start3A_19, %dma_start3A_20] : memref<32x16x128xi32, #tpu.memory_space<hbm>> -> memref<1x16x128xi32, #tpu.memory_space<hbm>>
      %dma_start3A_22 = tpu.memref_squeeze %dma_start3A_21 : memref<1x16x128xi32, #tpu.memory_space<hbm>> -> memref<16x128xi32, #tpu.memory_space<hbm>>
      %dma_start3A_23 = arith.constant 0 : i32
      %dma_start3A_24 = arith.constant 0 : i32
      %dma_start3A_25 = tpu.memref_slice %arg3[%add3A, %dma_start3A_23, %dma_start3A_24] : memref<32x16x128xi32, #tpu.memory_space<hbm>> -> memref<1x16x128xi32, #tpu.memory_space<hbm>>
      %dma_start3A_26 = tpu.memref_squeeze %dma_start3A_25 : memref<1x16x128xi32, #tpu.memory_space<hbm>> -> memref<16x128xi32, #tpu.memory_space<hbm>>
      tpu.enqueue_dma source(%dma_start3A_26 : memref<16x128xi32, #tpu.memory_space<hbm>>) target(%arg5 : memref<16x128xi32, #tpu.memory_space<vmem>>) target_semaphore(%run_scoped3A : memref<!tpu.dma_semaphore, #tpu.memory_space<semaphore_mem>>)
      %dma_wait3A = arith.constant 0 : i32
      %dma_wait3A_27 = arith.constant 0 : i32
      %dma_wait3A_28 = tpu.memref_slice %arg3[%add3A, %dma_wait3A, %dma_wait3A_27] : memref<32x16x128xi32, #tpu.memory_space<hbm>> -> memref<1x16x128xi32, #tpu.memory_space<hbm>>
      %dma_wait3A_29 = tpu.memref_squeeze %dma_wait3A_28 : memref<1x16x128xi32, #tpu.memory_space<hbm>> -> memref<16x128xi32, #tpu.memory_space<hbm>>
      %dma_wait3A_30 = arith.constant 0 : i32
      %dma_wait3A_31 = arith.constant 0 : i32
      %dma_wait3A_32 = tpu.memref_slice %arg3[%add3A, %dma_wait3A_30, %dma_wait3A_31] : memref<32x16x128xi32, #tpu.memory_space<hbm>> -> memref<1x16x128xi32, #tpu.memory_space<hbm>>
      %dma_wait3A_33 = tpu.memref_squeeze %dma_wait3A_32 : memref<1x16x128xi32, #tpu.memory_space<hbm>> -> memref<16x128xi32, #tpu.memory_space<hbm>>
      tpu.wait_dma2 semaphore(%run_scoped3A : memref<!tpu.dma_semaphore, #tpu.memory_space<semaphore_mem>>) src(%dma_wait3A_33 : memref<16x128xi32, #tpu.memory_space<hbm>>) dst(%arg5 : memref<16x128xi32, #tpu.memory_space<vmem>>)
      tpu.yield
    }) : () -> ()
    %dma_start3A = arith.constant 0 : i32
    %dma_start3A_3 = arith.constant 0 : i32
    %dma_start3A_4 = arith.constant 0 : i32
    %dma_start3A_5 = arith.constant 0 : i32
    %dma_start3A_6 = tpu.memref_slice %arg6[%dma_start3A_3, %dma_start3A_4, %dma_start3A_5] : memref<2x128x128xf32, #tpu.memory_space<vmem>> -> memref<1x128x128xf32, #tpu.memory_space<vmem>>
    %dma_start3A_7 = tpu.memref_squeeze %dma_start3A_6 : memref<1x128x128xf32, #tpu.memory_space<vmem>> -> memref<128x128xf32, #tpu.memory_space<vmem>>
    %dma_start3A_8 = arith.constant 0 : i32
    %dma_start3A_9 = tpu.memref_slice %arg5[%dma_start3A, %dma_start3A_8] : memref<16x128xi32, #tpu.memory_space<vmem>> -> memref<1x128xi32, #tpu.memory_space<vmem>>
    %dma_start3A_10 = tpu.memref_squeeze %dma_start3A_9 : memref<1x128xi32, #tpu.memory_space<vmem>> -> memref<128xi32, #tpu.memory_space<vmem>>
    %dma_start3A_11 = arith.constant 0 : i32
    %dma_start3A_12 = arith.constant 0 : i32
    %dma_start3A_13 = tpu.memref_slice %arg2[%dma_start3A_11, %dma_start3A_12] : memref<50000x128xf32, #tpu.memory_space<hbm>> -> memref<50000x128xf32, #tpu.memory_space<hbm>>
    tpu.enqueue_indirect_dma source(%dma_start3A_13 : memref<50000x128xf32, #tpu.memory_space<hbm>>) target(%dma_start3A_7 : memref<128x128xf32, #tpu.memory_space<vmem>>) offsets(%dma_start3A_10 : memref<128xi32, #tpu.memory_space<vmem>>) semaphore(%arg7 : memref<!tpu.dma_semaphore, #tpu.memory_space<semaphore_mem>>)
    %scan3A = arith.constant 0 : i32
    %scan3A_14 = arith.constant 0 : i32
    %scan3A_15 = arith.constant 8 : i32
    %scan3A_16 = arith.addi %scan3A_14, %scan3A_15 : i32
    %scan3A_17 = arith.constant 1 : i32
    scf.for %scan3A_19 = %scan3A_14 to %scan3A_16 step %scan3A_17  : i32 {
      %mul3A_20 = arith.constant 2 : i32
      %mul3A_21 = arith.muli %mul3A_20, %scan3A_19 : i32
      %add3A_22 = arith.constant 1 : i32
      %add3A_23 = arith.addi %mul3A_21, %add3A_22 : i32
      %dma_start3A_24 = arith.constant 1 : i32
      %dma_start3A_25 = arith.constant 0 : i32
      %dma_start3A_26 = arith.constant 0 : i32
      %dma_start3A_27 = tpu.memref_slice %arg6[%dma_start3A_24, %dma_start3A_25, %dma_start3A_26] : memref<2x128x128xf32, #tpu.memory_space<vmem>> -> memref<1x128x128xf32, #tpu.memory_space<vmem>>
      %dma_start3A_28 = tpu.memref_squeeze %dma_start3A_27 : memref<1x128x128xf32, #tpu.memory_space<vmem>> -> memref<128x128xf32, #tpu.memory_space<vmem>>
      %dma_start3A_29 = arith.constant 0 : i32
      %dma_start3A_30 = tpu.memref_slice %arg5[%add3A_23, %dma_start3A_29] : memref<16x128xi32, #tpu.memory_space<vmem>> -> memref<1x128xi32, #tpu.memory_space<vmem>>
      %dma_start3A_31 = tpu.memref_squeeze %dma_start3A_30 : memref<1x128xi32, #tpu.memory_space<vmem>> -> memref<128xi32, #tpu.memory_space<vmem>>
      %dma_start3A_32 = arith.constant 0 : i32
      %dma_start3A_33 = arith.constant 0 : i32
      %dma_start3A_34 = tpu.memref_slice %arg2[%dma_start3A_32, %dma_start3A_33] : memref<50000x128xf32, #tpu.memory_space<hbm>> -> memref<50000x128xf32, #tpu.memory_space<hbm>>
      tpu.enqueue_indirect_dma source(%dma_start3A_34 : memref<50000x128xf32, #tpu.memory_space<hbm>>) target(%dma_start3A_28 : memref<128x128xf32, #tpu.memory_space<vmem>>) offsets(%dma_start3A_31 : memref<128xi32, #tpu.memory_space<vmem>>) semaphore(%arg8 : memref<!tpu.dma_semaphore, #tpu.memory_space<semaphore_mem>>)
      %dma_wait3A = arith.constant 0 : i32
      %dma_wait3A_35 = arith.constant 0 : i32
      %dma_wait3A_36 = arith.constant 0 : i32
      %dma_wait3A_37 = tpu.memref_slice %arg6[%dma_wait3A, %dma_wait3A_35, %dma_wait3A_36] : memref<2x128x128xf32, #tpu.memory_space<vmem>> -> memref<1x128x128xf32, #tpu.memory_space<vmem>>
      %dma_wait3A_38 = tpu.memref_squeeze %dma_wait3A_37 : memref<1x128x128xf32, #tpu.memory_space<vmem>> -> memref<128x128xf32, #tpu.memory_space<vmem>>
      %dma_wait3A_39 = arith.constant 0 : i32
      %dma_wait3A_40 = tpu.memref_slice %arg5[%mul3A_21, %dma_wait3A_39] : memref<16x128xi32, #tpu.memory_space<vmem>> -> memref<1x128xi32, #tpu.memory_space<vmem>>
      %dma_wait3A_41 = tpu.memref_squeeze %dma_wait3A_40 : memref<1x128xi32, #tpu.memory_space<vmem>> -> memref<128xi32, #tpu.memory_space<vmem>>
      %dma_wait3A_42 = arith.constant 0 : i32
      %dma_wait3A_43 = arith.constant 0 : i32
      %dma_wait3A_44 = tpu.memref_slice %arg2[%dma_wait3A_42, %dma_wait3A_43] : memref<50000x128xf32, #tpu.memory_space<hbm>> -> memref<50000x128xf32, #tpu.memory_space<hbm>>
      tpu.wait_indirect_dma semaphore(%arg7 : memref<!tpu.dma_semaphore, #tpu.memory_space<semaphore_mem>>) src(%dma_wait3A_44 : memref<50000x128xf32, #tpu.memory_space<hbm>>) dst(%dma_wait3A_38 : memref<128x128xf32, #tpu.memory_space<vmem>>)
      %mul3A_45 = arith.constant 128 : i32
      %mul3A_46 = arith.muli %mul3A_21, %mul3A_45 : i32
      %add3A_47 = arith.addi %mul3A_2, %mul3A_46 : i32
      %run_scoped3A = arith.constant 0 : i32
      "tpu.region"() ({
        %run_scoped3A_71 = tpu.sem_alloc : memref<!tpu.dma_semaphore, #tpu.memory_space<semaphore_mem>>
        %dma_start3A_72 = arith.constant 0 : i32
        %dma_start3A_73 = arith.constant 0 : i32
        %dma_start3A_74 = tpu.memref_slice %arg6[%run_scoped3A, %dma_start3A_72, %dma_start3A_73] : memref<2x128x128xf32, #tpu.memory_space<vmem>> -> memref<1x128x128xf32, #tpu.memory_space<vmem>>
        %dma_start3A_75 = tpu.memref_squeeze %dma_start3A_74 : memref<1x128x128xf32, #tpu.memory_space<vmem>> -> memref<128x128xf32, #tpu.memory_space<vmem>>
        %dma_start3A_76 = arith.constant 0 : i32
        %dma_start3A_77 = tpu.memref_slice %arg4[%add3A_47, %dma_start3A_76] : memref<65536x128xf32, #tpu.memory_space<hbm>> -> memref<128x128xf32, #tpu.memory_space<hbm>>
        %dma_start3A_78 = arith.constant 0 : i32
        %dma_start3A_79 = tpu.memref_slice %arg4[%add3A_47, %dma_start3A_78] : memref<65536x128xf32, #tpu.memory_space<hbm>> -> memref<128x128xf32, #tpu.memory_space<hbm>>
        %dma_start3A_80 = arith.constant 0 : i32
        %dma_start3A_81 = arith.constant 0 : i32
        %dma_start3A_82 = tpu.memref_slice %arg6[%run_scoped3A, %dma_start3A_80, %dma_start3A_81] : memref<2x128x128xf32, #tpu.memory_space<vmem>> -> memref<1x128x128xf32, #tpu.memory_space<vmem>>
        %dma_start3A_83 = tpu.memref_squeeze %dma_start3A_82 : memref<1x128x128xf32, #tpu.memory_space<vmem>> -> memref<128x128xf32, #tpu.memory_space<vmem>>
        tpu.enqueue_dma source(%dma_start3A_83 : memref<128x128xf32, #tpu.memory_space<vmem>>) target(%dma_start3A_79 : memref<128x128xf32, #tpu.memory_space<hbm>>) target_semaphore(%run_scoped3A_71 : memref<!tpu.dma_semaphore, #tpu.memory_space<semaphore_mem>>)
        %dma_wait3A_84 = arith.constant 0 : i32
        %dma_wait3A_85 = arith.constant 0 : i32
        %dma_wait3A_86 = tpu.memref_slice %arg6[%run_scoped3A, %dma_wait3A_84, %dma_wait3A_85] : memref<2x128x128xf32, #tpu.memory_space<vmem>> -> memref<1x128x128xf32, #tpu.memory_space<vmem>>
        %dma_wait3A_87 = tpu.memref_squeeze %dma_wait3A_86 : memref<1x128x128xf32, #tpu.memory_space<vmem>> -> memref<128x128xf32, #tpu.memory_space<vmem>>
        %dma_wait3A_88 = arith.constant 0 : i32
        %dma_wait3A_89 = tpu.memref_slice %arg4[%add3A_47, %dma_wait3A_88] : memref<65536x128xf32, #tpu.memory_space<hbm>> -> memref<128x128xf32, #tpu.memory_space<hbm>>
        %dma_wait3A_90 = arith.constant 0 : i32
        %dma_wait3A_91 = tpu.memref_slice %arg4[%add3A_47, %dma_wait3A_90] : memref<65536x128xf32, #tpu.memory_space<hbm>> -> memref<128x128xf32, #tpu.memory_space<hbm>>
        %dma_wait3A_92 = arith.constant 0 : i32
        %dma_wait3A_93 = arith.constant 0 : i32
        %dma_wait3A_94 = tpu.memref_slice %arg6[%run_scoped3A, %dma_wait3A_92, %dma_wait3A_93] : memref<2x128x128xf32, #tpu.memory_space<vmem>> -> memref<1x128x128xf32, #tpu.memory_space<vmem>>
        %dma_wait3A_95 = tpu.memref_squeeze %dma_wait3A_94 : memref<1x128x128xf32, #tpu.memory_space<vmem>> -> memref<128x128xf32, #tpu.memory_space<vmem>>
        tpu.wait_dma2 semaphore(%run_scoped3A_71 : memref<!tpu.dma_semaphore, #tpu.memory_space<semaphore_mem>>) src(%dma_wait3A_95 : memref<128x128xf32, #tpu.memory_space<vmem>>) dst(%dma_wait3A_91 : memref<128x128xf32, #tpu.memory_space<hbm>>)
        tpu.yield
      }) : () -> ()
      %add3A_48 = arith.constant 1 : i32
      %add3A_49 = arith.addi %scan3A_19, %add3A_48 : i32
      %lt3A = arith.constant 8 : i32
      %lt3A_50 = arith.cmpi slt, %add3A_49, %lt3A : i32
      %convert_element_type3A = arith.extui %lt3A_50 : i1 to i32
      %cond3A = arith.constant 0 : i32
      %cond3A_51 = arith.cmpi ne, %convert_element_type3A, %cond3A : i32
      scf.if %cond3A_51 {
        %add3A_71 = arith.constant 2 : i32
        %add3A_72 = arith.addi %mul3A_21, %add3A_71 : i32
        %dma_start3A_73 = arith.constant 0 : i32
        %dma_start3A_74 = arith.constant 0 : i32
        %dma_start3A_75 = arith.constant 0 : i32
        %dma_start3A_76 = tpu.memref_slice %arg6[%dma_start3A_73, %dma_start3A_74, %dma_start3A_75] : memref<2x128x128xf32, #tpu.memory_space<vmem>> -> memref<1x128x128xf32, #tpu.memory_space<vmem>>
        %dma_start3A_77 = tpu.memref_squeeze %dma_start3A_76 : memref<1x128x128xf32, #tpu.memory_space<vmem>> -> memref<128x128xf32, #tpu.memory_space<vmem>>
        %dma_start3A_78 = arith.constant 0 : i32
        %dma_start3A_79 = tpu.memref_slice %arg5[%add3A_72, %dma_start3A_78] : memref<16x128xi32, #tpu.memory_space<vmem>> -> memref<1x128xi32, #tpu.memory_space<vmem>>
        %dma_start3A_80 = tpu.memref_squeeze %dma_start3A_79 : memref<1x128xi32, #tpu.memory_space<vmem>> -> memref<128xi32, #tpu.memory_space<vmem>>
        %dma_start3A_81 = arith.constant 0 : i32
        %dma_start3A_82 = arith.constant 0 : i32
        %dma_start3A_83 = tpu.memref_slice %arg2[%dma_start3A_81, %dma_start3A_82] : memref<50000x128xf32, #tpu.memory_space<hbm>> -> memref<50000x128xf32, #tpu.memory_space<hbm>>
        tpu.enqueue_indirect_dma source(%dma_start3A_83 : memref<50000x128xf32, #tpu.memory_space<hbm>>) target(%dma_start3A_77 : memref<128x128xf32, #tpu.memory_space<vmem>>) offsets(%dma_start3A_80 : memref<128xi32, #tpu.memory_space<vmem>>) semaphore(%arg7 : memref<!tpu.dma_semaphore, #tpu.memory_space<semaphore_mem>>)
      } else {
      }
      %add3A_52 = arith.constant 1 : i32
      %add3A_53 = arith.addi %mul3A_21, %add3A_52 : i32
      %dma_wait3A_54 = arith.constant 1 : i32
      %dma_wait3A_55 = arith.constant 0 : i32
      %dma_wait3A_56 = arith.constant 0 : i32
      %dma_wait3A_57 = tpu.memref_slice %arg6[%dma_wait3A_54, %dma_wait3A_55, %dma_wait3A_56] : memref<2x128x128xf32, #tpu.memory_space<vmem>> -> memref<1x128x128xf32, #tpu.memory_space<vmem>>
      %dma_wait3A_58 = tpu.memref_squeeze %dma_wait3A_57 : memref<1x128x128xf32, #tpu.memory_space<vmem>> -> memref<128x128xf32, #tpu.memory_space<vmem>>
      %dma_wait3A_59 = arith.constant 0 : i32
      %dma_wait3A_60 = tpu.memref_slice %arg5[%add3A_53, %dma_wait3A_59] : memref<16x128xi32, #tpu.memory_space<vmem>> -> memref<1x128xi32, #tpu.memory_space<vmem>>
      %dma_wait3A_61 = tpu.memref_squeeze %dma_wait3A_60 : memref<1x128xi32, #tpu.memory_space<vmem>> -> memref<128xi32, #tpu.memory_space<vmem>>
      %dma_wait3A_62 = arith.constant 0 : i32
      %dma_wait3A_63 = arith.constant 0 : i32
      %dma_wait3A_64 = tpu.memref_slice %arg2[%dma_wait3A_62, %dma_wait3A_63] : memref<50000x128xf32, #tpu.memory_space<hbm>> -> memref<50000x128xf32, #tpu.memory_space<hbm>>
      tpu.wait_indirect_dma semaphore(%arg8 : memref<!tpu.dma_semaphore, #tpu.memory_space<semaphore_mem>>) src(%dma_wait3A_64 : memref<50000x128xf32, #tpu.memory_space<hbm>>) dst(%dma_wait3A_58 : memref<128x128xf32, #tpu.memory_space<vmem>>)
      %add3A_65 = arith.constant 1 : i32
      %add3A_66 = arith.addi %mul3A_21, %add3A_65 : i32
      %mul3A_67 = arith.constant 128 : i32
      %mul3A_68 = arith.muli %add3A_66, %mul3A_67 : i32
      %add3A_69 = arith.addi %mul3A_2, %mul3A_68 : i32
      %run_scoped3A_70 = arith.constant 1 : i32
      "tpu.region"() ({
        %run_scoped3A_71 = tpu.sem_alloc : memref<!tpu.dma_semaphore, #tpu.memory_space<semaphore_mem>>
        %dma_start3A_72 = arith.constant 0 : i32
        %dma_start3A_73 = arith.constant 0 : i32
        %dma_start3A_74 = tpu.memref_slice %arg6[%run_scoped3A_70, %dma_start3A_72, %dma_start3A_73] : memref<2x128x128xf32, #tpu.memory_space<vmem>> -> memref<1x128x128xf32, #tpu.memory_space<vmem>>
        %dma_start3A_75 = tpu.memref_squeeze %dma_start3A_74 : memref<1x128x128xf32, #tpu.memory_space<vmem>> -> memref<128x128xf32, #tpu.memory_space<vmem>>
        %dma_start3A_76 = arith.constant 0 : i32
        %dma_start3A_77 = tpu.memref_slice %arg4[%add3A_69, %dma_start3A_76] : memref<65536x128xf32, #tpu.memory_space<hbm>> -> memref<128x128xf32, #tpu.memory_space<hbm>>
        %dma_start3A_78 = arith.constant 0 : i32
        %dma_start3A_79 = tpu.memref_slice %arg4[%add3A_69, %dma_start3A_78] : memref<65536x128xf32, #tpu.memory_space<hbm>> -> memref<128x128xf32, #tpu.memory_space<hbm>>
        %dma_start3A_80 = arith.constant 0 : i32
        %dma_start3A_81 = arith.constant 0 : i32
        %dma_start3A_82 = tpu.memref_slice %arg6[%run_scoped3A_70, %dma_start3A_80, %dma_start3A_81] : memref<2x128x128xf32, #tpu.memory_space<vmem>> -> memref<1x128x128xf32, #tpu.memory_space<vmem>>
        %dma_start3A_83 = tpu.memref_squeeze %dma_start3A_82 : memref<1x128x128xf32, #tpu.memory_space<vmem>> -> memref<128x128xf32, #tpu.memory_space<vmem>>
        tpu.enqueue_dma source(%dma_start3A_83 : memref<128x128xf32, #tpu.memory_space<vmem>>) target(%dma_start3A_79 : memref<128x128xf32, #tpu.memory_space<hbm>>) target_semaphore(%run_scoped3A_71 : memref<!tpu.dma_semaphore, #tpu.memory_space<semaphore_mem>>)
        %dma_wait3A_84 = arith.constant 0 : i32
        %dma_wait3A_85 = arith.constant 0 : i32
        %dma_wait3A_86 = tpu.memref_slice %arg6[%run_scoped3A_70, %dma_wait3A_84, %dma_wait3A_85] : memref<2x128x128xf32, #tpu.memory_space<vmem>> -> memref<1x128x128xf32, #tpu.memory_space<vmem>>
        %dma_wait3A_87 = tpu.memref_squeeze %dma_wait3A_86 : memref<1x128x128xf32, #tpu.memory_space<vmem>> -> memref<128x128xf32, #tpu.memory_space<vmem>>
        %dma_wait3A_88 = arith.constant 0 : i32
        %dma_wait3A_89 = tpu.memref_slice %arg4[%add3A_69, %dma_wait3A_88] : memref<65536x128xf32, #tpu.memory_space<hbm>> -> memref<128x128xf32, #tpu.memory_space<hbm>>
        %dma_wait3A_90 = arith.constant 0 : i32
        %dma_wait3A_91 = tpu.memref_slice %arg4[%add3A_69, %dma_wait3A_90] : memref<65536x128xf32, #tpu.memory_space<hbm>> -> memref<128x128xf32, #tpu.memory_space<hbm>>
        %dma_wait3A_92 = arith.constant 0 : i32
        %dma_wait3A_93 = arith.constant 0 : i32
        %dma_wait3A_94 = tpu.memref_slice %arg6[%run_scoped3A_70, %dma_wait3A_92, %dma_wait3A_93] : memref<2x128x128xf32, #tpu.memory_space<vmem>> -> memref<1x128x128xf32, #tpu.memory_space<vmem>>
        %dma_wait3A_95 = tpu.memref_squeeze %dma_wait3A_94 : memref<1x128x128xf32, #tpu.memory_space<vmem>> -> memref<128x128xf32, #tpu.memory_space<vmem>>
        tpu.wait_dma2 semaphore(%run_scoped3A_71 : memref<!tpu.dma_semaphore, #tpu.memory_space<semaphore_mem>>) src(%dma_wait3A_95 : memref<128x128xf32, #tpu.memory_space<vmem>>) dst(%dma_wait3A_91 : memref<128x128xf32, #tpu.memory_space<hbm>>)
        tpu.yield
      }) : () -> ()
    }
    %scan3A_18 = arith.constant 8 : i32
    return
  }
}

#map = affine_map<(d0, d1) -> (0, 0)>
#map1 = affine_map<(d0, d1) -> (0, 0, 0)>
module attributes {stable_mosaic.version = 14 : i64} {
  func.func @gather_kernel(%arg0: i32, %arg1: i32, %arg2: memref<50000x128xf32, #tpu.memory_space<hbm>>, %arg3: memref<32x16x128xi32, #tpu.memory_space<hbm>>, %arg4: memref<65536x128xf32, #tpu.memory_space<hbm>>, %arg5: memref<16x128xi32, #tpu.memory_space<vmem>>, %arg6: memref<2x128x128xf32, #tpu.memory_space<vmem>>, %arg7: memref<!tpu.dma_semaphore, #tpu.memory_space<semaphore_mem>>, %arg8: memref<!tpu.dma_semaphore, #tpu.memory_space<semaphore_mem>>) attributes {dimension_semantics = [#tpu.dimension_semantics<core_parallel>, #tpu.dimension_semantics<subcore_parallel>], iteration_bounds = array<i64: 2, 16>, scalar_prefetch = 0 : i64, scratch_operands = 4 : i64, tpu.core_type = #tpu.core_type<sc_vector_subcore>, window_params = [{transform_indices = #map}, {transform_indices = #map1}, {transform_indices = #map}]} {
    %mul3A = arith.constant 2 : i32
    %mul3A_0 = arith.muli %arg1, %mul3A : i32
    %add3A = arith.addi %mul3A_0, %arg0 : i32
    %mul3A_1 = arith.constant 2048 : i32
    %mul3A_2 = arith.muli %add3A, %mul3A_1 : i32
    "tpu.region"() ({
      %run_scoped3A = tpu.sem_alloc : memref<!tpu.dma_semaphore, #tpu.memory_space<semaphore_mem>>
      %dma_start3A_19 = arith.constant 0 : i32
      %dma_start3A_20 = arith.constant 0 : i32
      %dma_start3A_21 = tpu.memref_slice %arg3[%add3A, %dma_start3A_19, %dma_start3A_20] : memref<32x16x128xi32, #tpu.memory_space<hbm>> -> memref<1x16x128xi32, #tpu.memory_space<hbm>>
      %dma_start3A_22 = tpu.memref_squeeze %dma_start3A_21 : memref<1x16x128xi32, #tpu.memory_space<hbm>> -> memref<16x128xi32, #tpu.memory_space<hbm>>
      %dma_start3A_23 = arith.constant 0 : i32
      %dma_start3A_24 = arith.constant 0 : i32
      %dma_start3A_25 = tpu.memref_slice %arg3[%add3A, %dma_start3A_23, %dma_start3A_24] : memref<32x16x128xi32, #tpu.memory_space<hbm>> -> memref<1x16x128xi32, #tpu.memory_space<hbm>>
      %dma_start3A_26 = tpu.memref_squeeze %dma_start3A_25 : memref<1x16x128xi32, #tpu.memory_space<hbm>> -> memref<16x128xi32, #tpu.memory_space<hbm>>
      tpu.enqueue_dma source(%dma_start3A_26 : memref<16x128xi32, #tpu.memory_space<hbm>>) target(%arg5 : memref<16x128xi32, #tpu.memory_space<vmem>>) target_semaphore(%run_scoped3A : memref<!tpu.dma_semaphore, #tpu.memory_space<semaphore_mem>>)
      %dma_wait3A = arith.constant 0 : i32
      %dma_wait3A_27 = arith.constant 0 : i32
      %dma_wait3A_28 = tpu.memref_slice %arg3[%add3A, %dma_wait3A, %dma_wait3A_27] : memref<32x16x128xi32, #tpu.memory_space<hbm>> -> memref<1x16x128xi32, #tpu.memory_space<hbm>>
      %dma_wait3A_29 = tpu.memref_squeeze %dma_wait3A_28 : memref<1x16x128xi32, #tpu.memory_space<hbm>> -> memref<16x128xi32, #tpu.memory_space<hbm>>
      %dma_wait3A_30 = arith.constant 0 : i32
      %dma_wait3A_31 = arith.constant 0 : i32
      %dma_wait3A_32 = tpu.memref_slice %arg3[%add3A, %dma_wait3A_30, %dma_wait3A_31] : memref<32x16x128xi32, #tpu.memory_space<hbm>> -> memref<1x16x128xi32, #tpu.memory_space<hbm>>
      %dma_wait3A_33 = tpu.memref_squeeze %dma_wait3A_32 : memref<1x16x128xi32, #tpu.memory_space<hbm>> -> memref<16x128xi32, #tpu.memory_space<hbm>>
      tpu.wait_dma2 semaphore(%run_scoped3A : memref<!tpu.dma_semaphore, #tpu.memory_space<semaphore_mem>>) src(%dma_wait3A_33 : memref<16x128xi32, #tpu.memory_space<hbm>>) dst(%arg5 : memref<16x128xi32, #tpu.memory_space<vmem>>)
      tpu.yield
    }) : () -> ()
    %dma_start3A = arith.constant 0 : i32
    %dma_start3A_3 = arith.constant 0 : i32
    %dma_start3A_4 = arith.constant 0 : i32
    %dma_start3A_5 = arith.constant 0 : i32
    %dma_start3A_6 = tpu.memref_slice %arg6[%dma_start3A_3, %dma_start3A_4, %dma_start3A_5] : memref<2x128x128xf32, #tpu.memory_space<vmem>> -> memref<1x128x128xf32, #tpu.memory_space<vmem>>
    %dma_start3A_7 = tpu.memref_squeeze %dma_start3A_6 : memref<1x128x128xf32, #tpu.memory_space<vmem>> -> memref<128x128xf32, #tpu.memory_space<vmem>>
    %dma_start3A_8 = arith.constant 0 : i32
    %dma_start3A_9 = tpu.memref_slice %arg5[%dma_start3A, %dma_start3A_8] : memref<16x128xi32, #tpu.memory_space<vmem>> -> memref<1x128xi32, #tpu.memory_space<vmem>>
    %dma_start3A_10 = tpu.memref_squeeze %dma_start3A_9 : memref<1x128xi32, #tpu.memory_space<vmem>> -> memref<128xi32, #tpu.memory_space<vmem>>
    %dma_start3A_11 = arith.constant 0 : i32
    %dma_start3A_12 = arith.constant 0 : i32
    %dma_start3A_13 = tpu.memref_slice %arg2[%dma_start3A_11, %dma_start3A_12] : memref<50000x128xf32, #tpu.memory_space<hbm>> -> memref<50000x128xf32, #tpu.memory_space<hbm>>
    tpu.enqueue_indirect_dma source(%dma_start3A_13 : memref<50000x128xf32, #tpu.memory_space<hbm>>) target(%dma_start3A_7 : memref<128x128xf32, #tpu.memory_space<vmem>>) offsets(%dma_start3A_10 : memref<128xi32, #tpu.memory_space<vmem>>) semaphore(%arg7 : memref<!tpu.dma_semaphore, #tpu.memory_space<semaphore_mem>>)
    %scan3A = arith.constant 0 : i32
    %scan3A_14 = arith.constant 0 : i32
    %scan3A_15 = arith.constant 8 : i32
    %scan3A_16 = arith.addi %scan3A_14, %scan3A_15 : i32
    %scan3A_17 = arith.constant 1 : i32
    scf.for %scan3A_19 = %scan3A_14 to %scan3A_16 step %scan3A_17  : i32 {
      %mul3A_20 = arith.constant 2 : i32
      %mul3A_21 = arith.muli %mul3A_20, %scan3A_19 : i32
      %add3A_22 = arith.constant 1 : i32
      %add3A_23 = arith.addi %mul3A_21, %add3A_22 : i32
      %dma_start3A_24 = arith.constant 1 : i32
      %dma_start3A_25 = arith.constant 0 : i32
      %dma_start3A_26 = arith.constant 0 : i32
      %dma_start3A_27 = tpu.memref_slice %arg6[%dma_start3A_24, %dma_start3A_25, %dma_start3A_26] : memref<2x128x128xf32, #tpu.memory_space<vmem>> -> memref<1x128x128xf32, #tpu.memory_space<vmem>>
      %dma_start3A_28 = tpu.memref_squeeze %dma_start3A_27 : memref<1x128x128xf32, #tpu.memory_space<vmem>> -> memref<128x128xf32, #tpu.memory_space<vmem>>
      %dma_start3A_29 = arith.constant 0 : i32
      %dma_start3A_30 = tpu.memref_slice %arg5[%add3A_23, %dma_start3A_29] : memref<16x128xi32, #tpu.memory_space<vmem>> -> memref<1x128xi32, #tpu.memory_space<vmem>>
      %dma_start3A_31 = tpu.memref_squeeze %dma_start3A_30 : memref<1x128xi32, #tpu.memory_space<vmem>> -> memref<128xi32, #tpu.memory_space<vmem>>
      %dma_start3A_32 = arith.constant 0 : i32
      %dma_start3A_33 = arith.constant 0 : i32
      %dma_start3A_34 = tpu.memref_slice %arg2[%dma_start3A_32, %dma_start3A_33] : memref<50000x128xf32, #tpu.memory_space<hbm>> -> memref<50000x128xf32, #tpu.memory_space<hbm>>
      tpu.enqueue_indirect_dma source(%dma_start3A_34 : memref<50000x128xf32, #tpu.memory_space<hbm>>) target(%dma_start3A_28 : memref<128x128xf32, #tpu.memory_space<vmem>>) offsets(%dma_start3A_31 : memref<128xi32, #tpu.memory_space<vmem>>) semaphore(%arg8 : memref<!tpu.dma_semaphore, #tpu.memory_space<semaphore_mem>>)
      %dma_wait3A = arith.constant 0 : i32
      %dma_wait3A_35 = arith.constant 0 : i32
      %dma_wait3A_36 = arith.constant 0 : i32
      %dma_wait3A_37 = tpu.memref_slice %arg6[%dma_wait3A, %dma_wait3A_35, %dma_wait3A_36] : memref<2x128x128xf32, #tpu.memory_space<vmem>> -> memref<1x128x128xf32, #tpu.memory_space<vmem>>
      %dma_wait3A_38 = tpu.memref_squeeze %dma_wait3A_37 : memref<1x128x128xf32, #tpu.memory_space<vmem>> -> memref<128x128xf32, #tpu.memory_space<vmem>>
      %dma_wait3A_39 = arith.constant 0 : i32
      %dma_wait3A_40 = tpu.memref_slice %arg5[%mul3A_21, %dma_wait3A_39] : memref<16x128xi32, #tpu.memory_space<vmem>> -> memref<1x128xi32, #tpu.memory_space<vmem>>
      %dma_wait3A_41 = tpu.memref_squeeze %dma_wait3A_40 : memref<1x128xi32, #tpu.memory_space<vmem>> -> memref<128xi32, #tpu.memory_space<vmem>>
      %dma_wait3A_42 = arith.constant 0 : i32
      %dma_wait3A_43 = arith.constant 0 : i32
      %dma_wait3A_44 = tpu.memref_slice %arg2[%dma_wait3A_42, %dma_wait3A_43] : memref<50000x128xf32, #tpu.memory_space<hbm>> -> memref<50000x128xf32, #tpu.memory_space<hbm>>
      tpu.wait_indirect_dma semaphore(%arg7 : memref<!tpu.dma_semaphore, #tpu.memory_space<semaphore_mem>>) src(%dma_wait3A_44 : memref<50000x128xf32, #tpu.memory_space<hbm>>) dst(%dma_wait3A_38 : memref<128x128xf32, #tpu.memory_space<vmem>>)
      %mul3A_45 = arith.constant 128 : i32
      %mul3A_46 = arith.muli %mul3A_21, %mul3A_45 : i32
      %add3A_47 = arith.addi %mul3A_2, %mul3A_46 : i32
      %run_scoped3A = arith.constant 0 : i32
      "tpu.region"() ({
        %run_scoped3A_71 = tpu.sem_alloc : memref<!tpu.dma_semaphore, #tpu.memory_space<semaphore_mem>>
        %dma_start3A_72 = arith.constant 0 : i32
        %dma_start3A_73 = arith.constant 0 : i32
        %dma_start3A_74 = tpu.memref_slice %arg6[%run_scoped3A, %dma_start3A_72, %dma_start3A_73] : memref<2x128x128xf32, #tpu.memory_space<vmem>> -> memref<1x128x128xf32, #tpu.memory_space<vmem>>
        %dma_start3A_75 = tpu.memref_squeeze %dma_start3A_74 : memref<1x128x128xf32, #tpu.memory_space<vmem>> -> memref<128x128xf32, #tpu.memory_space<vmem>>
        %dma_start3A_76 = arith.constant 0 : i32
        %dma_start3A_77 = tpu.memref_slice %arg4[%add3A_47, %dma_start3A_76] : memref<65536x128xf32, #tpu.memory_space<hbm>> -> memref<128x128xf32, #tpu.memory_space<hbm>>
        %dma_start3A_78 = arith.constant 0 : i32
        %dma_start3A_79 = tpu.memref_slice %arg4[%add3A_47, %dma_start3A_78] : memref<65536x128xf32, #tpu.memory_space<hbm>> -> memref<128x128xf32, #tpu.memory_space<hbm>>
        %dma_start3A_80 = arith.constant 0 : i32
        %dma_start3A_81 = arith.constant 0 : i32
        %dma_start3A_82 = tpu.memref_slice %arg6[%run_scoped3A, %dma_start3A_80, %dma_start3A_81] : memref<2x128x128xf32, #tpu.memory_space<vmem>> -> memref<1x128x128xf32, #tpu.memory_space<vmem>>
        %dma_start3A_83 = tpu.memref_squeeze %dma_start3A_82 : memref<1x128x128xf32, #tpu.memory_space<vmem>> -> memref<128x128xf32, #tpu.memory_space<vmem>>
        tpu.enqueue_dma source(%dma_start3A_83 : memref<128x128xf32, #tpu.memory_space<vmem>>) target(%dma_start3A_79 : memref<128x128xf32, #tpu.memory_space<hbm>>) target_semaphore(%run_scoped3A_71 : memref<!tpu.dma_semaphore, #tpu.memory_space<semaphore_mem>>)
        %dma_wait3A_84 = arith.constant 0 : i32
        %dma_wait3A_85 = arith.constant 0 : i32
        %dma_wait3A_86 = tpu.memref_slice %arg6[%run_scoped3A, %dma_wait3A_84, %dma_wait3A_85] : memref<2x128x128xf32, #tpu.memory_space<vmem>> -> memref<1x128x128xf32, #tpu.memory_space<vmem>>
        %dma_wait3A_87 = tpu.memref_squeeze %dma_wait3A_86 : memref<1x128x128xf32, #tpu.memory_space<vmem>> -> memref<128x128xf32, #tpu.memory_space<vmem>>
        %dma_wait3A_88 = arith.constant 0 : i32
        %dma_wait3A_89 = tpu.memref_slice %arg4[%add3A_47, %dma_wait3A_88] : memref<65536x128xf32, #tpu.memory_space<hbm>> -> memref<128x128xf32, #tpu.memory_space<hbm>>
        %dma_wait3A_90 = arith.constant 0 : i32
        %dma_wait3A_91 = tpu.memref_slice %arg4[%add3A_47, %dma_wait3A_90] : memref<65536x128xf32, #tpu.memory_space<hbm>> -> memref<128x128xf32, #tpu.memory_space<hbm>>
        %dma_wait3A_92 = arith.constant 0 : i32
        %dma_wait3A_93 = arith.constant 0 : i32
        %dma_wait3A_94 = tpu.memref_slice %arg6[%run_scoped3A, %dma_wait3A_92, %dma_wait3A_93] : memref<2x128x128xf32, #tpu.memory_space<vmem>> -> memref<1x128x128xf32, #tpu.memory_space<vmem>>
        %dma_wait3A_95 = tpu.memref_squeeze %dma_wait3A_94 : memref<1x128x128xf32, #tpu.memory_space<vmem>> -> memref<128x128xf32, #tpu.memory_space<vmem>>
        tpu.wait_dma2 semaphore(%run_scoped3A_71 : memref<!tpu.dma_semaphore, #tpu.memory_space<semaphore_mem>>) src(%dma_wait3A_95 : memref<128x128xf32, #tpu.memory_space<vmem>>) dst(%dma_wait3A_91 : memref<128x128xf32, #tpu.memory_space<hbm>>)
        tpu.yield
      }) : () -> ()
      %add3A_48 = arith.constant 1 : i32
      %add3A_49 = arith.addi %scan3A_19, %add3A_48 : i32
      %lt3A = arith.constant 8 : i32
      %lt3A_50 = arith.cmpi slt, %add3A_49, %lt3A : i32
      %convert_element_type3A = arith.extui %lt3A_50 : i1 to i32
      %cond3A = arith.constant 0 : i32
      %cond3A_51 = arith.cmpi ne, %convert_element_type3A, %cond3A : i32
      scf.if %cond3A_51 {
        %add3A_71 = arith.constant 2 : i32
        %add3A_72 = arith.addi %mul3A_21, %add3A_71 : i32
        %dma_start3A_73 = arith.constant 0 : i32
        %dma_start3A_74 = arith.constant 0 : i32
        %dma_start3A_75 = arith.constant 0 : i32
        %dma_start3A_76 = tpu.memref_slice %arg6[%dma_start3A_73, %dma_start3A_74, %dma_start3A_75] : memref<2x128x128xf32, #tpu.memory_space<vmem>> -> memref<1x128x128xf32, #tpu.memory_space<vmem>>
        %dma_start3A_77 = tpu.memref_squeeze %dma_start3A_76 : memref<1x128x128xf32, #tpu.memory_space<vmem>> -> memref<128x128xf32, #tpu.memory_space<vmem>>
        %dma_start3A_78 = arith.constant 0 : i32
        %dma_start3A_79 = tpu.memref_slice %arg5[%add3A_72, %dma_start3A_78] : memref<16x128xi32, #tpu.memory_space<vmem>> -> memref<1x128xi32, #tpu.memory_space<vmem>>
        %dma_start3A_80 = tpu.memref_squeeze %dma_start3A_79 : memref<1x128xi32, #tpu.memory_space<vmem>> -> memref<128xi32, #tpu.memory_space<vmem>>
        %dma_start3A_81 = arith.constant 0 : i32
        %dma_start3A_82 = arith.constant 0 : i32
        %dma_start3A_83 = tpu.memref_slice %arg2[%dma_start3A_81, %dma_start3A_82] : memref<50000x128xf32, #tpu.memory_space<hbm>> -> memref<50000x128xf32, #tpu.memory_space<hbm>>
        tpu.enqueue_indirect_dma source(%dma_start3A_83 : memref<50000x128xf32, #tpu.memory_space<hbm>>) target(%dma_start3A_77 : memref<128x128xf32, #tpu.memory_space<vmem>>) offsets(%dma_start3A_80 : memref<128xi32, #tpu.memory_space<vmem>>) semaphore(%arg7 : memref<!tpu.dma_semaphore, #tpu.memory_space<semaphore_mem>>)
      } else {
      }
      %add3A_52 = arith.constant 1 : i32
      %add3A_53 = arith.addi %mul3A_21, %add3A_52 : i32
      %dma_wait3A_54 = arith.constant 1 : i32
      %dma_wait3A_55 = arith.constant 0 : i32
      %dma_wait3A_56 = arith.constant 0 : i32
      %dma_wait3A_57 = tpu.memref_slice %arg6[%dma_wait3A_54, %dma_wait3A_55, %dma_wait3A_56] : memref<2x128x128xf32, #tpu.memory_space<vmem>> -> memref<1x128x128xf32, #tpu.memory_space<vmem>>
      %dma_wait3A_58 = tpu.memref_squeeze %dma_wait3A_57 : memref<1x128x128xf32, #tpu.memory_space<vmem>> -> memref<128x128xf32, #tpu.memory_space<vmem>>
      %dma_wait3A_59 = arith.constant 0 : i32
      %dma_wait3A_60 = tpu.memref_slice %arg5[%add3A_53, %dma_wait3A_59] : memref<16x128xi32, #tpu.memory_space<vmem>> -> memref<1x128xi32, #tpu.memory_space<vmem>>
      %dma_wait3A_61 = tpu.memref_squeeze %dma_wait3A_60 : memref<1x128xi32, #tpu.memory_space<vmem>> -> memref<128xi32, #tpu.memory_space<vmem>>
      %dma_wait3A_62 = arith.constant 0 : i32
      %dma_wait3A_63 = arith.constant 0 : i32
      %dma_wait3A_64 = tpu.memref_slice %arg2[%dma_wait3A_62, %dma_wait3A_63] : memref<50000x128xf32, #tpu.memory_space<hbm>> -> memref<50000x128xf32, #tpu.memory_space<hbm>>
      tpu.wait_indirect_dma semaphore(%arg8 : memref<!tpu.dma_semaphore, #tpu.memory_space<semaphore_mem>>) src(%dma_wait3A_64 : memref<50000x128xf32, #tpu.memory_space<hbm>>) dst(%dma_wait3A_58 : memref<128x128xf32, #tpu.memory_space<vmem>>)
      %add3A_65 = arith.constant 1 : i32
      %add3A_66 = arith.addi %mul3A_21, %add3A_65 : i32
      %mul3A_67 = arith.constant 128 : i32
      %mul3A_68 = arith.muli %add3A_66, %mul3A_67 : i32
      %add3A_69 = arith.addi %mul3A_2, %mul3A_68 : i32
      %run_scoped3A_70 = arith.constant 1 : i32
      "tpu.region"() ({
        %run_scoped3A_71 = tpu.sem_alloc : memref<!tpu.dma_semaphore, #tpu.memory_space<semaphore_mem>>
        %dma_start3A_72 = arith.constant 0 : i32
        %dma_start3A_73 = arith.constant 0 : i32
        %dma_start3A_74 = tpu.memref_slice %arg6[%run_scoped3A_70, %dma_start3A_72, %dma_start3A_73] : memref<2x128x128xf32, #tpu.memory_space<vmem>> -> memref<1x128x128xf32, #tpu.memory_space<vmem>>
        %dma_start3A_75 = tpu.memref_squeeze %dma_start3A_74 : memref<1x128x128xf32, #tpu.memory_space<vmem>> -> memref<128x128xf32, #tpu.memory_space<vmem>>
        %dma_start3A_76 = arith.constant 0 : i32
        %dma_start3A_77 = tpu.memref_slice %arg4[%add3A_69, %dma_start3A_76] : memref<65536x128xf32, #tpu.memory_space<hbm>> -> memref<128x128xf32, #tpu.memory_space<hbm>>
        %dma_start3A_78 = arith.constant 0 : i32
        %dma_start3A_79 = tpu.memref_slice %arg4[%add3A_69, %dma_start3A_78] : memref<65536x128xf32, #tpu.memory_space<hbm>> -> memref<128x128xf32, #tpu.memory_space<hbm>>
        %dma_start3A_80 = arith.constant 0 : i32
        %dma_start3A_81 = arith.constant 0 : i32
        %dma_start3A_82 = tpu.memref_slice %arg6[%run_scoped3A_70, %dma_start3A_80, %dma_start3A_81] : memref<2x128x128xf32, #tpu.memory_space<vmem>> -> memref<1x128x128xf32, #tpu.memory_space<vmem>>
        %dma_start3A_83 = tpu.memref_squeeze %dma_start3A_82 : memref<1x128x128xf32, #tpu.memory_space<vmem>> -> memref<128x128xf32, #tpu.memory_space<vmem>>
        tpu.enqueue_dma source(%dma_start3A_83 : memref<128x128xf32, #tpu.memory_space<vmem>>) target(%dma_start3A_79 : memref<128x128xf32, #tpu.memory_space<hbm>>) target_semaphore(%run_scoped3A_71 : memref<!tpu.dma_semaphore, #tpu.memory_space<semaphore_mem>>)
        %dma_wait3A_84 = arith.constant 0 : i32
        %dma_wait3A_85 = arith.constant 0 : i32
        %dma_wait3A_86 = tpu.memref_slice %arg6[%run_scoped3A_70, %dma_wait3A_84, %dma_wait3A_85] : memref<2x128x128xf32, #tpu.memory_space<vmem>> -> memref<1x128x128xf32, #tpu.memory_space<vmem>>
        %dma_wait3A_87 = tpu.memref_squeeze %dma_wait3A_86 : memref<1x128x128xf32, #tpu.memory_space<vmem>> -> memref<128x128xf32, #tpu.memory_space<vmem>>
        %dma_wait3A_88 = arith.constant 0 : i32
        %dma_wait3A_89 = tpu.memref_slice %arg4[%add3A_69, %dma_wait3A_88] : memref<65536x128xf32, #tpu.memory_space<hbm>> -> memref<128x128xf32, #tpu.memory_space<hbm>>
        %dma_wait3A_90 = arith.constant 0 : i32
        %dma_wait3A_91 = tpu.memref_slice %arg4[%add3A_69, %dma_wait3A_90] : memref<65536x128xf32, #tpu.memory_space<hbm>> -> memref<128x128xf32, #tpu.memory_space<hbm>>
        %dma_wait3A_92 = arith.constant 0 : i32
        %dma_wait3A_93 = arith.constant 0 : i32
        %dma_wait3A_94 = tpu.memref_slice %arg6[%run_scoped3A_70, %dma_wait3A_92, %dma_wait3A_93] : memref<2x128x128xf32, #tpu.memory_space<vmem>> -> memref<1x128x128xf32, #tpu.memory_space<vmem>>
        %dma_wait3A_95 = tpu.memref_squeeze %dma_wait3A_94 : memref<1x128x128xf32, #tpu.memory_space<vmem>> -> memref<128x128xf32, #tpu.memory_space<vmem>>
        tpu.wait_dma2 semaphore(%run_scoped3A_71 : memref<!tpu.dma_semaphore, #tpu.memory_space<semaphore_mem>>) src(%dma_wait3A_95 : memref<128x128xf32, #tpu.memory_space<vmem>>) dst(%dma_wait3A_91 : memref<128x128xf32, #tpu.memory_space<hbm>>)
        tpu.yield
      }) : () -> ()
    }
    %scan3A_18 = arith.constant 8 : i32
    return
  }
}

#map = affine_map<(d0, d1) -> (0, 0)>
#map1 = affine_map<(d0, d1) -> (0, 0, 0)>
module attributes {stable_mosaic.version = 14 : i64} {
  func.func @gather_kernel(%arg0: i32, %arg1: i32, %arg2: memref<50000x128xf32, #tpu.memory_space<hbm>>, %arg3: memref<32x16x128xi32, #tpu.memory_space<hbm>>, %arg4: memref<65536x128xf32, #tpu.memory_space<hbm>>, %arg5: memref<16x128xi32, #tpu.memory_space<vmem>>, %arg6: memref<2x128x128xf32, #tpu.memory_space<vmem>>, %arg7: memref<!tpu.dma_semaphore, #tpu.memory_space<semaphore_mem>>, %arg8: memref<!tpu.dma_semaphore, #tpu.memory_space<semaphore_mem>>) attributes {dimension_semantics = [#tpu.dimension_semantics<core_parallel>, #tpu.dimension_semantics<subcore_parallel>], iteration_bounds = array<i64: 2, 16>, scalar_prefetch = 0 : i64, scratch_operands = 4 : i64, tpu.core_type = #tpu.core_type<sc_vector_subcore>, window_params = [{transform_indices = #map}, {transform_indices = #map1}, {transform_indices = #map}]} {
    %mul3A = arith.constant 2 : i32
    %mul3A_0 = arith.muli %arg1, %mul3A : i32
    %add3A = arith.addi %mul3A_0, %arg0 : i32
    %mul3A_1 = arith.constant 2048 : i32
    %mul3A_2 = arith.muli %add3A, %mul3A_1 : i32
    "tpu.region"() ({
      %run_scoped3A = tpu.sem_alloc : memref<!tpu.dma_semaphore, #tpu.memory_space<semaphore_mem>>
      %dma_start3A_19 = arith.constant 0 : i32
      %dma_start3A_20 = arith.constant 0 : i32
      %dma_start3A_21 = tpu.memref_slice %arg3[%add3A, %dma_start3A_19, %dma_start3A_20] : memref<32x16x128xi32, #tpu.memory_space<hbm>> -> memref<1x16x128xi32, #tpu.memory_space<hbm>>
      %dma_start3A_22 = tpu.memref_squeeze %dma_start3A_21 : memref<1x16x128xi32, #tpu.memory_space<hbm>> -> memref<16x128xi32, #tpu.memory_space<hbm>>
      %dma_start3A_23 = arith.constant 0 : i32
      %dma_start3A_24 = arith.constant 0 : i32
      %dma_start3A_25 = tpu.memref_slice %arg3[%add3A, %dma_start3A_23, %dma_start3A_24] : memref<32x16x128xi32, #tpu.memory_space<hbm>> -> memref<1x16x128xi32, #tpu.memory_space<hbm>>
      %dma_start3A_26 = tpu.memref_squeeze %dma_start3A_25 : memref<1x16x128xi32, #tpu.memory_space<hbm>> -> memref<16x128xi32, #tpu.memory_space<hbm>>
      tpu.enqueue_dma source(%dma_start3A_26 : memref<16x128xi32, #tpu.memory_space<hbm>>) target(%arg5 : memref<16x128xi32, #tpu.memory_space<vmem>>) target_semaphore(%run_scoped3A : memref<!tpu.dma_semaphore, #tpu.memory_space<semaphore_mem>>)
      %dma_wait3A = arith.constant 0 : i32
      %dma_wait3A_27 = arith.constant 0 : i32
      %dma_wait3A_28 = tpu.memref_slice %arg3[%add3A, %dma_wait3A, %dma_wait3A_27] : memref<32x16x128xi32, #tpu.memory_space<hbm>> -> memref<1x16x128xi32, #tpu.memory_space<hbm>>
      %dma_wait3A_29 = tpu.memref_squeeze %dma_wait3A_28 : memref<1x16x128xi32, #tpu.memory_space<hbm>> -> memref<16x128xi32, #tpu.memory_space<hbm>>
      %dma_wait3A_30 = arith.constant 0 : i32
      %dma_wait3A_31 = arith.constant 0 : i32
      %dma_wait3A_32 = tpu.memref_slice %arg3[%add3A, %dma_wait3A_30, %dma_wait3A_31] : memref<32x16x128xi32, #tpu.memory_space<hbm>> -> memref<1x16x128xi32, #tpu.memory_space<hbm>>
      %dma_wait3A_33 = tpu.memref_squeeze %dma_wait3A_32 : memref<1x16x128xi32, #tpu.memory_space<hbm>> -> memref<16x128xi32, #tpu.memory_space<hbm>>
      tpu.wait_dma2 semaphore(%run_scoped3A : memref<!tpu.dma_semaphore, #tpu.memory_space<semaphore_mem>>) src(%dma_wait3A_33 : memref<16x128xi32, #tpu.memory_space<hbm>>) dst(%arg5 : memref<16x128xi32, #tpu.memory_space<vmem>>)
      tpu.yield
    }) : () -> ()
    %dma_start3A = arith.constant 0 : i32
    %dma_start3A_3 = arith.constant 0 : i32
    %dma_start3A_4 = arith.constant 0 : i32
    %dma_start3A_5 = arith.constant 0 : i32
    %dma_start3A_6 = tpu.memref_slice %arg6[%dma_start3A_3, %dma_start3A_4, %dma_start3A_5] : memref<2x128x128xf32, #tpu.memory_space<vmem>> -> memref<1x128x128xf32, #tpu.memory_space<vmem>>
    %dma_start3A_7 = tpu.memref_squeeze %dma_start3A_6 : memref<1x128x128xf32, #tpu.memory_space<vmem>> -> memref<128x128xf32, #tpu.memory_space<vmem>>
    %dma_start3A_8 = arith.constant 0 : i32
    %dma_start3A_9 = tpu.memref_slice %arg5[%dma_start3A, %dma_start3A_8] : memref<16x128xi32, #tpu.memory_space<vmem>> -> memref<1x128xi32, #tpu.memory_space<vmem>>
    %dma_start3A_10 = tpu.memref_squeeze %dma_start3A_9 : memref<1x128xi32, #tpu.memory_space<vmem>> -> memref<128xi32, #tpu.memory_space<vmem>>
    %dma_start3A_11 = arith.constant 0 : i32
    %dma_start3A_12 = arith.constant 0 : i32
    %dma_start3A_13 = tpu.memref_slice %arg2[%dma_start3A_11, %dma_start3A_12] : memref<50000x128xf32, #tpu.memory_space<hbm>> -> memref<50000x128xf32, #tpu.memory_space<hbm>>
    tpu.enqueue_indirect_dma source(%dma_start3A_13 : memref<50000x128xf32, #tpu.memory_space<hbm>>) target(%dma_start3A_7 : memref<128x128xf32, #tpu.memory_space<vmem>>) offsets(%dma_start3A_10 : memref<128xi32, #tpu.memory_space<vmem>>) semaphore(%arg7 : memref<!tpu.dma_semaphore, #tpu.memory_space<semaphore_mem>>)
    %scan3A = arith.constant 0 : i32
    %scan3A_14 = arith.constant 0 : i32
    %scan3A_15 = arith.constant 8 : i32
    %scan3A_16 = arith.addi %scan3A_14, %scan3A_15 : i32
    %scan3A_17 = arith.constant 1 : i32
    scf.for %scan3A_19 = %scan3A_14 to %scan3A_16 step %scan3A_17  : i32 {
      %mul3A_20 = arith.constant 2 : i32
      %mul3A_21 = arith.muli %mul3A_20, %scan3A_19 : i32
      %add3A_22 = arith.constant 1 : i32
      %add3A_23 = arith.addi %mul3A_21, %add3A_22 : i32
      %dma_start3A_24 = arith.constant 1 : i32
      %dma_start3A_25 = arith.constant 0 : i32
      %dma_start3A_26 = arith.constant 0 : i32
      %dma_start3A_27 = tpu.memref_slice %arg6[%dma_start3A_24, %dma_start3A_25, %dma_start3A_26] : memref<2x128x128xf32, #tpu.memory_space<vmem>> -> memref<1x128x128xf32, #tpu.memory_space<vmem>>
      %dma_start3A_28 = tpu.memref_squeeze %dma_start3A_27 : memref<1x128x128xf32, #tpu.memory_space<vmem>> -> memref<128x128xf32, #tpu.memory_space<vmem>>
      %dma_start3A_29 = arith.constant 0 : i32
      %dma_start3A_30 = tpu.memref_slice %arg5[%add3A_23, %dma_start3A_29] : memref<16x128xi32, #tpu.memory_space<vmem>> -> memref<1x128xi32, #tpu.memory_space<vmem>>
      %dma_start3A_31 = tpu.memref_squeeze %dma_start3A_30 : memref<1x128xi32, #tpu.memory_space<vmem>> -> memref<128xi32, #tpu.memory_space<vmem>>
      %dma_start3A_32 = arith.constant 0 : i32
      %dma_start3A_33 = arith.constant 0 : i32
      %dma_start3A_34 = tpu.memref_slice %arg2[%dma_start3A_32, %dma_start3A_33] : memref<50000x128xf32, #tpu.memory_space<hbm>> -> memref<50000x128xf32, #tpu.memory_space<hbm>>
      tpu.enqueue_indirect_dma source(%dma_start3A_34 : memref<50000x128xf32, #tpu.memory_space<hbm>>) target(%dma_start3A_28 : memref<128x128xf32, #tpu.memory_space<vmem>>) offsets(%dma_start3A_31 : memref<128xi32, #tpu.memory_space<vmem>>) semaphore(%arg8 : memref<!tpu.dma_semaphore, #tpu.memory_space<semaphore_mem>>)
      %dma_wait3A = arith.constant 0 : i32
      %dma_wait3A_35 = arith.constant 0 : i32
      %dma_wait3A_36 = arith.constant 0 : i32
      %dma_wait3A_37 = tpu.memref_slice %arg6[%dma_wait3A, %dma_wait3A_35, %dma_wait3A_36] : memref<2x128x128xf32, #tpu.memory_space<vmem>> -> memref<1x128x128xf32, #tpu.memory_space<vmem>>
      %dma_wait3A_38 = tpu.memref_squeeze %dma_wait3A_37 : memref<1x128x128xf32, #tpu.memory_space<vmem>> -> memref<128x128xf32, #tpu.memory_space<vmem>>
      %dma_wait3A_39 = arith.constant 0 : i32
      %dma_wait3A_40 = tpu.memref_slice %arg5[%mul3A_21, %dma_wait3A_39] : memref<16x128xi32, #tpu.memory_space<vmem>> -> memref<1x128xi32, #tpu.memory_space<vmem>>
      %dma_wait3A_41 = tpu.memref_squeeze %dma_wait3A_40 : memref<1x128xi32, #tpu.memory_space<vmem>> -> memref<128xi32, #tpu.memory_space<vmem>>
      %dma_wait3A_42 = arith.constant 0 : i32
      %dma_wait3A_43 = arith.constant 0 : i32
      %dma_wait3A_44 = tpu.memref_slice %arg2[%dma_wait3A_42, %dma_wait3A_43] : memref<50000x128xf32, #tpu.memory_space<hbm>> -> memref<50000x128xf32, #tpu.memory_space<hbm>>
      tpu.wait_indirect_dma semaphore(%arg7 : memref<!tpu.dma_semaphore, #tpu.memory_space<semaphore_mem>>) src(%dma_wait3A_44 : memref<50000x128xf32, #tpu.memory_space<hbm>>) dst(%dma_wait3A_38 : memref<128x128xf32, #tpu.memory_space<vmem>>)
      %mul3A_45 = arith.constant 128 : i32
      %mul3A_46 = arith.muli %mul3A_21, %mul3A_45 : i32
      %add3A_47 = arith.addi %mul3A_2, %mul3A_46 : i32
      %run_scoped3A = arith.constant 0 : i32
      "tpu.region"() ({
        %run_scoped3A_71 = tpu.sem_alloc : memref<!tpu.dma_semaphore, #tpu.memory_space<semaphore_mem>>
        %dma_start3A_72 = arith.constant 0 : i32
        %dma_start3A_73 = arith.constant 0 : i32
        %dma_start3A_74 = tpu.memref_slice %arg6[%run_scoped3A, %dma_start3A_72, %dma_start3A_73] : memref<2x128x128xf32, #tpu.memory_space<vmem>> -> memref<1x128x128xf32, #tpu.memory_space<vmem>>
        %dma_start3A_75 = tpu.memref_squeeze %dma_start3A_74 : memref<1x128x128xf32, #tpu.memory_space<vmem>> -> memref<128x128xf32, #tpu.memory_space<vmem>>
        %dma_start3A_76 = arith.constant 0 : i32
        %dma_start3A_77 = tpu.memref_slice %arg4[%add3A_47, %dma_start3A_76] : memref<65536x128xf32, #tpu.memory_space<hbm>> -> memref<128x128xf32, #tpu.memory_space<hbm>>
        %dma_start3A_78 = arith.constant 0 : i32
        %dma_start3A_79 = tpu.memref_slice %arg4[%add3A_47, %dma_start3A_78] : memref<65536x128xf32, #tpu.memory_space<hbm>> -> memref<128x128xf32, #tpu.memory_space<hbm>>
        %dma_start3A_80 = arith.constant 0 : i32
        %dma_start3A_81 = arith.constant 0 : i32
        %dma_start3A_82 = tpu.memref_slice %arg6[%run_scoped3A, %dma_start3A_80, %dma_start3A_81] : memref<2x128x128xf32, #tpu.memory_space<vmem>> -> memref<1x128x128xf32, #tpu.memory_space<vmem>>
        %dma_start3A_83 = tpu.memref_squeeze %dma_start3A_82 : memref<1x128x128xf32, #tpu.memory_space<vmem>> -> memref<128x128xf32, #tpu.memory_space<vmem>>
        tpu.enqueue_dma source(%dma_start3A_83 : memref<128x128xf32, #tpu.memory_space<vmem>>) target(%dma_start3A_79 : memref<128x128xf32, #tpu.memory_space<hbm>>) target_semaphore(%run_scoped3A_71 : memref<!tpu.dma_semaphore, #tpu.memory_space<semaphore_mem>>)
        %dma_wait3A_84 = arith.constant 0 : i32
        %dma_wait3A_85 = arith.constant 0 : i32
        %dma_wait3A_86 = tpu.memref_slice %arg6[%run_scoped3A, %dma_wait3A_84, %dma_wait3A_85] : memref<2x128x128xf32, #tpu.memory_space<vmem>> -> memref<1x128x128xf32, #tpu.memory_space<vmem>>
        %dma_wait3A_87 = tpu.memref_squeeze %dma_wait3A_86 : memref<1x128x128xf32, #tpu.memory_space<vmem>> -> memref<128x128xf32, #tpu.memory_space<vmem>>
        %dma_wait3A_88 = arith.constant 0 : i32
        %dma_wait3A_89 = tpu.memref_slice %arg4[%add3A_47, %dma_wait3A_88] : memref<65536x128xf32, #tpu.memory_space<hbm>> -> memref<128x128xf32, #tpu.memory_space<hbm>>
        %dma_wait3A_90 = arith.constant 0 : i32
        %dma_wait3A_91 = tpu.memref_slice %arg4[%add3A_47, %dma_wait3A_90] : memref<65536x128xf32, #tpu.memory_space<hbm>> -> memref<128x128xf32, #tpu.memory_space<hbm>>
        %dma_wait3A_92 = arith.constant 0 : i32
        %dma_wait3A_93 = arith.constant 0 : i32
        %dma_wait3A_94 = tpu.memref_slice %arg6[%run_scoped3A, %dma_wait3A_92, %dma_wait3A_93] : memref<2x128x128xf32, #tpu.memory_space<vmem>> -> memref<1x128x128xf32, #tpu.memory_space<vmem>>
        %dma_wait3A_95 = tpu.memref_squeeze %dma_wait3A_94 : memref<1x128x128xf32, #tpu.memory_space<vmem>> -> memref<128x128xf32, #tpu.memory_space<vmem>>
        tpu.wait_dma2 semaphore(%run_scoped3A_71 : memref<!tpu.dma_semaphore, #tpu.memory_space<semaphore_mem>>) src(%dma_wait3A_95 : memref<128x128xf32, #tpu.memory_space<vmem>>) dst(%dma_wait3A_91 : memref<128x128xf32, #tpu.memory_space<hbm>>)
        tpu.yield
      }) : () -> ()
      %add3A_48 = arith.constant 1 : i32
      %add3A_49 = arith.addi %scan3A_19, %add3A_48 : i32
      %lt3A = arith.constant 8 : i32
      %lt3A_50 = arith.cmpi slt, %add3A_49, %lt3A : i32
      %convert_element_type3A = arith.extui %lt3A_50 : i1 to i32
      %cond3A = arith.constant 0 : i32
      %cond3A_51 = arith.cmpi ne, %convert_element_type3A, %cond3A : i32
      scf.if %cond3A_51 {
        %add3A_71 = arith.constant 2 : i32
        %add3A_72 = arith.addi %mul3A_21, %add3A_71 : i32
        %dma_start3A_73 = arith.constant 0 : i32
        %dma_start3A_74 = arith.constant 0 : i32
        %dma_start3A_75 = arith.constant 0 : i32
        %dma_start3A_76 = tpu.memref_slice %arg6[%dma_start3A_73, %dma_start3A_74, %dma_start3A_75] : memref<2x128x128xf32, #tpu.memory_space<vmem>> -> memref<1x128x128xf32, #tpu.memory_space<vmem>>
        %dma_start3A_77 = tpu.memref_squeeze %dma_start3A_76 : memref<1x128x128xf32, #tpu.memory_space<vmem>> -> memref<128x128xf32, #tpu.memory_space<vmem>>
        %dma_start3A_78 = arith.constant 0 : i32
        %dma_start3A_79 = tpu.memref_slice %arg5[%add3A_72, %dma_start3A_78] : memref<16x128xi32, #tpu.memory_space<vmem>> -> memref<1x128xi32, #tpu.memory_space<vmem>>
        %dma_start3A_80 = tpu.memref_squeeze %dma_start3A_79 : memref<1x128xi32, #tpu.memory_space<vmem>> -> memref<128xi32, #tpu.memory_space<vmem>>
        %dma_start3A_81 = arith.constant 0 : i32
        %dma_start3A_82 = arith.constant 0 : i32
        %dma_start3A_83 = tpu.memref_slice %arg2[%dma_start3A_81, %dma_start3A_82] : memref<50000x128xf32, #tpu.memory_space<hbm>> -> memref<50000x128xf32, #tpu.memory_space<hbm>>
        tpu.enqueue_indirect_dma source(%dma_start3A_83 : memref<50000x128xf32, #tpu.memory_space<hbm>>) target(%dma_start3A_77 : memref<128x128xf32, #tpu.memory_space<vmem>>) offsets(%dma_start3A_80 : memref<128xi32, #tpu.memory_space<vmem>>) semaphore(%arg7 : memref<!tpu.dma_semaphore, #tpu.memory_space<semaphore_mem>>)
      } else {
      }
      %add3A_52 = arith.constant 1 : i32
      %add3A_53 = arith.addi %mul3A_21, %add3A_52 : i32
      %dma_wait3A_54 = arith.constant 1 : i32
      %dma_wait3A_55 = arith.constant 0 : i32
      %dma_wait3A_56 = arith.constant 0 : i32
      %dma_wait3A_57 = tpu.memref_slice %arg6[%dma_wait3A_54, %dma_wait3A_55, %dma_wait3A_56] : memref<2x128x128xf32, #tpu.memory_space<vmem>> -> memref<1x128x128xf32, #tpu.memory_space<vmem>>
      %dma_wait3A_58 = tpu.memref_squeeze %dma_wait3A_57 : memref<1x128x128xf32, #tpu.memory_space<vmem>> -> memref<128x128xf32, #tpu.memory_space<vmem>>
      %dma_wait3A_59 = arith.constant 0 : i32
      %dma_wait3A_60 = tpu.memref_slice %arg5[%add3A_53, %dma_wait3A_59] : memref<16x128xi32, #tpu.memory_space<vmem>> -> memref<1x128xi32, #tpu.memory_space<vmem>>
      %dma_wait3A_61 = tpu.memref_squeeze %dma_wait3A_60 : memref<1x128xi32, #tpu.memory_space<vmem>> -> memref<128xi32, #tpu.memory_space<vmem>>
      %dma_wait3A_62 = arith.constant 0 : i32
      %dma_wait3A_63 = arith.constant 0 : i32
      %dma_wait3A_64 = tpu.memref_slice %arg2[%dma_wait3A_62, %dma_wait3A_63] : memref<50000x128xf32, #tpu.memory_space<hbm>> -> memref<50000x128xf32, #tpu.memory_space<hbm>>
      tpu.wait_indirect_dma semaphore(%arg8 : memref<!tpu.dma_semaphore, #tpu.memory_space<semaphore_mem>>) src(%dma_wait3A_64 : memref<50000x128xf32, #tpu.memory_space<hbm>>) dst(%dma_wait3A_58 : memref<128x128xf32, #tpu.memory_space<vmem>>)
      %add3A_65 = arith.constant 1 : i32
      %add3A_66 = arith.addi %mul3A_21, %add3A_65 : i32
      %mul3A_67 = arith.constant 128 : i32
      %mul3A_68 = arith.muli %add3A_66, %mul3A_67 : i32
      %add3A_69 = arith.addi %mul3A_2, %mul3A_68 : i32
      %run_scoped3A_70 = arith.constant 1 : i32
      "tpu.region"() ({
        %run_scoped3A_71 = tpu.sem_alloc : memref<!tpu.dma_semaphore, #tpu.memory_space<semaphore_mem>>
        %dma_start3A_72 = arith.constant 0 : i32
        %dma_start3A_73 = arith.constant 0 : i32
        %dma_start3A_74 = tpu.memref_slice %arg6[%run_scoped3A_70, %dma_start3A_72, %dma_start3A_73] : memref<2x128x128xf32, #tpu.memory_space<vmem>> -> memref<1x128x128xf32, #tpu.memory_space<vmem>>
        %dma_start3A_75 = tpu.memref_squeeze %dma_start3A_74 : memref<1x128x128xf32, #tpu.memory_space<vmem>> -> memref<128x128xf32, #tpu.memory_space<vmem>>
        %dma_start3A_76 = arith.constant 0 : i32
        %dma_start3A_77 = tpu.memref_slice %arg4[%add3A_69, %dma_start3A_76] : memref<65536x128xf32, #tpu.memory_space<hbm>> -> memref<128x128xf32, #tpu.memory_space<hbm>>
        %dma_start3A_78 = arith.constant 0 : i32
        %dma_start3A_79 = tpu.memref_slice %arg4[%add3A_69, %dma_start3A_78] : memref<65536x128xf32, #tpu.memory_space<hbm>> -> memref<128x128xf32, #tpu.memory_space<hbm>>
        %dma_start3A_80 = arith.constant 0 : i32
        %dma_start3A_81 = arith.constant 0 : i32
        %dma_start3A_82 = tpu.memref_slice %arg6[%run_scoped3A_70, %dma_start3A_80, %dma_start3A_81] : memref<2x128x128xf32, #tpu.memory_space<vmem>> -> memref<1x128x128xf32, #tpu.memory_space<vmem>>
        %dma_start3A_83 = tpu.memref_squeeze %dma_start3A_82 : memref<1x128x128xf32, #tpu.memory_space<vmem>> -> memref<128x128xf32, #tpu.memory_space<vmem>>
        tpu.enqueue_dma source(%dma_start3A_83 : memref<128x128xf32, #tpu.memory_space<vmem>>) target(%dma_start3A_79 : memref<128x128xf32, #tpu.memory_space<hbm>>) target_semaphore(%run_scoped3A_71 : memref<!tpu.dma_semaphore, #tpu.memory_space<semaphore_mem>>)
        %dma_wait3A_84 = arith.constant 0 : i32
        %dma_wait3A_85 = arith.constant 0 : i32
        %dma_wait3A_86 = tpu.memref_slice %arg6[%run_scoped3A_70, %dma_wait3A_84, %dma_wait3A_85] : memref<2x128x128xf32, #tpu.memory_space<vmem>> -> memref<1x128x128xf32, #tpu.memory_space<vmem>>
        %dma_wait3A_87 = tpu.memref_squeeze %dma_wait3A_86 : memref<1x128x128xf32, #tpu.memory_space<vmem>> -> memref<128x128xf32, #tpu.memory_space<vmem>>
        %dma_wait3A_88 = arith.constant 0 : i32
        %dma_wait3A_89 = tpu.memref_slice %arg4[%add3A_69, %dma_wait3A_88] : memref<65536x128xf32, #tpu.memory_space<hbm>> -> memref<128x128xf32, #tpu.memory_space<hbm>>
        %dma_wait3A_90 = arith.constant 0 : i32
        %dma_wait3A_91 = tpu.memref_slice %arg4[%add3A_69, %dma_wait3A_90] : memref<65536x128xf32, #tpu.memory_space<hbm>> -> memref<128x128xf32, #tpu.memory_space<hbm>>
        %dma_wait3A_92 = arith.constant 0 : i32
        %dma_wait3A_93 = arith.constant 0 : i32
        %dma_wait3A_94 = tpu.memref_slice %arg6[%run_scoped3A_70, %dma_wait3A_92, %dma_wait3A_93] : memref<2x128x128xf32, #tpu.memory_space<vmem>> -> memref<1x128x128xf32, #tpu.memory_space<vmem>>
        %dma_wait3A_95 = tpu.memref_squeeze %dma_wait3A_94 : memref<1x128x128xf32, #tpu.memory_space<vmem>> -> memref<128x128xf32, #tpu.memory_space<vmem>>
        tpu.wait_dma2 semaphore(%run_scoped3A_71 : memref<!tpu.dma_semaphore, #tpu.memory_space<semaphore_mem>>) src(%dma_wait3A_95 : memref<128x128xf32, #tpu.memory_space<vmem>>) dst(%dma_wait3A_91 : memref<128x128xf32, #tpu.memory_space<hbm>>)
        tpu.yield
      }) : () -> ()
    }
    %scan3A_18 = arith.constant 8 : i32
    return
  }
}

module attributes {stable_mosaic.version = 14 : i64} {
  func.func @_node_body(%arg0: i32, %arg1: memref<2000x128xf32, #tpu.memory_space<vmem>>, %arg2: memref<2000x2xf32, #tpu.memory_space<vmem>>, %arg3: memref<2x64xf32, #tpu.memory_space<vmem>>, %arg4: memref<128x128xf32, #tpu.memory_space<vmem>>, %arg5: memref<1x128xf32, #tpu.memory_space<vmem>>, %arg6: memref<128x128xf32, #tpu.memory_space<vmem>>, %arg7: memref<1x128xf32, #tpu.memory_space<vmem>>, %arg8: memref<128x128xf32, #tpu.memory_space<vmem>>, %arg9: memref<1x128xf32, #tpu.memory_space<vmem>>, %arg10: memref<2000x128xf32, #tpu.memory_space<vmem>>) attributes {dimension_semantics = [#tpu.dimension_semantics<arbitrary>], iteration_bounds = array<i64: 25>, scalar_prefetch = 0 : i64, scratch_operands = 0 : i64, tpu.core_type = #tpu.core_type<tc>, window_params = [{transform_indices = @transform_0, window_bounds = array<i64: 2000, 128>}, {transform_indices = @transform_1, window_bounds = array<i64: 2000, 2>}, {pipeline_mode = #tpu.pipeline_mode<synchronous>, transform_indices = @transform_2, window_bounds = array<i64: 2, 64>}, {pipeline_mode = #tpu.pipeline_mode<synchronous>, transform_indices = @transform_3, window_bounds = array<i64: 128, 128>}, {pipeline_mode = #tpu.pipeline_mode<synchronous>, transform_indices = @transform_4, window_bounds = array<i64: 1, 128>}, {pipeline_mode = #tpu.pipeline_mode<synchronous>, transform_indices = @transform_5, window_bounds = array<i64: 128, 128>}, {pipeline_mode = #tpu.pipeline_mode<synchronous>, transform_indices = @transform_6, window_bounds = array<i64: 1, 128>}, {pipeline_mode = #tpu.pipeline_mode<synchronous>, transform_indices = @transform_7, window_bounds = array<i64: 128, 128>}, {pipeline_mode = #tpu.pipeline_mode<synchronous>, transform_indices = @transform_8, window_bounds = array<i64: 1, 128>}, {transform_indices = @transform_9, window_bounds = array<i64: 2000, 128>}]} {
    %get3A = arith.constant 0 : index
    %get3A_0 = arith.constant 0 : index
    %get3A_1 = vector.load %arg1[%get3A, %get3A_0] : memref<2000x128xf32, #tpu.memory_space<vmem>>, vector<2000x128xf32>
    %get3A_2 = arith.constant 0 : index
    %get3A_3 = arith.constant 0 : index
    %get3A_4 = vector.load %arg4[%get3A_2, %get3A_3] : memref<128x128xf32, #tpu.memory_space<vmem>>, vector<128x128xf32>
    %dot_general3A = arith.constant dense<0.000000e+00> : vector<2000x128xf32>
    %dot_general3A_5 = tpu.matmul %get3A_1, %get3A_4, %dot_general3A {dimension_numbers = #tpu.dot_dimension_numbers<[1], [0], [0], [1], [0, 0, 1, 1], [], []>, transpose_lhs_hint = false} : vector<2000x128xf32>, vector<128x128xf32>, vector<2000x128xf32> -> vector<2000x128xf32>
    %get3A_6 = arith.constant 0 : index
    %get3A_7 = arith.constant 0 : index
    %get3A_8 = vector.load %arg5[%get3A_6, %get3A_7] : memref<1x128xf32, #tpu.memory_space<vmem>>, vector<1x128xf32>
    %add3A = vector.broadcast %get3A_8 : vector<1x128xf32> to vector<2000x128xf32>
    %add3A_9 = arith.addf %dot_general3A_5, %add3A : vector<2000x128xf32>
    %convert_element_type3A = arith.truncf %add3A_9 : vector<2000x128xf32> to vector<2000x128xbf16>
    %mul3A = arith.constant 5.000000e-01 : bf16
    %mul3A_10 = vector.broadcast %mul3A : bf16 to vector<2000x128xbf16>
    %mul3A_11 = arith.mulf %mul3A_10, %convert_element_type3A : vector<2000x128xbf16>
    %mul3A_12 = arith.constant 7.070310e-01 : bf16
    %mul3A_13 = vector.broadcast %mul3A_12 : bf16 to vector<2000x128xbf16>
    %mul3A_14 = arith.mulf %convert_element_type3A, %mul3A_13 : vector<2000x128xbf16>
    %erf3A = math.erf %mul3A_14 : vector<2000x128xbf16>
    %add3A_15 = arith.constant 1.000000e+00 : bf16
    %add3A_16 = vector.broadcast %add3A_15 : bf16 to vector<2000x128xbf16>
    %add3A_17 = arith.addf %add3A_16, %erf3A : vector<2000x128xbf16>
    %mul3A_18 = arith.mulf %mul3A_11, %add3A_17 : vector<2000x128xbf16>
    %get3A_19 = arith.constant 0 : index
    %get3A_20 = arith.constant 0 : index
    %get3A_21 = vector.load %arg6[%get3A_19, %get3A_20] : memref<128x128xf32, #tpu.memory_space<vmem>>, vector<128x128xf32>
    %convert_element_type3A_22 = arith.truncf %get3A_21 : vector<128x128xf32> to vector<128x128xbf16>
    %dot_general3A_23 = arith.constant dense<0.000000e+00> : vector<2000x128xf32>
    %dot_general3A_24 = tpu.matmul %mul3A_18, %convert_element_type3A_22, %dot_general3A_23 {dimension_numbers = #tpu.dot_dimension_numbers<[1], [0], [0], [1], [0, 0, 1, 1], [], []>, transpose_lhs_hint = false} : vector<2000x128xbf16>, vector<128x128xbf16>, vector<2000x128xf32> -> vector<2000x128xf32>
    %get3A_25 = arith.constant 0 : index
    %get3A_26 = arith.constant 0 : index
    %get3A_27 = vector.load %arg7[%get3A_25, %get3A_26] : memref<1x128xf32, #tpu.memory_space<vmem>>, vector<1x128xf32>
    %add3A_28 = vector.broadcast %get3A_27 : vector<1x128xf32> to vector<2000x128xf32>
    %add3A_29 = arith.addf %dot_general3A_24, %add3A_28 : vector<2000x128xf32>
    %convert_element_type3A_30 = arith.truncf %add3A_29 : vector<2000x128xf32> to vector<2000x128xbf16>
    %mul3A_31 = arith.constant 5.000000e-01 : bf16
    %mul3A_32 = vector.broadcast %mul3A_31 : bf16 to vector<2000x128xbf16>
    %mul3A_33 = arith.mulf %mul3A_32, %convert_element_type3A_30 : vector<2000x128xbf16>
    %mul3A_34 = arith.constant 7.070310e-01 : bf16
    %mul3A_35 = vector.broadcast %mul3A_34 : bf16 to vector<2000x128xbf16>
    %mul3A_36 = arith.mulf %convert_element_type3A_30, %mul3A_35 : vector<2000x128xbf16>
    %erf3A_37 = math.erf %mul3A_36 : vector<2000x128xbf16>
    %add3A_38 = arith.constant 1.000000e+00 : bf16
    %add3A_39 = vector.broadcast %add3A_38 : bf16 to vector<2000x128xbf16>
    %add3A_40 = arith.addf %add3A_39, %erf3A_37 : vector<2000x128xbf16>
    %mul3A_41 = arith.mulf %mul3A_33, %add3A_40 : vector<2000x128xbf16>
    %get3A_42 = arith.constant 0 : index
    %get3A_43 = arith.constant 0 : index
    %get3A_44 = vector.load %arg8[%get3A_42, %get3A_43] : memref<128x128xf32, #tpu.memory_space<vmem>>, vector<128x128xf32>
    %convert_element_type3A_45 = arith.truncf %get3A_44 : vector<128x128xf32> to vector<128x128xbf16>
    %dot_general3A_46 = arith.constant dense<0.000000e+00> : vector<2000x128xf32>
    %dot_general3A_47 = tpu.matmul %mul3A_41, %convert_element_type3A_45, %dot_general3A_46 {dimension_numbers = #tpu.dot_dimension_numbers<[1], [0], [0], [1], [0, 0, 1, 1], [], []>, transpose_lhs_hint = false} : vector<2000x128xbf16>, vector<128x128xbf16>, vector<2000x128xf32> -> vector<2000x128xf32>
    %get3A_48 = arith.constant 0 : index
    %get3A_49 = arith.constant 0 : index
    %get3A_50 = vector.load %arg9[%get3A_48, %get3A_49] : memref<1x128xf32, #tpu.memory_space<vmem>>, vector<1x128xf32>
    %add3A_51 = vector.broadcast %get3A_50 : vector<1x128xf32> to vector<2000x128xf32>
    %add3A_52 = arith.addf %dot_general3A_47, %add3A_51 : vector<2000x128xf32>
    %get3A_53 = arith.constant 0 : index
    %get3A_54 = arith.constant 0 : index
    %get3A_55 = vector.load %arg2[%get3A_53, %get3A_54] : memref<2000x2xf32, #tpu.memory_space<vmem>>, vector<2000x2xf32>
    %get3A_56 = arith.constant 0 : index
    %get3A_57 = arith.constant 0 : index
    %get3A_58 = vector.load %arg3[%get3A_56, %get3A_57] : memref<2x64xf32, #tpu.memory_space<vmem>>, vector<2x64xf32>
    %dot_general3A_59 = arith.constant dense<0.000000e+00> : vector<2000x64xf32>
    %dot_general3A_60 = tpu.matmul %get3A_55, %get3A_58, %dot_general3A_59 {dimension_numbers = #tpu.dot_dimension_numbers<[1], [0], [0], [1], [0, 0, 1, 1], [], []>, transpose_lhs_hint = false} : vector<2000x2xf32>, vector<2x64xf32>, vector<2000x64xf32> -> vector<2000x64xf32>
    %round3A = math.roundeven %dot_general3A_60 : vector<2000x64xf32>
    %sub3A = arith.subf %dot_general3A_60, %round3A : vector<2000x64xf32>
    %mul3A_61 = arith.mulf %sub3A, %sub3A : vector<2000x64xf32>
    %broadcast_in_dim3A = arith.constant -21.2831936 : f32
    %broadcast_in_dim3A_62 = vector.broadcast %broadcast_in_dim3A : f32 to vector<2000x64xf32>
    %mul3A_63 = arith.mulf %broadcast_in_dim3A_62, %mul3A_61 : vector<2000x64xf32>
    %add3A_64 = arith.constant 58.9126472 : f32
    %add3A_65 = vector.broadcast %add3A_64 : f32 to vector<2000x64xf32>
    %add3A_66 = arith.addf %mul3A_63, %add3A_65 : vector<2000x64xf32>
    %mul3A_67 = arith.mulf %add3A_66, %mul3A_61 : vector<2000x64xf32>
    %add3A_68 = arith.constant -85.2959899 : f32
    %add3A_69 = vector.broadcast %add3A_68 : f32 to vector<2000x64xf32>
    %add3A_70 = arith.addf %mul3A_67, %add3A_69 : vector<2000x64xf32>
    %mul3A_71 = arith.mulf %add3A_70, %mul3A_61 : vector<2000x64xf32>
    %add3A_72 = arith.constant 64.9306182 : f32
    %add3A_73 = vector.broadcast %add3A_72 : f32 to vector<2000x64xf32>
    %add3A_74 = arith.addf %mul3A_71, %add3A_73 : vector<2000x64xf32>
    %mul3A_75 = arith.mulf %add3A_74, %mul3A_61 : vector<2000x64xf32>
    %add3A_76 = arith.constant -19.7390347 : f32
    %add3A_77 = vector.broadcast %add3A_76 : f32 to vector<2000x64xf32>
    %add3A_78 = arith.addf %mul3A_75, %add3A_77 : vector<2000x64xf32>
    %mul3A_79 = arith.mulf %add3A_78, %mul3A_61 : vector<2000x64xf32>
    %add3A_80 = arith.constant 0.999999463 : f32
    %add3A_81 = vector.broadcast %add3A_80 : f32 to vector<2000x64xf32>
    %add3A_82 = arith.addf %mul3A_79, %add3A_81 : vector<2000x64xf32>
    %broadcast_in_dim3A_83 = arith.constant -12.5764885 : f32
    %broadcast_in_dim3A_84 = vector.broadcast %broadcast_in_dim3A_83 : f32 to vector<2000x64xf32>
    %mul3A_85 = arith.mulf %broadcast_in_dim3A_84, %mul3A_61 : vector<2000x64xf32>
    %add3A_86 = arith.constant 4.140350e+01 : f32
    %add3A_87 = vector.broadcast %add3A_86 : f32 to vector<2000x64xf32>
    %add3A_88 = arith.addf %mul3A_85, %add3A_87 : vector<2000x64xf32>
    %mul3A_89 = arith.mulf %add3A_88, %mul3A_61 : vector<2000x64xf32>
    %add3A_90 = arith.constant -76.626564 : f32
    %add3A_91 = vector.broadcast %add3A_90 : f32 to vector<2000x64xf32>
    %add3A_92 = arith.addf %mul3A_89, %add3A_91 : vector<2000x64xf32>
    %mul3A_93 = arith.mulf %add3A_92, %mul3A_61 : vector<2000x64xf32>
    %add3A_94 = arith.constant 81.600914 : f32
    %add3A_95 = vector.broadcast %add3A_94 : f32 to vector<2000x64xf32>
    %add3A_96 = arith.addf %mul3A_93, %add3A_95 : vector<2000x64xf32>
    %mul3A_97 = arith.mulf %add3A_96, %mul3A_61 : vector<2000x64xf32>
    %add3A_98 = arith.constant -41.3416176 : f32
    %add3A_99 = vector.broadcast %add3A_98 : f32 to vector<2000x64xf32>
    %add3A_100 = arith.addf %mul3A_97, %add3A_99 : vector<2000x64xf32>
    %mul3A_101 = arith.mulf %add3A_100, %mul3A_61 : vector<2000x64xf32>
    %add3A_102 = arith.constant 6.283185 : f32
    %add3A_103 = vector.broadcast %add3A_102 : f32 to vector<2000x64xf32>
    %add3A_104 = arith.addf %mul3A_101, %add3A_103 : vector<2000x64xf32>
    %mul3A_105 = arith.mulf %sub3A, %add3A_104 : vector<2000x64xf32>
    %concatenate3A = tpu.concatenate %add3A_82, %mul3A_105 in 1 : vector<2000x64xf32>, vector<2000x64xf32> -> vector<2000x128xf32>
    %add3A_106 = arith.addf %add3A_52, %concatenate3A : vector<2000x128xf32>
    %swap3A = arith.constant 0 : index
    %swap3A_107 = arith.constant 0 : index
    %swap3A_108 = vector.load %arg10[%swap3A, %swap3A_107] : memref<2000x128xf32, #tpu.memory_space<vmem>>, vector<2000x128xf32>
    tpu.vector_store %arg10[%swap3A, %swap3A_107], %add3A_106 {strides = array<i32>} : memref<2000x128xf32, #tpu.memory_space<vmem>>, vector<2000x128xf32>,
    return
  }
  func.func @transform_0(%arg0: i32) -> (i32, i32) {
    %c0_i32 = arith.constant 0 : i32
    %c0_i32_0 = arith.constant 0 : i32
    return %arg0, %c0_i32 : i32, i32
  }
  func.func @transform_1(%arg0: i32) -> (i32, i32) {
    %c0_i32 = arith.constant 0 : i32
    %c0_i32_0 = arith.constant 0 : i32
    return %arg0, %c0_i32 : i32, i32
  }
  func.func @transform_2(%arg0: i32) -> (i32, i32) {
    %c0_i32 = arith.constant 0 : i32
    %c0_i32_0 = arith.constant 0 : i32
    %c0_i32_1 = arith.constant 0 : i32
    return %c0_i32, %c0_i32_0 : i32, i32
  }
  func.func @transform_3(%arg0: i32) -> (i32, i32) {
    %c0_i32 = arith.constant 0 : i32
    %c0_i32_0 = arith.constant 0 : i32
    %c0_i32_1 = arith.constant 0 : i32
    return %c0_i32, %c0_i32_0 : i32, i32
  }
  func.func @transform_4(%arg0: i32) -> (i32, i32) {
    %c0_i32 = arith.constant 0 : i32
    %c0_i32_0 = arith.constant 0 : i32
    %c0_i32_1 = arith.constant 0 : i32
    return %c0_i32, %c0_i32_0 : i32, i32
  }
  func.func @transform_5(%arg0: i32) -> (i32, i32) {
    %c0_i32 = arith.constant 0 : i32
    %c0_i32_0 = arith.constant 0 : i32
    %c0_i32_1 = arith.constant 0 : i32
    return %c0_i32, %c0_i32_0 : i32, i32
  }
  func.func @transform_6(%arg0: i32) -> (i32, i32) {
    %c0_i32 = arith.constant 0 : i32
    %c0_i32_0 = arith.constant 0 : i32
    %c0_i32_1 = arith.constant 0 : i32
    return %c0_i32, %c0_i32_0 : i32, i32
  }
  func.func @transform_7(%arg0: i32) -> (i32, i32) {
    %c0_i32 = arith.constant 0 : i32
    %c0_i32_0 = arith.constant 0 : i32
    %c0_i32_1 = arith.constant 0 : i32
    return %c0_i32, %c0_i32_0 : i32, i32
  }
  func.func @transform_8(%arg0: i32) -> (i32, i32) {
    %c0_i32 = arith.constant 0 : i32
    %c0_i32_0 = arith.constant 0 : i32
    %c0_i32_1 = arith.constant 0 : i32
    return %c0_i32, %c0_i32_0 : i32, i32
  }
  func.func @transform_9(%arg0: i32) -> (i32, i32) {
    %c0_i32 = arith.constant 0 : i32
    %c0_i32_0 = arith.constant 0 : i32
    return %arg0, %c0_i32 : i32, i32
  }
}

module attributes {stable_mosaic.version = 14 : i64} {
  func.func @_edge_body(%arg0: i32, %arg1: memref<2048x128xf32, #tpu.memory_space<vmem>>, %arg2: memref<16x128xf32, #tpu.memory_space<vmem>>, %arg3: memref<1x1xf32, #tpu.memory_space<vmem>>, %arg4: memref<128x256xf32, #tpu.memory_space<vmem>>, %arg5: memref<128x256xf32, #tpu.memory_space<vmem>>, %arg6: memref<1x256xf32, #tpu.memory_space<vmem>>, %arg7: memref<256x128xf32, #tpu.memory_space<vmem>>, %arg8: memref<1x128xf32, #tpu.memory_space<vmem>>, %arg9: memref<128x128xf32, #tpu.memory_space<vmem>>, %arg10: memref<1x128xf32, #tpu.memory_space<vmem>>, %arg11: memref<16x128xf32, #tpu.memory_space<vmem>>) attributes {dimension_semantics = [#tpu.dimension_semantics<arbitrary>], iteration_bounds = array<i64: 32>, scalar_prefetch = 0 : i64, scratch_operands = 0 : i64, tpu.core_type = #tpu.core_type<tc>, window_params = [{transform_indices = @transform_0, window_bounds = array<i64: 2048, 128>}, {transform_indices = @transform_1, window_bounds = array<i64: 16, 128>}, {pipeline_mode = #tpu.pipeline_mode<synchronous>, transform_indices = @transform_2, window_bounds = array<i64: 1, 1>}, {transform_indices = @transform_3, window_bounds = array<i64: 128, 256>}, {transform_indices = @transform_4, window_bounds = array<i64: 128, 256>}, {pipeline_mode = #tpu.pipeline_mode<synchronous>, transform_indices = @transform_5, window_bounds = array<i64: 1, 256>}, {pipeline_mode = #tpu.pipeline_mode<synchronous>, transform_indices = @transform_6, window_bounds = array<i64: 256, 128>}, {pipeline_mode = #tpu.pipeline_mode<synchronous>, transform_indices = @transform_7, window_bounds = array<i64: 1, 128>}, {pipeline_mode = #tpu.pipeline_mode<synchronous>, transform_indices = @transform_8, window_bounds = array<i64: 128, 128>}, {pipeline_mode = #tpu.pipeline_mode<synchronous>, transform_indices = @transform_9, window_bounds = array<i64: 1, 128>}, {transform_indices = @transform_10, window_bounds = array<i64: 16, 128>}]} {
    %get3A = arith.constant 0 : index
    %get3A_0 = arith.constant 0 : index
    %get3A_1 = vector.load %arg2[%get3A, %get3A_0] : memref<16x128xf32, #tpu.memory_space<vmem>>, vector<16x128xf32>
    %convert_element_type3A = arith.truncf %get3A_1 : vector<16x128xf32> to vector<16x128xbf16>
    %get3A_2 = arith.constant 0 : index
    %get3A_3 = arith.constant 0 : index
    %get3A_4 = vector.load %arg5[%get3A_2, %get3A_3] : memref<128x256xf32, #tpu.memory_space<vmem>>, vector<128x256xf32>
    %convert_element_type3A_5 = arith.truncf %get3A_4 : vector<128x256xf32> to vector<128x256xbf16>
    %dot_general3A = arith.constant dense<0.000000e+00> : vector<16x256xf32>
    %dot_general3A_6 = tpu.matmul %convert_element_type3A, %convert_element_type3A_5, %dot_general3A {dimension_numbers = #tpu.dot_dimension_numbers<[1], [0], [0], [1], [0, 0, 1, 1], [], []>, transpose_lhs_hint = false} : vector<16x128xbf16>, vector<128x256xbf16>, vector<16x256xf32> -> vector<16x256xf32>
    %get3A_7 = arith.constant 0 : index
    %get3A_8 = arith.constant 0 : index
    %get3A_9 = vector.load %arg6[%get3A_7, %get3A_8] : memref<1x256xf32, #tpu.memory_space<vmem>>, vector<1x256xf32>
    %add3A = vector.broadcast %get3A_9 : vector<1x256xf32> to vector<16x256xf32>
    %add3A_10 = arith.addf %dot_general3A_6, %add3A : vector<16x256xf32>
    %reshape3A = vector.shape_cast %add3A_10 : vector<16x256xf32> to vector<16x1x256xf32>
    %broadcast_in_dim3A = vector.shape_cast %reshape3A : vector<16x1x256xf32> to vector<16x1x256xf32>
    %broadcast_in_dim3A_11 = vector.broadcast %broadcast_in_dim3A : vector<16x1x256xf32> to vector<16x128x256xf32>
    %reshape3A_12 = vector.shape_cast %broadcast_in_dim3A_11 : vector<16x128x256xf32> to vector<2048x256xf32>
    %get3A_13 = arith.constant 0 : index
    %get3A_14 = arith.constant 0 : index
    %get3A_15 = vector.load %arg1[%get3A_13, %get3A_14] : memref<2048x128xf32, #tpu.memory_space<vmem>>, vector<2048x128xf32>
    %convert_element_type3A_16 = arith.truncf %get3A_15 : vector<2048x128xf32> to vector<2048x128xbf16>
    %get3A_17 = arith.constant 0 : index
    %get3A_18 = arith.constant 0 : index
    %get3A_19 = vector.load %arg4[%get3A_17, %get3A_18] : memref<128x256xf32, #tpu.memory_space<vmem>>, vector<128x256xf32>
    %convert_element_type3A_20 = arith.truncf %get3A_19 : vector<128x256xf32> to vector<128x256xbf16>
    %dot_general3A_21 = arith.constant dense<0.000000e+00> : vector<2048x256xf32>
    %dot_general3A_22 = tpu.matmul %convert_element_type3A_16, %convert_element_type3A_20, %dot_general3A_21 {dimension_numbers = #tpu.dot_dimension_numbers<[1], [0], [0], [1], [0, 0, 1, 1], [], []>, transpose_lhs_hint = false} : vector<2048x128xbf16>, vector<128x256xbf16>, vector<2048x256xf32> -> vector<2048x256xf32>
    %add3A_23 = arith.addf %dot_general3A_22, %reshape3A_12 : vector<2048x256xf32>
    %convert_element_type3A_24 = arith.truncf %add3A_23 : vector<2048x256xf32> to vector<2048x256xbf16>
    %mul3A = arith.constant 5.000000e-01 : bf16
    %mul3A_25 = vector.broadcast %mul3A : bf16 to vector<2048x256xbf16>
    %mul3A_26 = arith.mulf %mul3A_25, %convert_element_type3A_24 : vector<2048x256xbf16>
    %mul3A_27 = arith.constant 7.070310e-01 : bf16
    %mul3A_28 = vector.broadcast %mul3A_27 : bf16 to vector<2048x256xbf16>
    %mul3A_29 = arith.mulf %convert_element_type3A_24, %mul3A_28 : vector<2048x256xbf16>
    %erf3A = math.erf %mul3A_29 : vector<2048x256xbf16>
    %add3A_30 = arith.constant 1.000000e+00 : bf16
    %add3A_31 = vector.broadcast %add3A_30 : bf16 to vector<2048x256xbf16>
    %add3A_32 = arith.addf %add3A_31, %erf3A : vector<2048x256xbf16>
    %mul3A_33 = arith.mulf %mul3A_26, %add3A_32 : vector<2048x256xbf16>
    %get3A_34 = arith.constant 0 : index
    %get3A_35 = arith.constant 0 : index
    %get3A_36 = vector.load %arg7[%get3A_34, %get3A_35] : memref<256x128xf32, #tpu.memory_space<vmem>>, vector<256x128xf32>
    %convert_element_type3A_37 = arith.truncf %get3A_36 : vector<256x128xf32> to vector<256x128xbf16>
    %dot_general3A_38 = arith.constant dense<0.000000e+00> : vector<2048x128xf32>
    %dot_general3A_39 = tpu.matmul %mul3A_33, %convert_element_type3A_37, %dot_general3A_38 {dimension_numbers = #tpu.dot_dimension_numbers<[1], [0], [0], [1], [0, 0, 1, 1], [], []>, transpose_lhs_hint = false} : vector<2048x256xbf16>, vector<256x128xbf16>, vector<2048x128xf32> -> vector<2048x128xf32>
    %get3A_40 = arith.constant 0 : index
    %get3A_41 = arith.constant 0 : index
    %get3A_42 = vector.load %arg8[%get3A_40, %get3A_41] : memref<1x128xf32, #tpu.memory_space<vmem>>, vector<1x128xf32>
    %add3A_43 = vector.broadcast %get3A_42 : vector<1x128xf32> to vector<2048x128xf32>
    %add3A_44 = arith.addf %dot_general3A_39, %add3A_43 : vector<2048x128xf32>
    %convert_element_type3A_45 = arith.truncf %add3A_44 : vector<2048x128xf32> to vector<2048x128xbf16>
    %mul3A_46 = arith.constant 5.000000e-01 : bf16
    %mul3A_47 = vector.broadcast %mul3A_46 : bf16 to vector<2048x128xbf16>
    %mul3A_48 = arith.mulf %mul3A_47, %convert_element_type3A_45 : vector<2048x128xbf16>
    %mul3A_49 = arith.constant 7.070310e-01 : bf16
    %mul3A_50 = vector.broadcast %mul3A_49 : bf16 to vector<2048x128xbf16>
    %mul3A_51 = arith.mulf %convert_element_type3A_45, %mul3A_50 : vector<2048x128xbf16>
    %erf3A_52 = math.erf %mul3A_51 : vector<2048x128xbf16>
    %add3A_53 = arith.constant 1.000000e+00 : bf16
    %add3A_54 = vector.broadcast %add3A_53 : bf16 to vector<2048x128xbf16>
    %add3A_55 = arith.addf %add3A_54, %erf3A_52 : vector<2048x128xbf16>
    %mul3A_56 = arith.mulf %mul3A_48, %add3A_55 : vector<2048x128xbf16>
    %get3A_57 = arith.constant 0 : index
    %get3A_58 = arith.constant 0 : index
    %get3A_59 = vector.load %arg9[%get3A_57, %get3A_58] : memref<128x128xf32, #tpu.memory_space<vmem>>, vector<128x128xf32>
    %convert_element_type3A_60 = arith.truncf %get3A_59 : vector<128x128xf32> to vector<128x128xbf16>
    %dot_general3A_61 = arith.constant dense<0.000000e+00> : vector<2048x128xf32>
    %dot_general3A_62 = tpu.matmul %mul3A_56, %convert_element_type3A_60, %dot_general3A_61 {dimension_numbers = #tpu.dot_dimension_numbers<[1], [0], [0], [1], [0, 0, 1, 1], [], []>, transpose_lhs_hint = false} : vector<2048x128xbf16>, vector<128x128xbf16>, vector<2048x128xf32> -> vector<2048x128xf32>
    %get3A_63 = arith.constant 0 : index
    %get3A_64 = arith.constant 0 : index
    %get3A_65 = vector.load %arg10[%get3A_63, %get3A_64] : memref<1x128xf32, #tpu.memory_space<vmem>>, vector<1x128xf32>
    %add3A_66 = vector.broadcast %get3A_65 : vector<1x128xf32> to vector<2048x128xf32>
    %add3A_67 = arith.addf %dot_general3A_62, %add3A_66 : vector<2048x128xf32>
    %reshape3A_68 = vector.shape_cast %add3A_67 : vector<2048x128xf32> to vector<16x128x128xf32>
    %reduce_sum3A = arith.constant dense<0.000000e+00> : vector<16x128xf32>
    %reduce_sum3A_69 = vector.multi_reduction <add>, %reshape3A_68, %reduce_sum3A [1] : vector<16x128x128xf32> to vector<16x128xf32>
    %mul3A_70 = arith.constant 7.812500e-03 : f32
    %mul3A_71 = vector.broadcast %mul3A_70 : f32 to vector<16x128xf32>
    %mul3A_72 = arith.mulf %reduce_sum3A_69, %mul3A_71 : vector<16x128xf32>
    %get3A_73 = arith.constant 0 : index
    %get3A_74 = arith.constant 0 : index
    %get3A_75 = vector.load %arg3[%get3A_73, %get3A_74] : memref<1x1xf32, #tpu.memory_space<vmem>>, vector<1x1xf32>
    %add3A_76 = vector.broadcast %get3A_75 : vector<1x1xf32> to vector<16x128xf32>
    %add3A_77 = arith.addf %mul3A_72, %add3A_76 : vector<16x128xf32>
    %swap3A = arith.constant 0 : index
    %swap3A_78 = arith.constant 0 : index
    %swap3A_79 = vector.load %arg11[%swap3A, %swap3A_78] : memref<16x128xf32, #tpu.memory_space<vmem>>, vector<16x128xf32>
    tpu.vector_store %arg11[%swap3A, %swap3A_78], %add3A_77 {strides = array<i32>} : memref<16x128xf32, #tpu.memory_space<vmem>>, vector<16x128xf32>,
    return
  }
  func.func @transform_0(%arg0: i32) -> (i32, i32) {
    %c0_i32 = arith.constant 0 : i32
    %c0_i32_0 = arith.constant 0 : i32
    return %arg0, %c0_i32 : i32, i32
  }
  func.func @transform_1(%arg0: i32) -> (i32, i32) {
    %add3A = arith.constant 96 : i32
    %add3A_0 = arith.addi %arg0, %add3A : i32
    %c0_i32 = arith.constant 0 : i32
    %c0_i32_1 = arith.constant 0 : i32
    return %add3A_0, %c0_i32 : i32, i32
  }
  func.func @transform_2(%arg0: i32) -> (i32, i32) {
    %c0_i32 = arith.constant 0 : i32
    %c0_i32_0 = arith.constant 0 : i32
    %c0_i32_1 = arith.constant 0 : i32
    return %c0_i32, %c0_i32_0 : i32, i32
  }
  func.func @transform_3(%arg0: i32) -> (i32, i32) {
    %c0_i32 = arith.constant 0 : i32
    %c0_i32_0 = arith.constant 0 : i32
    %c0_i32_1 = arith.constant 0 : i32
    return %c0_i32, %c0_i32_0 : i32, i32
  }
  func.func @transform_4(%arg0: i32) -> (i32, i32) {
    %c1_i32 = arith.constant 1 : i32
    %c0_i32 = arith.constant 0 : i32
    %c0_i32_0 = arith.constant 0 : i32
    return %c1_i32, %c0_i32 : i32, i32
  }
  func.func @transform_5(%arg0: i32) -> (i32, i32) {
    %c0_i32 = arith.constant 0 : i32
    %c0_i32_0 = arith.constant 0 : i32
    %c0_i32_1 = arith.constant 0 : i32
    return %c0_i32, %c0_i32_0 : i32, i32
  }
  func.func @transform_6(%arg0: i32) -> (i32, i32) {
    %c0_i32 = arith.constant 0 : i32
    %c0_i32_0 = arith.constant 0 : i32
    %c0_i32_1 = arith.constant 0 : i32
    return %c0_i32, %c0_i32_0 : i32, i32
  }
  func.func @transform_7(%arg0: i32) -> (i32, i32) {
    %c0_i32 = arith.constant 0 : i32
    %c0_i32_0 = arith.constant 0 : i32
    %c0_i32_1 = arith.constant 0 : i32
    return %c0_i32, %c0_i32_0 : i32, i32
  }
  func.func @transform_8(%arg0: i32) -> (i32, i32) {
    %c0_i32 = arith.constant 0 : i32
    %c0_i32_0 = arith.constant 0 : i32
    %c0_i32_1 = arith.constant 0 : i32
    return %c0_i32, %c0_i32_0 : i32, i32
  }
  func.func @transform_9(%arg0: i32) -> (i32, i32) {
    %c0_i32 = arith.constant 0 : i32
    %c0_i32_0 = arith.constant 0 : i32
    %c0_i32_1 = arith.constant 0 : i32
    return %c0_i32, %c0_i32_0 : i32, i32
  }
  func.func @transform_10(%arg0: i32) -> (i32, i32) {
    %c0_i32 = arith.constant 0 : i32
    %c0_i32_0 = arith.constant 0 : i32
    return %arg0, %c0_i32 : i32, i32
  }
}

module attributes {stable_mosaic.version = 14 : i64} {
  func.func @_edge_body(%arg0: i32, %arg1: memref<2048x128xf32, #tpu.memory_space<vmem>>, %arg2: memref<16x128xf32, #tpu.memory_space<vmem>>, %arg3: memref<1x1xf32, #tpu.memory_space<vmem>>, %arg4: memref<128x256xf32, #tpu.memory_space<vmem>>, %arg5: memref<128x256xf32, #tpu.memory_space<vmem>>, %arg6: memref<1x256xf32, #tpu.memory_space<vmem>>, %arg7: memref<256x128xf32, #tpu.memory_space<vmem>>, %arg8: memref<1x128xf32, #tpu.memory_space<vmem>>, %arg9: memref<128x128xf32, #tpu.memory_space<vmem>>, %arg10: memref<1x128xf32, #tpu.memory_space<vmem>>, %arg11: memref<16x128xf32, #tpu.memory_space<vmem>>) attributes {dimension_semantics = [#tpu.dimension_semantics<arbitrary>], iteration_bounds = array<i64: 32>, scalar_prefetch = 0 : i64, scratch_operands = 0 : i64, tpu.core_type = #tpu.core_type<tc>, window_params = [{transform_indices = @transform_0, window_bounds = array<i64: 2048, 128>}, {transform_indices = @transform_1, window_bounds = array<i64: 16, 128>}, {pipeline_mode = #tpu.pipeline_mode<synchronous>, transform_indices = @transform_2, window_bounds = array<i64: 1, 1>}, {transform_indices = @transform_3, window_bounds = array<i64: 128, 256>}, {transform_indices = @transform_4, window_bounds = array<i64: 128, 256>}, {pipeline_mode = #tpu.pipeline_mode<synchronous>, transform_indices = @transform_5, window_bounds = array<i64: 1, 256>}, {pipeline_mode = #tpu.pipeline_mode<synchronous>, transform_indices = @transform_6, window_bounds = array<i64: 256, 128>}, {pipeline_mode = #tpu.pipeline_mode<synchronous>, transform_indices = @transform_7, window_bounds = array<i64: 1, 128>}, {pipeline_mode = #tpu.pipeline_mode<synchronous>, transform_indices = @transform_8, window_bounds = array<i64: 128, 128>}, {pipeline_mode = #tpu.pipeline_mode<synchronous>, transform_indices = @transform_9, window_bounds = array<i64: 1, 128>}, {transform_indices = @transform_10, window_bounds = array<i64: 16, 128>}]} {
    %get3A = arith.constant 0 : index
    %get3A_0 = arith.constant 0 : index
    %get3A_1 = vector.load %arg2[%get3A, %get3A_0] : memref<16x128xf32, #tpu.memory_space<vmem>>, vector<16x128xf32>
    %convert_element_type3A = arith.truncf %get3A_1 : vector<16x128xf32> to vector<16x128xbf16>
    %get3A_2 = arith.constant 0 : index
    %get3A_3 = arith.constant 0 : index
    %get3A_4 = vector.load %arg5[%get3A_2, %get3A_3] : memref<128x256xf32, #tpu.memory_space<vmem>>, vector<128x256xf32>
    %convert_element_type3A_5 = arith.truncf %get3A_4 : vector<128x256xf32> to vector<128x256xbf16>
    %dot_general3A = arith.constant dense<0.000000e+00> : vector<16x256xf32>
    %dot_general3A_6 = tpu.matmul %convert_element_type3A, %convert_element_type3A_5, %dot_general3A {dimension_numbers = #tpu.dot_dimension_numbers<[1], [0], [0], [1], [0, 0, 1, 1], [], []>, transpose_lhs_hint = false} : vector<16x128xbf16>, vector<128x256xbf16>, vector<16x256xf32> -> vector<16x256xf32>
    %get3A_7 = arith.constant 0 : index
    %get3A_8 = arith.constant 0 : index
    %get3A_9 = vector.load %arg6[%get3A_7, %get3A_8] : memref<1x256xf32, #tpu.memory_space<vmem>>, vector<1x256xf32>
    %add3A = vector.broadcast %get3A_9 : vector<1x256xf32> to vector<16x256xf32>
    %add3A_10 = arith.addf %dot_general3A_6, %add3A : vector<16x256xf32>
    %reshape3A = vector.shape_cast %add3A_10 : vector<16x256xf32> to vector<16x1x256xf32>
    %broadcast_in_dim3A = vector.shape_cast %reshape3A : vector<16x1x256xf32> to vector<16x1x256xf32>
    %broadcast_in_dim3A_11 = vector.broadcast %broadcast_in_dim3A : vector<16x1x256xf32> to vector<16x128x256xf32>
    %reshape3A_12 = vector.shape_cast %broadcast_in_dim3A_11 : vector<16x128x256xf32> to vector<2048x256xf32>
    %get3A_13 = arith.constant 0 : index
    %get3A_14 = arith.constant 0 : index
    %get3A_15 = vector.load %arg1[%get3A_13, %get3A_14] : memref<2048x128xf32, #tpu.memory_space<vmem>>, vector<2048x128xf32>
    %convert_element_type3A_16 = arith.truncf %get3A_15 : vector<2048x128xf32> to vector<2048x128xbf16>
    %get3A_17 = arith.constant 0 : index
    %get3A_18 = arith.constant 0 : index
    %get3A_19 = vector.load %arg4[%get3A_17, %get3A_18] : memref<128x256xf32, #tpu.memory_space<vmem>>, vector<128x256xf32>
    %convert_element_type3A_20 = arith.truncf %get3A_19 : vector<128x256xf32> to vector<128x256xbf16>
    %dot_general3A_21 = arith.constant dense<0.000000e+00> : vector<2048x256xf32>
    %dot_general3A_22 = tpu.matmul %convert_element_type3A_16, %convert_element_type3A_20, %dot_general3A_21 {dimension_numbers = #tpu.dot_dimension_numbers<[1], [0], [0], [1], [0, 0, 1, 1], [], []>, transpose_lhs_hint = false} : vector<2048x128xbf16>, vector<128x256xbf16>, vector<2048x256xf32> -> vector<2048x256xf32>
    %add3A_23 = arith.addf %dot_general3A_22, %reshape3A_12 : vector<2048x256xf32>
    %convert_element_type3A_24 = arith.truncf %add3A_23 : vector<2048x256xf32> to vector<2048x256xbf16>
    %mul3A = arith.constant 5.000000e-01 : bf16
    %mul3A_25 = vector.broadcast %mul3A : bf16 to vector<2048x256xbf16>
    %mul3A_26 = arith.mulf %mul3A_25, %convert_element_type3A_24 : vector<2048x256xbf16>
    %mul3A_27 = arith.constant 7.070310e-01 : bf16
    %mul3A_28 = vector.broadcast %mul3A_27 : bf16 to vector<2048x256xbf16>
    %mul3A_29 = arith.mulf %convert_element_type3A_24, %mul3A_28 : vector<2048x256xbf16>
    %erf3A = math.erf %mul3A_29 : vector<2048x256xbf16>
    %add3A_30 = arith.constant 1.000000e+00 : bf16
    %add3A_31 = vector.broadcast %add3A_30 : bf16 to vector<2048x256xbf16>
    %add3A_32 = arith.addf %add3A_31, %erf3A : vector<2048x256xbf16>
    %mul3A_33 = arith.mulf %mul3A_26, %add3A_32 : vector<2048x256xbf16>
    %get3A_34 = arith.constant 0 : index
    %get3A_35 = arith.constant 0 : index
    %get3A_36 = vector.load %arg7[%get3A_34, %get3A_35] : memref<256x128xf32, #tpu.memory_space<vmem>>, vector<256x128xf32>
    %convert_element_type3A_37 = arith.truncf %get3A_36 : vector<256x128xf32> to vector<256x128xbf16>
    %dot_general3A_38 = arith.constant dense<0.000000e+00> : vector<2048x128xf32>
    %dot_general3A_39 = tpu.matmul %mul3A_33, %convert_element_type3A_37, %dot_general3A_38 {dimension_numbers = #tpu.dot_dimension_numbers<[1], [0], [0], [1], [0, 0, 1, 1], [], []>, transpose_lhs_hint = false} : vector<2048x256xbf16>, vector<256x128xbf16>, vector<2048x128xf32> -> vector<2048x128xf32>
    %get3A_40 = arith.constant 0 : index
    %get3A_41 = arith.constant 0 : index
    %get3A_42 = vector.load %arg8[%get3A_40, %get3A_41] : memref<1x128xf32, #tpu.memory_space<vmem>>, vector<1x128xf32>
    %add3A_43 = vector.broadcast %get3A_42 : vector<1x128xf32> to vector<2048x128xf32>
    %add3A_44 = arith.addf %dot_general3A_39, %add3A_43 : vector<2048x128xf32>
    %convert_element_type3A_45 = arith.truncf %add3A_44 : vector<2048x128xf32> to vector<2048x128xbf16>
    %mul3A_46 = arith.constant 5.000000e-01 : bf16
    %mul3A_47 = vector.broadcast %mul3A_46 : bf16 to vector<2048x128xbf16>
    %mul3A_48 = arith.mulf %mul3A_47, %convert_element_type3A_45 : vector<2048x128xbf16>
    %mul3A_49 = arith.constant 7.070310e-01 : bf16
    %mul3A_50 = vector.broadcast %mul3A_49 : bf16 to vector<2048x128xbf16>
    %mul3A_51 = arith.mulf %convert_element_type3A_45, %mul3A_50 : vector<2048x128xbf16>
    %erf3A_52 = math.erf %mul3A_51 : vector<2048x128xbf16>
    %add3A_53 = arith.constant 1.000000e+00 : bf16
    %add3A_54 = vector.broadcast %add3A_53 : bf16 to vector<2048x128xbf16>
    %add3A_55 = arith.addf %add3A_54, %erf3A_52 : vector<2048x128xbf16>
    %mul3A_56 = arith.mulf %mul3A_48, %add3A_55 : vector<2048x128xbf16>
    %get3A_57 = arith.constant 0 : index
    %get3A_58 = arith.constant 0 : index
    %get3A_59 = vector.load %arg9[%get3A_57, %get3A_58] : memref<128x128xf32, #tpu.memory_space<vmem>>, vector<128x128xf32>
    %convert_element_type3A_60 = arith.truncf %get3A_59 : vector<128x128xf32> to vector<128x128xbf16>
    %dot_general3A_61 = arith.constant dense<0.000000e+00> : vector<2048x128xf32>
    %dot_general3A_62 = tpu.matmul %mul3A_56, %convert_element_type3A_60, %dot_general3A_61 {dimension_numbers = #tpu.dot_dimension_numbers<[1], [0], [0], [1], [0, 0, 1, 1], [], []>, transpose_lhs_hint = false} : vector<2048x128xbf16>, vector<128x128xbf16>, vector<2048x128xf32> -> vector<2048x128xf32>
    %get3A_63 = arith.constant 0 : index
    %get3A_64 = arith.constant 0 : index
    %get3A_65 = vector.load %arg10[%get3A_63, %get3A_64] : memref<1x128xf32, #tpu.memory_space<vmem>>, vector<1x128xf32>
    %add3A_66 = vector.broadcast %get3A_65 : vector<1x128xf32> to vector<2048x128xf32>
    %add3A_67 = arith.addf %dot_general3A_62, %add3A_66 : vector<2048x128xf32>
    %reshape3A_68 = vector.shape_cast %add3A_67 : vector<2048x128xf32> to vector<16x128x128xf32>
    %reduce_sum3A = arith.constant dense<0.000000e+00> : vector<16x128xf32>
    %reduce_sum3A_69 = vector.multi_reduction <add>, %reshape3A_68, %reduce_sum3A [1] : vector<16x128x128xf32> to vector<16x128xf32>
    %mul3A_70 = arith.constant 7.812500e-03 : f32
    %mul3A_71 = vector.broadcast %mul3A_70 : f32 to vector<16x128xf32>
    %mul3A_72 = arith.mulf %reduce_sum3A_69, %mul3A_71 : vector<16x128xf32>
    %get3A_73 = arith.constant 0 : index
    %get3A_74 = arith.constant 0 : index
    %get3A_75 = vector.load %arg3[%get3A_73, %get3A_74] : memref<1x1xf32, #tpu.memory_space<vmem>>, vector<1x1xf32>
    %add3A_76 = vector.broadcast %get3A_75 : vector<1x1xf32> to vector<16x128xf32>
    %add3A_77 = arith.addf %mul3A_72, %add3A_76 : vector<16x128xf32>
    %swap3A = arith.constant 0 : index
    %swap3A_78 = arith.constant 0 : index
    %swap3A_79 = vector.load %arg11[%swap3A, %swap3A_78] : memref<16x128xf32, #tpu.memory_space<vmem>>, vector<16x128xf32>
    tpu.vector_store %arg11[%swap3A, %swap3A_78], %add3A_77 {strides = array<i32>} : memref<16x128xf32, #tpu.memory_space<vmem>>, vector<16x128xf32>,
    return
  }
  func.func @transform_0(%arg0: i32) -> (i32, i32) {
    %c0_i32 = arith.constant 0 : i32
    %c0_i32_0 = arith.constant 0 : i32
    return %arg0, %c0_i32 : i32, i32
  }
  func.func @transform_1(%arg0: i32) -> (i32, i32) {
    %add3A = arith.constant 64 : i32
    %add3A_0 = arith.addi %arg0, %add3A : i32
    %c0_i32 = arith.constant 0 : i32
    %c0_i32_1 = arith.constant 0 : i32
    return %add3A_0, %c0_i32 : i32, i32
  }
  func.func @transform_2(%arg0: i32) -> (i32, i32) {
    %c0_i32 = arith.constant 0 : i32
    %c0_i32_0 = arith.constant 0 : i32
    %c0_i32_1 = arith.constant 0 : i32
    return %c0_i32, %c0_i32_0 : i32, i32
  }
  func.func @transform_3(%arg0: i32) -> (i32, i32) {
    %c0_i32 = arith.constant 0 : i32
    %c0_i32_0 = arith.constant 0 : i32
    %c0_i32_1 = arith.constant 0 : i32
    return %c0_i32, %c0_i32_0 : i32, i32
  }
  func.func @transform_4(%arg0: i32) -> (i32, i32) {
    %c1_i32 = arith.constant 1 : i32
    %c0_i32 = arith.constant 0 : i32
    %c0_i32_0 = arith.constant 0 : i32
    return %c1_i32, %c0_i32 : i32, i32
  }
  func.func @transform_5(%arg0: i32) -> (i32, i32) {
    %c0_i32 = arith.constant 0 : i32
    %c0_i32_0 = arith.constant 0 : i32
    %c0_i32_1 = arith.constant 0 : i32
    return %c0_i32, %c0_i32_0 : i32, i32
  }
  func.func @transform_6(%arg0: i32) -> (i32, i32) {
    %c0_i32 = arith.constant 0 : i32
    %c0_i32_0 = arith.constant 0 : i32
    %c0_i32_1 = arith.constant 0 : i32
    return %c0_i32, %c0_i32_0 : i32, i32
  }
  func.func @transform_7(%arg0: i32) -> (i32, i32) {
    %c0_i32 = arith.constant 0 : i32
    %c0_i32_0 = arith.constant 0 : i32
    %c0_i32_1 = arith.constant 0 : i32
    return %c0_i32, %c0_i32_0 : i32, i32
  }
  func.func @transform_8(%arg0: i32) -> (i32, i32) {
    %c0_i32 = arith.constant 0 : i32
    %c0_i32_0 = arith.constant 0 : i32
    %c0_i32_1 = arith.constant 0 : i32
    return %c0_i32, %c0_i32_0 : i32, i32
  }
  func.func @transform_9(%arg0: i32) -> (i32, i32) {
    %c0_i32 = arith.constant 0 : i32
    %c0_i32_0 = arith.constant 0 : i32
    %c0_i32_1 = arith.constant 0 : i32
    return %c0_i32, %c0_i32_0 : i32, i32
  }
  func.func @transform_10(%arg0: i32) -> (i32, i32) {
    %c0_i32 = arith.constant 0 : i32
    %c0_i32_0 = arith.constant 0 : i32
    return %arg0, %c0_i32 : i32, i32
  }
}

module attributes {stable_mosaic.version = 14 : i64} {
  func.func @_edge_body(%arg0: i32, %arg1: memref<2048x128xf32, #tpu.memory_space<vmem>>, %arg2: memref<16x128xf32, #tpu.memory_space<vmem>>, %arg3: memref<1x1xf32, #tpu.memory_space<vmem>>, %arg4: memref<128x256xf32, #tpu.memory_space<vmem>>, %arg5: memref<128x256xf32, #tpu.memory_space<vmem>>, %arg6: memref<1x256xf32, #tpu.memory_space<vmem>>, %arg7: memref<256x128xf32, #tpu.memory_space<vmem>>, %arg8: memref<1x128xf32, #tpu.memory_space<vmem>>, %arg9: memref<128x128xf32, #tpu.memory_space<vmem>>, %arg10: memref<1x128xf32, #tpu.memory_space<vmem>>, %arg11: memref<16x128xf32, #tpu.memory_space<vmem>>) attributes {dimension_semantics = [#tpu.dimension_semantics<arbitrary>], iteration_bounds = array<i64: 32>, scalar_prefetch = 0 : i64, scratch_operands = 0 : i64, tpu.core_type = #tpu.core_type<tc>, window_params = [{transform_indices = @transform_0, window_bounds = array<i64: 2048, 128>}, {transform_indices = @transform_1, window_bounds = array<i64: 16, 128>}, {pipeline_mode = #tpu.pipeline_mode<synchronous>, transform_indices = @transform_2, window_bounds = array<i64: 1, 1>}, {transform_indices = @transform_3, window_bounds = array<i64: 128, 256>}, {transform_indices = @transform_4, window_bounds = array<i64: 128, 256>}, {pipeline_mode = #tpu.pipeline_mode<synchronous>, transform_indices = @transform_5, window_bounds = array<i64: 1, 256>}, {pipeline_mode = #tpu.pipeline_mode<synchronous>, transform_indices = @transform_6, window_bounds = array<i64: 256, 128>}, {pipeline_mode = #tpu.pipeline_mode<synchronous>, transform_indices = @transform_7, window_bounds = array<i64: 1, 128>}, {pipeline_mode = #tpu.pipeline_mode<synchronous>, transform_indices = @transform_8, window_bounds = array<i64: 128, 128>}, {pipeline_mode = #tpu.pipeline_mode<synchronous>, transform_indices = @transform_9, window_bounds = array<i64: 1, 128>}, {transform_indices = @transform_10, window_bounds = array<i64: 16, 128>}]} {
    %get3A = arith.constant 0 : index
    %get3A_0 = arith.constant 0 : index
    %get3A_1 = vector.load %arg2[%get3A, %get3A_0] : memref<16x128xf32, #tpu.memory_space<vmem>>, vector<16x128xf32>
    %convert_element_type3A = arith.truncf %get3A_1 : vector<16x128xf32> to vector<16x128xbf16>
    %get3A_2 = arith.constant 0 : index
    %get3A_3 = arith.constant 0 : index
    %get3A_4 = vector.load %arg5[%get3A_2, %get3A_3] : memref<128x256xf32, #tpu.memory_space<vmem>>, vector<128x256xf32>
    %convert_element_type3A_5 = arith.truncf %get3A_4 : vector<128x256xf32> to vector<128x256xbf16>
    %dot_general3A = arith.constant dense<0.000000e+00> : vector<16x256xf32>
    %dot_general3A_6 = tpu.matmul %convert_element_type3A, %convert_element_type3A_5, %dot_general3A {dimension_numbers = #tpu.dot_dimension_numbers<[1], [0], [0], [1], [0, 0, 1, 1], [], []>, transpose_lhs_hint = false} : vector<16x128xbf16>, vector<128x256xbf16>, vector<16x256xf32> -> vector<16x256xf32>
    %get3A_7 = arith.constant 0 : index
    %get3A_8 = arith.constant 0 : index
    %get3A_9 = vector.load %arg6[%get3A_7, %get3A_8] : memref<1x256xf32, #tpu.memory_space<vmem>>, vector<1x256xf32>
    %add3A = vector.broadcast %get3A_9 : vector<1x256xf32> to vector<16x256xf32>
    %add3A_10 = arith.addf %dot_general3A_6, %add3A : vector<16x256xf32>
    %reshape3A = vector.shape_cast %add3A_10 : vector<16x256xf32> to vector<16x1x256xf32>
    %broadcast_in_dim3A = vector.shape_cast %reshape3A : vector<16x1x256xf32> to vector<16x1x256xf32>
    %broadcast_in_dim3A_11 = vector.broadcast %broadcast_in_dim3A : vector<16x1x256xf32> to vector<16x128x256xf32>
    %reshape3A_12 = vector.shape_cast %broadcast_in_dim3A_11 : vector<16x128x256xf32> to vector<2048x256xf32>
    %get3A_13 = arith.constant 0 : index
    %get3A_14 = arith.constant 0 : index
    %get3A_15 = vector.load %arg1[%get3A_13, %get3A_14] : memref<2048x128xf32, #tpu.memory_space<vmem>>, vector<2048x128xf32>
    %convert_element_type3A_16 = arith.truncf %get3A_15 : vector<2048x128xf32> to vector<2048x128xbf16>
    %get3A_17 = arith.constant 0 : index
    %get3A_18 = arith.constant 0 : index
    %get3A_19 = vector.load %arg4[%get3A_17, %get3A_18] : memref<128x256xf32, #tpu.memory_space<vmem>>, vector<128x256xf32>
    %convert_element_type3A_20 = arith.truncf %get3A_19 : vector<128x256xf32> to vector<128x256xbf16>
    %dot_general3A_21 = arith.constant dense<0.000000e+00> : vector<2048x256xf32>
    %dot_general3A_22 = tpu.matmul %convert_element_type3A_16, %convert_element_type3A_20, %dot_general3A_21 {dimension_numbers = #tpu.dot_dimension_numbers<[1], [0], [0], [1], [0, 0, 1, 1], [], []>, transpose_lhs_hint = false} : vector<2048x128xbf16>, vector<128x256xbf16>, vector<2048x256xf32> -> vector<2048x256xf32>
    %add3A_23 = arith.addf %dot_general3A_22, %reshape3A_12 : vector<2048x256xf32>
    %convert_element_type3A_24 = arith.truncf %add3A_23 : vector<2048x256xf32> to vector<2048x256xbf16>
    %mul3A = arith.constant 5.000000e-01 : bf16
    %mul3A_25 = vector.broadcast %mul3A : bf16 to vector<2048x256xbf16>
    %mul3A_26 = arith.mulf %mul3A_25, %convert_element_type3A_24 : vector<2048x256xbf16>
    %mul3A_27 = arith.constant 7.070310e-01 : bf16
    %mul3A_28 = vector.broadcast %mul3A_27 : bf16 to vector<2048x256xbf16>
    %mul3A_29 = arith.mulf %convert_element_type3A_24, %mul3A_28 : vector<2048x256xbf16>
    %erf3A = math.erf %mul3A_29 : vector<2048x256xbf16>
    %add3A_30 = arith.constant 1.000000e+00 : bf16
    %add3A_31 = vector.broadcast %add3A_30 : bf16 to vector<2048x256xbf16>
    %add3A_32 = arith.addf %add3A_31, %erf3A : vector<2048x256xbf16>
    %mul3A_33 = arith.mulf %mul3A_26, %add3A_32 : vector<2048x256xbf16>
    %get3A_34 = arith.constant 0 : index
    %get3A_35 = arith.constant 0 : index
    %get3A_36 = vector.load %arg7[%get3A_34, %get3A_35] : memref<256x128xf32, #tpu.memory_space<vmem>>, vector<256x128xf32>
    %convert_element_type3A_37 = arith.truncf %get3A_36 : vector<256x128xf32> to vector<256x128xbf16>
    %dot_general3A_38 = arith.constant dense<0.000000e+00> : vector<2048x128xf32>
    %dot_general3A_39 = tpu.matmul %mul3A_33, %convert_element_type3A_37, %dot_general3A_38 {dimension_numbers = #tpu.dot_dimension_numbers<[1], [0], [0], [1], [0, 0, 1, 1], [], []>, transpose_lhs_hint = false} : vector<2048x256xbf16>, vector<256x128xbf16>, vector<2048x128xf32> -> vector<2048x128xf32>
    %get3A_40 = arith.constant 0 : index
    %get3A_41 = arith.constant 0 : index
    %get3A_42 = vector.load %arg8[%get3A_40, %get3A_41] : memref<1x128xf32, #tpu.memory_space<vmem>>, vector<1x128xf32>
    %add3A_43 = vector.broadcast %get3A_42 : vector<1x128xf32> to vector<2048x128xf32>
    %add3A_44 = arith.addf %dot_general3A_39, %add3A_43 : vector<2048x128xf32>
    %convert_element_type3A_45 = arith.truncf %add3A_44 : vector<2048x128xf32> to vector<2048x128xbf16>
    %mul3A_46 = arith.constant 5.000000e-01 : bf16
    %mul3A_47 = vector.broadcast %mul3A_46 : bf16 to vector<2048x128xbf16>
    %mul3A_48 = arith.mulf %mul3A_47, %convert_element_type3A_45 : vector<2048x128xbf16>
    %mul3A_49 = arith.constant 7.070310e-01 : bf16
    %mul3A_50 = vector.broadcast %mul3A_49 : bf16 to vector<2048x128xbf16>
    %mul3A_51 = arith.mulf %convert_element_type3A_45, %mul3A_50 : vector<2048x128xbf16>
    %erf3A_52 = math.erf %mul3A_51 : vector<2048x128xbf16>
    %add3A_53 = arith.constant 1.000000e+00 : bf16
    %add3A_54 = vector.broadcast %add3A_53 : bf16 to vector<2048x128xbf16>
    %add3A_55 = arith.addf %add3A_54, %erf3A_52 : vector<2048x128xbf16>
    %mul3A_56 = arith.mulf %mul3A_48, %add3A_55 : vector<2048x128xbf16>
    %get3A_57 = arith.constant 0 : index
    %get3A_58 = arith.constant 0 : index
    %get3A_59 = vector.load %arg9[%get3A_57, %get3A_58] : memref<128x128xf32, #tpu.memory_space<vmem>>, vector<128x128xf32>
    %convert_element_type3A_60 = arith.truncf %get3A_59 : vector<128x128xf32> to vector<128x128xbf16>
    %dot_general3A_61 = arith.constant dense<0.000000e+00> : vector<2048x128xf32>
    %dot_general3A_62 = tpu.matmul %mul3A_56, %convert_element_type3A_60, %dot_general3A_61 {dimension_numbers = #tpu.dot_dimension_numbers<[1], [0], [0], [1], [0, 0, 1, 1], [], []>, transpose_lhs_hint = false} : vector<2048x128xbf16>, vector<128x128xbf16>, vector<2048x128xf32> -> vector<2048x128xf32>
    %get3A_63 = arith.constant 0 : index
    %get3A_64 = arith.constant 0 : index
    %get3A_65 = vector.load %arg10[%get3A_63, %get3A_64] : memref<1x128xf32, #tpu.memory_space<vmem>>, vector<1x128xf32>
    %add3A_66 = vector.broadcast %get3A_65 : vector<1x128xf32> to vector<2048x128xf32>
    %add3A_67 = arith.addf %dot_general3A_62, %add3A_66 : vector<2048x128xf32>
    %reshape3A_68 = vector.shape_cast %add3A_67 : vector<2048x128xf32> to vector<16x128x128xf32>
    %reduce_sum3A = arith.constant dense<0.000000e+00> : vector<16x128xf32>
    %reduce_sum3A_69 = vector.multi_reduction <add>, %reshape3A_68, %reduce_sum3A [1] : vector<16x128x128xf32> to vector<16x128xf32>
    %mul3A_70 = arith.constant 7.812500e-03 : f32
    %mul3A_71 = vector.broadcast %mul3A_70 : f32 to vector<16x128xf32>
    %mul3A_72 = arith.mulf %reduce_sum3A_69, %mul3A_71 : vector<16x128xf32>
    %get3A_73 = arith.constant 0 : index
    %get3A_74 = arith.constant 0 : index
    %get3A_75 = vector.load %arg3[%get3A_73, %get3A_74] : memref<1x1xf32, #tpu.memory_space<vmem>>, vector<1x1xf32>
    %add3A_76 = vector.broadcast %get3A_75 : vector<1x1xf32> to vector<16x128xf32>
    %add3A_77 = arith.addf %mul3A_72, %add3A_76 : vector<16x128xf32>
    %swap3A = arith.constant 0 : index
    %swap3A_78 = arith.constant 0 : index
    %swap3A_79 = vector.load %arg11[%swap3A, %swap3A_78] : memref<16x128xf32, #tpu.memory_space<vmem>>, vector<16x128xf32>
    tpu.vector_store %arg11[%swap3A, %swap3A_78], %add3A_77 {strides = array<i32>} : memref<16x128xf32, #tpu.memory_space<vmem>>, vector<16x128xf32>,
    return
  }
  func.func @transform_0(%arg0: i32) -> (i32, i32) {
    %c0_i32 = arith.constant 0 : i32
    %c0_i32_0 = arith.constant 0 : i32
    return %arg0, %c0_i32 : i32, i32
  }
  func.func @transform_1(%arg0: i32) -> (i32, i32) {
    %add3A = arith.constant 32 : i32
    %add3A_0 = arith.addi %arg0, %add3A : i32
    %c0_i32 = arith.constant 0 : i32
    %c0_i32_1 = arith.constant 0 : i32
    return %add3A_0, %c0_i32 : i32, i32
  }
  func.func @transform_2(%arg0: i32) -> (i32, i32) {
    %c0_i32 = arith.constant 0 : i32
    %c0_i32_0 = arith.constant 0 : i32
    %c0_i32_1 = arith.constant 0 : i32
    return %c0_i32, %c0_i32_0 : i32, i32
  }
  func.func @transform_3(%arg0: i32) -> (i32, i32) {
    %c0_i32 = arith.constant 0 : i32
    %c0_i32_0 = arith.constant 0 : i32
    %c0_i32_1 = arith.constant 0 : i32
    return %c0_i32, %c0_i32_0 : i32, i32
  }
  func.func @transform_4(%arg0: i32) -> (i32, i32) {
    %c1_i32 = arith.constant 1 : i32
    %c0_i32 = arith.constant 0 : i32
    %c0_i32_0 = arith.constant 0 : i32
    return %c1_i32, %c0_i32 : i32, i32
  }
  func.func @transform_5(%arg0: i32) -> (i32, i32) {
    %c0_i32 = arith.constant 0 : i32
    %c0_i32_0 = arith.constant 0 : i32
    %c0_i32_1 = arith.constant 0 : i32
    return %c0_i32, %c0_i32_0 : i32, i32
  }
  func.func @transform_6(%arg0: i32) -> (i32, i32) {
    %c0_i32 = arith.constant 0 : i32
    %c0_i32_0 = arith.constant 0 : i32
    %c0_i32_1 = arith.constant 0 : i32
    return %c0_i32, %c0_i32_0 : i32, i32
  }
  func.func @transform_7(%arg0: i32) -> (i32, i32) {
    %c0_i32 = arith.constant 0 : i32
    %c0_i32_0 = arith.constant 0 : i32
    %c0_i32_1 = arith.constant 0 : i32
    return %c0_i32, %c0_i32_0 : i32, i32
  }
  func.func @transform_8(%arg0: i32) -> (i32, i32) {
    %c0_i32 = arith.constant 0 : i32
    %c0_i32_0 = arith.constant 0 : i32
    %c0_i32_1 = arith.constant 0 : i32
    return %c0_i32, %c0_i32_0 : i32, i32
  }
  func.func @transform_9(%arg0: i32) -> (i32, i32) {
    %c0_i32 = arith.constant 0 : i32
    %c0_i32_0 = arith.constant 0 : i32
    %c0_i32_1 = arith.constant 0 : i32
    return %c0_i32, %c0_i32_0 : i32, i32
  }
  func.func @transform_10(%arg0: i32) -> (i32, i32) {
    %c0_i32 = arith.constant 0 : i32
    %c0_i32_0 = arith.constant 0 : i32
    return %arg0, %c0_i32 : i32, i32
  }
}

module attributes {stable_mosaic.version = 14 : i64} {
  func.func @_edge_body(%arg0: i32, %arg1: memref<2048x128xf32, #tpu.memory_space<vmem>>, %arg2: memref<16x128xf32, #tpu.memory_space<vmem>>, %arg3: memref<1x1xf32, #tpu.memory_space<vmem>>, %arg4: memref<128x256xf32, #tpu.memory_space<vmem>>, %arg5: memref<128x256xf32, #tpu.memory_space<vmem>>, %arg6: memref<1x256xf32, #tpu.memory_space<vmem>>, %arg7: memref<256x128xf32, #tpu.memory_space<vmem>>, %arg8: memref<1x128xf32, #tpu.memory_space<vmem>>, %arg9: memref<128x128xf32, #tpu.memory_space<vmem>>, %arg10: memref<1x128xf32, #tpu.memory_space<vmem>>, %arg11: memref<16x128xf32, #tpu.memory_space<vmem>>) attributes {dimension_semantics = [#tpu.dimension_semantics<arbitrary>], iteration_bounds = array<i64: 32>, scalar_prefetch = 0 : i64, scratch_operands = 0 : i64, tpu.core_type = #tpu.core_type<tc>, window_params = [{transform_indices = @transform_0, window_bounds = array<i64: 2048, 128>}, {transform_indices = @transform_1, window_bounds = array<i64: 16, 128>}, {pipeline_mode = #tpu.pipeline_mode<synchronous>, transform_indices = @transform_2, window_bounds = array<i64: 1, 1>}, {transform_indices = @transform_3, window_bounds = array<i64: 128, 256>}, {transform_indices = @transform_4, window_bounds = array<i64: 128, 256>}, {pipeline_mode = #tpu.pipeline_mode<synchronous>, transform_indices = @transform_5, window_bounds = array<i64: 1, 256>}, {pipeline_mode = #tpu.pipeline_mode<synchronous>, transform_indices = @transform_6, window_bounds = array<i64: 256, 128>}, {pipeline_mode = #tpu.pipeline_mode<synchronous>, transform_indices = @transform_7, window_bounds = array<i64: 1, 128>}, {pipeline_mode = #tpu.pipeline_mode<synchronous>, transform_indices = @transform_8, window_bounds = array<i64: 128, 128>}, {pipeline_mode = #tpu.pipeline_mode<synchronous>, transform_indices = @transform_9, window_bounds = array<i64: 1, 128>}, {transform_indices = @transform_10, window_bounds = array<i64: 16, 128>}]} {
    %get3A = arith.constant 0 : index
    %get3A_0 = arith.constant 0 : index
    %get3A_1 = vector.load %arg2[%get3A, %get3A_0] : memref<16x128xf32, #tpu.memory_space<vmem>>, vector<16x128xf32>
    %convert_element_type3A = arith.truncf %get3A_1 : vector<16x128xf32> to vector<16x128xbf16>
    %get3A_2 = arith.constant 0 : index
    %get3A_3 = arith.constant 0 : index
    %get3A_4 = vector.load %arg5[%get3A_2, %get3A_3] : memref<128x256xf32, #tpu.memory_space<vmem>>, vector<128x256xf32>
    %convert_element_type3A_5 = arith.truncf %get3A_4 : vector<128x256xf32> to vector<128x256xbf16>
    %dot_general3A = arith.constant dense<0.000000e+00> : vector<16x256xf32>
    %dot_general3A_6 = tpu.matmul %convert_element_type3A, %convert_element_type3A_5, %dot_general3A {dimension_numbers = #tpu.dot_dimension_numbers<[1], [0], [0], [1], [0, 0, 1, 1], [], []>, transpose_lhs_hint = false} : vector<16x128xbf16>, vector<128x256xbf16>, vector<16x256xf32> -> vector<16x256xf32>
    %get3A_7 = arith.constant 0 : index
    %get3A_8 = arith.constant 0 : index
    %get3A_9 = vector.load %arg6[%get3A_7, %get3A_8] : memref<1x256xf32, #tpu.memory_space<vmem>>, vector<1x256xf32>
    %add3A = vector.broadcast %get3A_9 : vector<1x256xf32> to vector<16x256xf32>
    %add3A_10 = arith.addf %dot_general3A_6, %add3A : vector<16x256xf32>
    %reshape3A = vector.shape_cast %add3A_10 : vector<16x256xf32> to vector<16x1x256xf32>
    %broadcast_in_dim3A = vector.shape_cast %reshape3A : vector<16x1x256xf32> to vector<16x1x256xf32>
    %broadcast_in_dim3A_11 = vector.broadcast %broadcast_in_dim3A : vector<16x1x256xf32> to vector<16x128x256xf32>
    %reshape3A_12 = vector.shape_cast %broadcast_in_dim3A_11 : vector<16x128x256xf32> to vector<2048x256xf32>
    %get3A_13 = arith.constant 0 : index
    %get3A_14 = arith.constant 0 : index
    %get3A_15 = vector.load %arg1[%get3A_13, %get3A_14] : memref<2048x128xf32, #tpu.memory_space<vmem>>, vector<2048x128xf32>
    %convert_element_type3A_16 = arith.truncf %get3A_15 : vector<2048x128xf32> to vector<2048x128xbf16>
    %get3A_17 = arith.constant 0 : index
    %get3A_18 = arith.constant 0 : index
    %get3A_19 = vector.load %arg4[%get3A_17, %get3A_18] : memref<128x256xf32, #tpu.memory_space<vmem>>, vector<128x256xf32>
    %convert_element_type3A_20 = arith.truncf %get3A_19 : vector<128x256xf32> to vector<128x256xbf16>
    %dot_general3A_21 = arith.constant dense<0.000000e+00> : vector<2048x256xf32>
    %dot_general3A_22 = tpu.matmul %convert_element_type3A_16, %convert_element_type3A_20, %dot_general3A_21 {dimension_numbers = #tpu.dot_dimension_numbers<[1], [0], [0], [1], [0, 0, 1, 1], [], []>, transpose_lhs_hint = false} : vector<2048x128xbf16>, vector<128x256xbf16>, vector<2048x256xf32> -> vector<2048x256xf32>
    %add3A_23 = arith.addf %dot_general3A_22, %reshape3A_12 : vector<2048x256xf32>
    %convert_element_type3A_24 = arith.truncf %add3A_23 : vector<2048x256xf32> to vector<2048x256xbf16>
    %mul3A = arith.constant 5.000000e-01 : bf16
    %mul3A_25 = vector.broadcast %mul3A : bf16 to vector<2048x256xbf16>
    %mul3A_26 = arith.mulf %mul3A_25, %convert_element_type3A_24 : vector<2048x256xbf16>
    %mul3A_27 = arith.constant 7.070310e-01 : bf16
    %mul3A_28 = vector.broadcast %mul3A_27 : bf16 to vector<2048x256xbf16>
    %mul3A_29 = arith.mulf %convert_element_type3A_24, %mul3A_28 : vector<2048x256xbf16>
    %erf3A = math.erf %mul3A_29 : vector<2048x256xbf16>
    %add3A_30 = arith.constant 1.000000e+00 : bf16
    %add3A_31 = vector.broadcast %add3A_30 : bf16 to vector<2048x256xbf16>
    %add3A_32 = arith.addf %add3A_31, %erf3A : vector<2048x256xbf16>
    %mul3A_33 = arith.mulf %mul3A_26, %add3A_32 : vector<2048x256xbf16>
    %get3A_34 = arith.constant 0 : index
    %get3A_35 = arith.constant 0 : index
    %get3A_36 = vector.load %arg7[%get3A_34, %get3A_35] : memref<256x128xf32, #tpu.memory_space<vmem>>, vector<256x128xf32>
    %convert_element_type3A_37 = arith.truncf %get3A_36 : vector<256x128xf32> to vector<256x128xbf16>
    %dot_general3A_38 = arith.constant dense<0.000000e+00> : vector<2048x128xf32>
    %dot_general3A_39 = tpu.matmul %mul3A_33, %convert_element_type3A_37, %dot_general3A_38 {dimension_numbers = #tpu.dot_dimension_numbers<[1], [0], [0], [1], [0, 0, 1, 1], [], []>, transpose_lhs_hint = false} : vector<2048x256xbf16>, vector<256x128xbf16>, vector<2048x128xf32> -> vector<2048x128xf32>
    %get3A_40 = arith.constant 0 : index
    %get3A_41 = arith.constant 0 : index
    %get3A_42 = vector.load %arg8[%get3A_40, %get3A_41] : memref<1x128xf32, #tpu.memory_space<vmem>>, vector<1x128xf32>
    %add3A_43 = vector.broadcast %get3A_42 : vector<1x128xf32> to vector<2048x128xf32>
    %add3A_44 = arith.addf %dot_general3A_39, %add3A_43 : vector<2048x128xf32>
    %convert_element_type3A_45 = arith.truncf %add3A_44 : vector<2048x128xf32> to vector<2048x128xbf16>
    %mul3A_46 = arith.constant 5.000000e-01 : bf16
    %mul3A_47 = vector.broadcast %mul3A_46 : bf16 to vector<2048x128xbf16>
    %mul3A_48 = arith.mulf %mul3A_47, %convert_element_type3A_45 : vector<2048x128xbf16>
    %mul3A_49 = arith.constant 7.070310e-01 : bf16
    %mul3A_50 = vector.broadcast %mul3A_49 : bf16 to vector<2048x128xbf16>
    %mul3A_51 = arith.mulf %convert_element_type3A_45, %mul3A_50 : vector<2048x128xbf16>
    %erf3A_52 = math.erf %mul3A_51 : vector<2048x128xbf16>
    %add3A_53 = arith.constant 1.000000e+00 : bf16
    %add3A_54 = vector.broadcast %add3A_53 : bf16 to vector<2048x128xbf16>
    %add3A_55 = arith.addf %add3A_54, %erf3A_52 : vector<2048x128xbf16>
    %mul3A_56 = arith.mulf %mul3A_48, %add3A_55 : vector<2048x128xbf16>
    %get3A_57 = arith.constant 0 : index
    %get3A_58 = arith.constant 0 : index
    %get3A_59 = vector.load %arg9[%get3A_57, %get3A_58] : memref<128x128xf32, #tpu.memory_space<vmem>>, vector<128x128xf32>
    %convert_element_type3A_60 = arith.truncf %get3A_59 : vector<128x128xf32> to vector<128x128xbf16>
    %dot_general3A_61 = arith.constant dense<0.000000e+00> : vector<2048x128xf32>
    %dot_general3A_62 = tpu.matmul %mul3A_56, %convert_element_type3A_60, %dot_general3A_61 {dimension_numbers = #tpu.dot_dimension_numbers<[1], [0], [0], [1], [0, 0, 1, 1], [], []>, transpose_lhs_hint = false} : vector<2048x128xbf16>, vector<128x128xbf16>, vector<2048x128xf32> -> vector<2048x128xf32>
    %get3A_63 = arith.constant 0 : index
    %get3A_64 = arith.constant 0 : index
    %get3A_65 = vector.load %arg10[%get3A_63, %get3A_64] : memref<1x128xf32, #tpu.memory_space<vmem>>, vector<1x128xf32>
    %add3A_66 = vector.broadcast %get3A_65 : vector<1x128xf32> to vector<2048x128xf32>
    %add3A_67 = arith.addf %dot_general3A_62, %add3A_66 : vector<2048x128xf32>
    %reshape3A_68 = vector.shape_cast %add3A_67 : vector<2048x128xf32> to vector<16x128x128xf32>
    %reduce_sum3A = arith.constant dense<0.000000e+00> : vector<16x128xf32>
    %reduce_sum3A_69 = vector.multi_reduction <add>, %reshape3A_68, %reduce_sum3A [1] : vector<16x128x128xf32> to vector<16x128xf32>
    %mul3A_70 = arith.constant 7.812500e-03 : f32
    %mul3A_71 = vector.broadcast %mul3A_70 : f32 to vector<16x128xf32>
    %mul3A_72 = arith.mulf %reduce_sum3A_69, %mul3A_71 : vector<16x128xf32>
    %get3A_73 = arith.constant 0 : index
    %get3A_74 = arith.constant 0 : index
    %get3A_75 = vector.load %arg3[%get3A_73, %get3A_74] : memref<1x1xf32, #tpu.memory_space<vmem>>, vector<1x1xf32>
    %add3A_76 = vector.broadcast %get3A_75 : vector<1x1xf32> to vector<16x128xf32>
    %add3A_77 = arith.addf %mul3A_72, %add3A_76 : vector<16x128xf32>
    %swap3A = arith.constant 0 : index
    %swap3A_78 = arith.constant 0 : index
    %swap3A_79 = vector.load %arg11[%swap3A, %swap3A_78] : memref<16x128xf32, #tpu.memory_space<vmem>>, vector<16x128xf32>
    tpu.vector_store %arg11[%swap3A, %swap3A_78], %add3A_77 {strides = array<i32>} : memref<16x128xf32, #tpu.memory_space<vmem>>, vector<16x128xf32>,
    return
  }
  func.func @transform_0(%arg0: i32) -> (i32, i32) {
    %c0_i32 = arith.constant 0 : i32
    %c0_i32_0 = arith.constant 0 : i32
    return %arg0, %c0_i32 : i32, i32
  }
  func.func @transform_1(%arg0: i32) -> (i32, i32) {
    %add3A = arith.constant 0 : i32
    %add3A_0 = arith.addi %arg0, %add3A : i32
    %c0_i32 = arith.constant 0 : i32
    %c0_i32_1 = arith.constant 0 : i32
    return %add3A_0, %c0_i32 : i32, i32
  }
  func.func @transform_2(%arg0: i32) -> (i32, i32) {
    %c0_i32 = arith.constant 0 : i32
    %c0_i32_0 = arith.constant 0 : i32
    %c0_i32_1 = arith.constant 0 : i32
    return %c0_i32, %c0_i32_0 : i32, i32
  }
  func.func @transform_3(%arg0: i32) -> (i32, i32) {
    %c0_i32 = arith.constant 0 : i32
    %c0_i32_0 = arith.constant 0 : i32
    %c0_i32_1 = arith.constant 0 : i32
    return %c0_i32, %c0_i32_0 : i32, i32
  }
  func.func @transform_4(%arg0: i32) -> (i32, i32) {
    %c1_i32 = arith.constant 1 : i32
    %c0_i32 = arith.constant 0 : i32
    %c0_i32_0 = arith.constant 0 : i32
    return %c1_i32, %c0_i32 : i32, i32
  }
  func.func @transform_5(%arg0: i32) -> (i32, i32) {
    %c0_i32 = arith.constant 0 : i32
    %c0_i32_0 = arith.constant 0 : i32
    %c0_i32_1 = arith.constant 0 : i32
    return %c0_i32, %c0_i32_0 : i32, i32
  }
  func.func @transform_6(%arg0: i32) -> (i32, i32) {
    %c0_i32 = arith.constant 0 : i32
    %c0_i32_0 = arith.constant 0 : i32
    %c0_i32_1 = arith.constant 0 : i32
    return %c0_i32, %c0_i32_0 : i32, i32
  }
  func.func @transform_7(%arg0: i32) -> (i32, i32) {
    %c0_i32 = arith.constant 0 : i32
    %c0_i32_0 = arith.constant 0 : i32
    %c0_i32_1 = arith.constant 0 : i32
    return %c0_i32, %c0_i32_0 : i32, i32
  }
  func.func @transform_8(%arg0: i32) -> (i32, i32) {
    %c0_i32 = arith.constant 0 : i32
    %c0_i32_0 = arith.constant 0 : i32
    %c0_i32_1 = arith.constant 0 : i32
    return %c0_i32, %c0_i32_0 : i32, i32
  }
  func.func @transform_9(%arg0: i32) -> (i32, i32) {
    %c0_i32 = arith.constant 0 : i32
    %c0_i32_0 = arith.constant 0 : i32
    %c0_i32_1 = arith.constant 0 : i32
    return %c0_i32, %c0_i32_0 : i32, i32
  }
  func.func @transform_10(%arg0: i32) -> (i32, i32) {
    %c0_i32 = arith.constant 0 : i32
    %c0_i32_0 = arith.constant 0 : i32
    return %arg0, %c0_i32 : i32, i32
  }
}

</mosaic_0001>

<sc_bundles>
// kernel: kernel.11.cloned.1.call-start
scs
__scs_entry_jumppad:
0x0: {  	(pc) =	sbr.rel $0x88, $3  }
0x1: {  	(tag) =	ssettag $0x0;
	lr =	simm.s32 $0x1  }
0x2: {  	[smem:$0x3F90] =	sst lr;
	_ =	strace $0xD0000000  }
0x3: {  	_ = 	snop  }
0x4: {  	_ = 	snop  }
0x5: {  	_ = 	snop  }
0x6: {  	_ = 	snop  }
0x7: {  	_ = 	snop  }
__scs_overlays_trampoline_lowered:
0x8: {  	[smem:$0x3F9F] =	sst s0  }
0x9: {  	[smem:$0x3FA0] =	sst s1  }
0xa: {  	[smem:$0x3FA1] =	sst s2  }
0xb: {  	[smem:$0x3FA2] =	sst s3  }
0xc: {  	[smem:$0x3FA3] =	sst s4  }
0xd: {  	[smem:$0x3FA4] =	sst s5  }
0xe: {  	[smem:$0x3FA5] =	sst s6  }
0xf: {  	[smem:$0x3FA6] =	sst s7  }
0x10: {  	[smem:$0x3FA7] =	sst s8  }
0x11: {  	[smem:$0x3FA8] =	sst s9;
	s0 =	simm.s32 @!p0 $0x0  }
0x12: {  	s1 =	sld [smem:$0x3F8E];
	s0 =	simm.s32 @p0 $0x1  }
0x13: {  	[smem:$0x3FA9] =	sst s0;
	s0 =	simm.s32 @!p1 $0x0  }
0x14: {  	s2 =	sld [smem:$0x3F8D];
	s0 =	simm.s32 @p1 $0x1  }
0x15: {  	[smem:$0x3FAA] =	sst s0;
	s0 =	simm.s32 @!p2 $0x0  }
0x16: {  	s3 =	sld [smem:$0x3FDB];
	s0 =	simm.s32 @p2 $0x1  }
0x17: {  	s4 =	simm.s32 $0x1BF5;
	[smem:$0x3FAC] =	sst s0  }
0x18: {  	s0 =	sld [smem:$0x3F8F];
	_ =	swait.ge [sflag:s4], $0x0  }
0x19: {  	s7 =	sld [smem:$0x3F90]  }
0x1a: {  	s8 =	sadd.s32 $0xFFFFE003, lr  }
0x1b: {  	s9 =	sadd.s32 $0xFFFFFEF7, lr;
	s5 =	simm.s32 $0xFFFFFFFF;
	p2 =	slt.u32 s8, $0xFFFFF086  }
0x1c: {  	p1 =	slt.u32 s9, $0xF7A;
	s5 =	simm.s32 @!p2 $0x0  }
0x1d: {  	s5 =	simm.s32 @p1 $0x1;
	p0 =	seq.s32 s7, s2  }
0x1e: {  	s7 =	smul.u32 @!p0 $0xF7A, s2;
	p2 =	seq.s32 @!p0 s5, $0x0  }
0x1f: {  	s9 =	smul.u32 $0xF7A, s1;
	s8 =	simm.s32 @!p0 $0x1BF5;
	p2 =	por !p2, p0  }
0x20: {  	[sflag:s8] =	ssyncset.s32 @!p0 $0xFFFFF086;
	s6 =	sadd.s32 @!p0 s3, s7;
	s7 =	simm.s32 @!p0 $0x108  }
0x21: {  	s3 =	sadd.s32 s3, s9;
	s6 =	sadd.s32 @!p0 $0x88, s6;
	s7 =	simm.s32 @p2 $0x1082  }
0x22: {  	[simem:s7], [sflag:s8] =	dma.local @!p0 [hbm:s6], $0xF7A  }
0x23: {  	s9 =	sor.u32 $0xD0000000, s2;
	s6 =	simm.s32 $0x108;
	_ =	swait.ge @!p0 [sflag:s8], $0x0  }
0x24: {  	s3 =	sadd.s32 $0x88, s3;
	s6 =	simm.s32 @!p1 $0x1082;
	[sflag:s4] =	ssyncset.s32 $0xFFFFF086  }
0x25: {  	[simem:s6], [sflag:s4] =	dma.local [hbm:s3], $0xF7A  }
0x26: {  	[smem:$0x3F90] =	sst s1;
	(tag) =	ssettag s2;
	_ =	strace s9  }
0x27: {  	s1 =	sld [smem:$0x3FA0]  }
0x28: {  	s2 =	sld [smem:$0x3FA1]  }
0x29: {  	s4 =	sld [smem:$0x3FA3]  }
0x2a: {  	p0 =	seq.s32 s5, $0x0;
	s5 =	sld [smem:$0x3FA4]  }
0x2b: {  	s6 =	sld [smem:$0x3FA5]  }
0x2c: {  	s7 =	sld [smem:$0x3FA6]  }
0x2d: {  	s3 =	simm.s32 $0x108;
	s8 =	sld [smem:$0x3FA7]  }
0x2e: {  	s3 =	simm.s32 @!p0 $0x1082;
	s9 =	sld [smem:$0x3FA8]  }
0x2f: {  	lr =	sadd.s32 s0, s3;
	s0 =	sld [smem:$0x3F9F]  }
0x30: {  	s3 =	sld [smem:$0x3FA2]  }
0x31: {  	[smem:$0x3FAB] =	sst s10  }
0x32: {  	s10 =	sld [smem:$0x3FA9];
	_ =	sdelay $0x3  }
0x33: {  	p0 =	seq.s32 s10, $0x1;
	s10 =	sld [smem:$0x3FAB];
	_ =	sdelay $0x3  }
0x34: {  	[smem:$0x3FAB] =	sst s10  }
0x35: {  	s10 =	sld [smem:$0x3FAA];
	_ =	sdelay $0x3  }
0x36: {  	p1 =	seq.s32 s10, $0x1;
	s10 =	sld [smem:$0x3FAB];
	_ =	sdelay $0x3  }
0x37: {  	[smem:$0x3FAB] =	sst s10  }
0x38: {  	s10 =	sld [smem:$0x3FAC]  }
0x39: {  	_ = 	snop;
	(pc) =	sbr.ind lr, $3  }
0x3a: {  	_ = 	snop  }
0x3b: {  	_ = 	snop  }
0x3c: {  	p2 =	seq.s32 s10, $0x1;
	s10 =	sld [smem:$0x3FAB]  }
0x3d: {  	_ =	shalt  }
0x3e: {  	_ =	shalt  }
0x3f: {  	_ =	shalt  }
0x40: {  	_ =	shalt  }
0x41: {  	_ =	shalt  }
0x42: {  	_ =	shalt  }
0x43: {  	_ =	shalt  }
0x44: {  	_ =	shalt  }
0x45: {  	_ =	shalt  }
0x46: {  	_ =	shalt  }
0x47: {  	_ =	shalt  }
0x48: {  	_ =	shalt  }
0x49: {  	_ =	shalt  }
0x4a: {  	_ =	shalt  }
0x4b: {  	_ =	shalt  }
0x4c: {  	_ =	shalt  }
0x4d: {  	_ =	shalt  }
0x4e: {  	_ =	shalt  }
0x4f: {  	_ =	shalt  }
0x50: {  	_ =	shalt  }
0x51: {  	_ =	shalt  }
0x52: {  	_ =	shalt  }
0x53: {  	_ =	shalt  }
0x54: {  	_ =	shalt  }
0x55: {  	_ =	shalt  }
0x56: {  	_ =	shalt  }
0x57: {  	_ =	shalt  }
0x58: {  	_ =	shalt  }
0x59: {  	_ =	shalt  }
0x5a: {  	_ =	shalt  }
0x5b: {  	_ =	shalt  }
0x5c: {  	_ =	shalt  }
0x5d: {  	_ =	shalt  }
0x5e: {  	_ =	shalt  }
0x5f: {  	_ =	shalt  }
0x60: {  	_ =	shalt  }
0x61: {  	_ =	shalt  }
0x62: {  	_ =	shalt  }
0x63: {  	_ =	shalt  }
0x64: {  	_ =	shalt  }
0x65: {  	_ =	shalt  }
0x66: {  	_ =	shalt  }
0x67: {  	_ =	shalt  }
0x68: {  	_ =	shalt  }
0x69: {  	_ =	shalt  }
0x6a: {  	_ =	shalt  }
0x6b: {  	_ =	shalt  }
0x6c: {  	_ =	shalt  }
0x6d: {  	_ =	shalt  }
0x6e: {  	_ =	shalt  }
0x6f: {  	_ =	shalt  }
0x70: {  	_ =	shalt  }
0x71: {  	_ =	shalt  }
0x72: {  	_ =	shalt  }
0x73: {  	_ =	shalt  }
0x74: {  	_ =	shalt  }
0x75: {  	_ =	shalt  }
0x76: {  	_ =	shalt  }
0x77: {  	_ =	shalt  }
0x78: {  	_ =	shalt  }
0x79: {  	_ =	shalt  }
0x7a: {  	_ =	shalt  }
0x7b: {  	_ =	shalt  }
0x7c: {  	_ =	shalt  }
0x7d: {  	_ =	shalt  }
0x7e: {  	_ =	shalt  }
0x7f: {  	_ =	shalt  }
0x80: {  	_ =	shalt  }
0x81: {  	_ =	shalt  }
0x82: {  	_ =	shalt  }
0x83: {  	_ =	shalt  }
0x84: {  	_ =	shalt  }
0x85: {  	_ =	shalt  }
0x86: {  	_ =	shalt  }
0x87: {  	_ =	shalt  }
.Lfunc_end0:
.L_simem_size_0:
called_computation_lowered:
.L_overlay_start_0:
0x88: {  	s2 =	sld [smem:$0x3FD9]  }
0x89: {  	s3 =	sld [smem:$0x3FFE];
	_ =	sdelay $0x1  }
0x8a: {  	s1 =	srdreg.scid  }
0x8b: {  	s0 =	sand.u32 $0x1, s1  }
0x8c: {  	s17 =	sshll.u32 s0, $0xA;
	s2 =	sadd.s32 s3, s2  }
0x8d: {  	s2 =	sadd.s32 s2, s17  }
0x8e: {  	[smem:$0x3FB7] =	sst s2  }
0x8f: {  	_ = 	snop  }
0x90: {  	(tm) =	ssettm $0x1  }
0x91: {  	s18 =	sld [smem:$0x3FFB];
	_ =	sdelay $0x3  }
0x92: {  	_ =	strace s18  }
0x93: {  	s2 =	sld [smem:$0x3FFC];
	_ =	sdelay $0x3  }
0x94: {  	_ =	strace s2  }
0x95: {  	s2 =	sld [smem:$0x3FFD];
	_ =	sdelay $0x3  }
0x96: {  	_ =	strace s2  }
0x97: {  	_ =	strace $0x8FFFFFFF  }
0x98: {  	s19 =	sld [smem:$0x3FDB];
	_ =	sdelay $0x1  }
0x99: {  	s20 =	simm.s32 $_scs_section_size  }
0x9a: {  	s4 =	simm.s32 $_size__tile_overlayer_lowered;
	s5 =	simm.s32 $_tile_overlayer_lowered  }
0x9b: {  	s6 =	simm.s32 $0x1BFF;
	s21 =	sshll.u32 s5, $0x1;
	s3 =	sadd.s32 s20, s19  }
0x9c: {  	s22 =	simm.s32 $0x0;
	s4 =	sshll.u32 s4, $0x1;
	s5 =	sadd.s32 s21, s3  }
0x9d: {  	[timem:s22], [sflag:s6] =	dma.local [hbm:s5], s4  }
0x9e: {  	_ =	swait.ge [sflag:s6], s4  }
0x9f: {  	s4 =	ssub.s32 $0x0, s4;
	[sflag:s6] =	ssyncset.done $0x0  }
0xa0: {  	[sflag:s6] =	ssyncadd.s32 s4;
	_ =	sdelay $0x1  }
0xa1: {  	s23 =	simm.s32 $0x1B8B  }
0xa2: {  	_ =	swait.ge [sflag:s23], $0x1  }
0xa3: {  	[sflag:s23] =	ssyncset.done $0x0  }
0xa4: {  	[sflag:s23] =	ssyncadd.s32 $0xFFFFFFFF  }
0xa5: {  	s4 =	sld [smem:$0x0]  }
0xa6: {  	s5 =	sand.u32 $0xFFFFFFFE, s1  }
0xa7: {  	p0 =	sne.s32 s1, s5  }
0xa8: {  	s5 =	sshll.u32 @p0 s5, $0xE  }
0xa9: {  	s5 =	sadd.s32 @p0 $0x11B8D, s5;
	s6 =	sshll.u32 @p0 s4, $0x11  }
0xaa: {  	s5 =	sor.u32 @p0 s6, s5  }
0xab: {  	[sflag:s5] =	ssyncadd.remote.s32 @p0 $0x1;
	_ =	sdelay $0x1  }
0xac: {  	s5 =	simm.s32 @p0 $0x1B8D  }
0xad: {  	_ =	swait.eq @p0 [sflag:s5], $0x1  }
0xae: {  	[sflag:s5] =	ssyncadd.s32 @p0 $0xFFFFFFFF  }
0xaf: {  	s6 =	sshll.u32 @!p0 s1, $0xE  }
0xb0: {  	s6 =	sor.u32 @!p0 $0x4000, s6;
	s5 =	simm.s32 @!p0 $0x1B8D  }
0xb1: {  	s4 =	sshll.u32 @!p0 s4, $0x11;
	s6 =	sadd.s32 @!p0 $0x11B8D, s6;
	_ =	swait.eq @!p0 [sflag:s5], $0x1  }
0xb2: {  	s4 =	sor.u32 @!p0 s4, s6;
	[sflag:s5] =	ssyncadd.s32 @!p0 $0xFFFFFFFF  }
0xb3: {  	s25 =	simm.s32 $0x1B8E;
	s24 =	sld [smem:$0x3FFE];
	[sflag:s4] =	ssyncadd.remote.s32 @!p0 $0x1  }
0xb4: {  	s26 =	simm.s32 $execute0_lowered;
	[smem:$0x3FD2] =	sst s25  }
0xb5: {  	s5 =	sshll.u32 s26, $0x1;
	_ =	strace $0x8000004F;
	[dreg:$0x1] =	wrdreg $0xFFFFFFFF  }
0xb6: {  	s28 =	simm.s32 $_size_execute0_lowered;
	s3 =	sadd.s32 s3, s5;
	[dreg:$0x0] =	wrdreg $0x0  }
0xb7: {  	s5 =	sshll.u32 s28, $0x1;
	[dreg:$0x2] =	wrdreg s3  }
0xb8: {  	[dreg:$0x3] =	wrdreg s5  }
0xb9: {  	[dreg:$0x4] =	wrdreg $0xC0  }
0xba: {  	_ =	task [dreg:s22], $0x5FFFF  }
0xbb: {  	[dreg:$0x1] =	wrdreg $0xFFFFFFFF  }
0xbc: {  	[dreg:$0x0] =	wrdreg $0x60  }
0xbd: {  	[dreg:$0x2] =	wrdreg s24  }
0xbe: {  	[dreg:$0x3] =	wrdreg $0x9  }
0xbf: {  	_ =	task.clear_ibuf [dreg:s22], $0x4FFFF;
	_ =	strace $0x9000004F  }
0xc0: {  	s29 =	simm.s32 $0x9;
	_ =	strace $0x80000051  }
0xc1: {  	_ =	swait.ge [sflag:s29], $0x1  }
0xc2: {  	[sflag:s29] =	ssyncadd.s32 $0xFFFFFFFF  }
0xc3: {  	_ =	strace $0x90000051  }
0xc4: {  	_ =	sfence  }
0xc5: {  	s30 =	sld [smem:$0x0];
	_ =	sdelay $0x2  }
0xc6: {  	s31 =	sshll.u32 s1, $0xD;
	s1 =	sshrl.u32 s1, $0x2  }
0xc7: {  	s4 =	sand.u32 $0x4000, s31;
	s1 =	sadd.s32 s1, s30  }
0xc8: {  	s0 =	sor.u32 s4, s0;
	s1 =	sshll.u32 s1, $0x11  }
0xc9: {  	s0 =	sor.u32 s1, s0  }
0xca: {  	s0 =	sadd.s32 $0x8F2B, s0  }
0xcb: {  	[sflag:s0] =	ssyncadd.remote.s32 $0x1  }
0xcc: {  	_ =	sfence.sel $0xFFFF  }
0xcd: {  	[dreg:$0x0] =	wrdreg $0xFFFFFFFF;
	(pc) =	sbr.abs _section_cstart, $3  }
0xce: {  	[dreg:$0x1] =	wrdreg $0xFFFFFFFF  }
0xcf: {  	_ =	task.clear_ibuf [dreg:s22], $0x2FFFF;
	_ =	strace $0x9FFFFFFF  }
0xd0: {  	(tm) =	ssettm $0x7FFFFFFF  }
0xd1: {  	_ =	shalt  }
tec
execute0_lowered:
.L_overlay_start_1:
0x0: {  	(tag) =	ssettag $0x1  }
0x1: {  	s1 =	srdreg.scid  }
0x2: {  	s0 =	stileid.u32;
	s1 =	sand.u32 $0x1, s1  }
0x3: {  	s2 =	sshll.u32 s0, $0xC;
	s3 =	sshll.u32 s1, $0xB  }
0x4: {  	s3 =	sor.u32 s3, s2  }
0x5: {  	s4 =	rddreg [dreg:$0x0];
	s5 =	sshrl.u32 s3, $0x3  }
0x6: {  	s2 =	simm.s32 $0x0;
	s3 =	sshll.u32 s3, $0x4;
	s5 =	sadd.s32 s5, s4  }
0x7: {  	[smem:$0x7FF] =	sst s2;
	s30 =	sadd.s32 s3, s4;
	s16 =	sadd.s32 $0x6A00, s5  }
0x8: {  	_ =	strace $0x80000050;
	s17 =	sadd.s32 $0x48D600, s30;
	[dreg:$0x2] =	wrdreg s16  }
0x9: {  	s18 =	sadd.s32 $0x494600, s30;
	[dreg:$0x3] =	wrdreg s17  }
0xa: {  	s19 =	sadd.s32 $0x494E00, s30;
	[dreg:$0x4] =	wrdreg s18  }
0xb: {  	s20 =	sadd.s32 $0x48DE00, s30;
	[dreg:$0x5] =	wrdreg s19  }
0xc: {  	s21 =	sadd.s32 $0x48E600, s30;
	[dreg:$0x6] =	wrdreg s20  }
0xd: {  	s22 =	sadd.s32 $0x48EE00, s30;
	[dreg:$0x7] =	wrdreg s21  }
0xe: {  	s23 =	sadd.s32 $0x48F600, s30;
	[dreg:$0x8] =	wrdreg s22  }
0xf: {  	s24 =	sadd.s32 $0x48FE00, s30;
	[dreg:$0x9] =	wrdreg s23  }
0x10: {  	s26 =	sadd.s32 $0x490600, s30;
	[dreg:$0xa] =	wrdreg s24  }
0x11: {  	[dreg:$0xb] =	wrdreg s26  }
0x12: {  	s3 =	simm.s32 $0x3;
	s25 =	rddreg [dreg:$0x2]  }
0x13: {  	[tilespmem:s2], [sflag:$0x3] =	stream.linear.gather [hbm4b:s25+s2], $0x800, $0x38;
	[tilespmem:$0x8800] =	vst v63  }
0x14: {  	_ =	swait.ge [sflag:s3], $0x800  }
0x15: {  	s6 =	simm.s32 $0x800;
	[sflag:s3] =	ssyncset.done $0x0  }
0x16: {  	s4 =	sadd.s32 $0xCA000, s4;
	s5 =	simm.s32 $0x80;
	[sflag:s3] =	ssyncadd.s32 $0xFFFFF800  }
0x17: {  	[tilespmem:s6], [sflag:$0x1] =	stream.indirect.gather [hbm4b:s4+s5], $0x80, s2, s5, $0xb8;
	[tilespmem:$0x8800] =	vst v63  }
0x18: {  	s7 =	simm.s32 $0x4800;
	s8 =	simm.s32 $0x1  }
0x19: {  	[tilespmem:s7], [sflag:$0x2] =	stream.indirect.gather [hbm4b:s4+s5], $0x80, s5, s5, $0xb8;
	[tilespmem:$0x8800] =	vst v63  }
0x1a: {  	_ =	swait.ge [sflag:s8], $0x4000  }
0x1b: {  	[sflag:s8] =	ssyncset.done $0x0  }
0x1c: {  	s9 =	rddreg [dreg:$0x3];
	[sflag:s8] =	ssyncadd.s32 $0xFFFFC000  }
0x1d: {  	[hbm4b:s9+s2] =	stream.linear.scatter [tilespmem:s6], [sflag:$0x3], $0x4000, $0x38;
	[tilespmem:$0x8800] =	vst v63  }
0x1e: {  	_ =	swait.ge [sflag:s3], $0x4000  }
0x1f: {  	[sflag:s3] =	ssyncset.done $0x0  }
0x20: {  	s10 =	simm.s32 $0x2;
	s9 =	simm.s32 $0x100;
	[sflag:s3] =	ssyncadd.s32 $0xFFFFC000  }
0x21: {  	[tilespmem:s6], [sflag:$0x1] =	stream.indirect.gather [hbm4b:s4+s5], $0x80, s9, s5, $0xb8;
	[tilespmem:$0x8800] =	vst v63  }
0x22: {  	_ =	swait.ge [sflag:s10], $0x4000  }
0x23: {  	[sflag:s10] =	ssyncset.done $0x0  }
0x24: {  	s11 =	rddreg [dreg:$0x6];
	[sflag:s10] =	ssyncadd.s32 $0xFFFFC000  }
0x25: {  	[hbm4b:s11+s2] =	stream.linear.scatter [tilespmem:s7], [sflag:$0x3], $0x4000, $0x38;
	[tilespmem:$0x8800] =	vst v63  }
0x26: {  	_ =	swait.ge [sflag:s3], $0x4000  }
0x27: {  	[sflag:s3] =	ssyncset.done $0x0  }
0x28: {  	s11 =	simm.s32 $0x180;
	[sflag:s3] =	ssyncadd.s32 $0xFFFFC000  }
0x29: {  	[tilespmem:s7], [sflag:$0x2] =	stream.indirect.gather [hbm4b:s4+s5], $0x80, s11, s5, $0xb8;
	[tilespmem:$0x8800] =	vst v63  }
0x2a: {  	_ =	swait.ge [sflag:s8], $0x4000  }
0x2b: {  	[sflag:s8] =	ssyncset.done $0x0  }
0x2c: {  	s12 =	rddreg [dreg:$0x7];
	[sflag:s8] =	ssyncadd.s32 $0xFFFFC000  }
0x2d: {  	[hbm4b:s12+s2] =	stream.linear.scatter [tilespmem:s6], [sflag:$0x3], $0x4000, $0x38;
	[tilespmem:$0x8800] =	vst v63  }
0x2e: {  	_ =	swait.ge [sflag:s3], $0x4000  }
0x2f: {  	[sflag:s3] =	ssyncset.done $0x0  }
0x30: {  	s12 =	simm.s32 $0x200;
	[sflag:s3] =	ssyncadd.s32 $0xFFFFC000  }
0x31: {  	[tilespmem:s6], [sflag:$0x1] =	stream.indirect.gather [hbm4b:s4+s5], $0x80, s12, s5, $0xb8;
	[tilespmem:$0x8800] =	vst v63  }
0x32: {  	_ =	swait.ge [sflag:s10], $0x4000  }
0x33: {  	[sflag:s10] =	ssyncset.done $0x0  }
0x34: {  	s13 =	rddreg [dreg:$0x8];
	[sflag:s10] =	ssyncadd.s32 $0xFFFFC000  }
0x35: {  	[hbm4b:s13+s2] =	stream.linear.scatter [tilespmem:s7], [sflag:$0x3], $0x4000, $0x38;
	[tilespmem:$0x8800] =	vst v63  }
0x36: {  	_ =	swait.ge [sflag:s3], $0x4000  }
0x37: {  	[sflag:s3] =	ssyncset.done $0x0  }
0x38: {  	s13 =	simm.s32 $0x280;
	[sflag:s3] =	ssyncadd.s32 $0xFFFFC000  }
0x39: {  	[tilespmem:s7], [sflag:$0x2] =	stream.indirect.gather [hbm4b:s4+s5], $0x80, s13, s5, $0xb8;
	[tilespmem:$0x8800] =	vst v63  }
0x3a: {  	_ =	swait.ge [sflag:s8], $0x4000  }
0x3b: {  	[sflag:s8] =	ssyncset.done $0x0  }
0x3c: {  	s14 =	rddreg [dreg:$0x9];
	[sflag:s8] =	ssyncadd.s32 $0xFFFFC000  }
0x3d: {  	[hbm4b:s14+s2] =	stream.linear.scatter [tilespmem:s6], [sflag:$0x3], $0x4000, $0x38;
	[tilespmem:$0x8800] =	vst v63  }
0x3e: {  	_ =	swait.ge [sflag:s3], $0x4000  }
0x3f: {  	[sflag:s3] =	ssyncset.done $0x0  }
0x40: {  	s14 =	simm.s32 $0x300;
	[sflag:s3] =	ssyncadd.s32 $0xFFFFC000  }
0x41: {  	[tilespmem:s6], [sflag:$0x1] =	stream.indirect.gather [hbm4b:s4+s5], $0x80, s14, s5, $0xb8;
	[tilespmem:$0x8800] =	vst v63  }
0x42: {  	_ =	swait.ge [sflag:s10], $0x4000  }
0x43: {  	[sflag:s10] =	ssyncset.done $0x0  }
0x44: {  	s15 =	rddreg [dreg:$0xa];
	[sflag:s10] =	ssyncadd.s32 $0xFFFFC000  }
0x45: {  	[hbm4b:s15+s2] =	stream.linear.scatter [tilespmem:s7], [sflag:$0x3], $0x4000, $0x38;
	[tilespmem:$0x8800] =	vst v63  }
0x46: {  	_ =	swait.ge [sflag:s3], $0x4000  }
0x47: {  	[sflag:s3] =	ssyncset.done $0x0  }
0x48: {  	s15 =	simm.s32 $0x380;
	[sflag:s3] =	ssyncadd.s32 $0xFFFFC000  }
0x49: {  	[tilespmem:s7], [sflag:$0x2] =	stream.indirect.gather [hbm4b:s4+s5], $0x80, s15, s5, $0xb8;
	[tilespmem:$0x8800] =	vst v63  }
0x4a: {  	_ =	swait.ge [sflag:s8], $0x4000  }
0x4b: {  	[sflag:s8] =	ssyncset.done $0x0  }
0x4c: {  	s16 =	rddreg [dreg:$0xb];
	[sflag:s8] =	ssyncadd.s32 $0xFFFFC000  }
0x4d: {  	[hbm4b:s16+s2] =	stream.linear.scatter [tilespmem:s6], [sflag:$0x3], $0x4000, $0x38;
	[tilespmem:$0x8800] =	vst v63  }
0x4e: {  	_ =	swait.ge [sflag:s3], $0x4000  }
0x4f: {  	[sflag:s3] =	ssyncset.done $0x0  }
0x50: {  	s16 =	simm.s32 $0x400;
	[sflag:s3] =	ssyncadd.s32 $0xFFFFC000  }
0x51: {  	[tilespmem:s6], [sflag:$0x1] =	stream.indirect.gather [hbm4b:s4+s5], $0x80, s16, s5, $0xb8;
	[tilespmem:$0x8800] =	vst v63  }
0x52: {  	_ =	swait.ge [sflag:s10], $0x4000  }
0x53: {  	[sflag:s10] =	ssyncset.done $0x0  }
0x54: {  	s17 =	sadd.s32 $0x490E00, s30;
	[sflag:s10] =	ssyncadd.s32 $0xFFFFC000  }
0x55: {  	[hbm4b:s17+s2] =	stream.linear.scatter [tilespmem:s7], [sflag:$0x3], $0x4000, $0x38;
	[tilespmem:$0x8800] =	vst v63  }
0x56: {  	_ =	swait.ge [sflag:s3], $0x4000  }
0x57: {  	[sflag:s3] =	ssyncset.done $0x0  }
0x58: {  	s18 =	simm.s32 $0x480;
	[sflag:s3] =	ssyncadd.s32 $0xFFFFC000  }
0x59: {  	[tilespmem:s7], [sflag:$0x2] =	stream.indirect.gather [hbm4b:s4+s5], $0x80, s18, s5, $0xb8;
	[tilespmem:$0x8800] =	vst v63  }
0x5a: {  	_ =	swait.ge [sflag:s8], $0x4000  }
0x5b: {  	[sflag:s8] =	ssyncset.done $0x0  }
0x5c: {  	s19 =	sadd.s32 $0x491600, s30;
	[sflag:s8] =	ssyncadd.s32 $0xFFFFC000  }
0x5d: {  	[hbm4b:s19+s2] =	stream.linear.scatter [tilespmem:s6], [sflag:$0x3], $0x4000, $0x38;
	[tilespmem:$0x8800] =	vst v63  }
0x5e: {  	_ =	swait.ge [sflag:s3], $0x4000  }
0x5f: {  	[sflag:s3] =	ssyncset.done $0x0  }
0x60: {  	s20 =	simm.s32 $0x500;
	[sflag:s3] =	ssyncadd.s32 $0xFFFFC000  }
0x61: {  	[tilespmem:s6], [sflag:$0x1] =	stream.indirect.gather [hbm4b:s4+s5], $0x80, s20, s5, $0xb8;
	[tilespmem:$0x8800] =	vst v63  }
0x62: {  	_ =	swait.ge [sflag:s10], $0x4000  }
0x63: {  	[sflag:s10] =	ssyncset.done $0x0  }
0x64: {  	s21 =	sadd.s32 $0x491E00, s30;
	[sflag:s10] =	ssyncadd.s32 $0xFFFFC000  }
0x65: {  	[hbm4b:s21+s2] =	stream.linear.scatter [tilespmem:s7], [sflag:$0x3], $0x4000, $0x38;
	[tilespmem:$0x8800] =	vst v63  }
0x66: {  	_ =	swait.ge [sflag:s3], $0x4000  }
0x67: {  	[sflag:s3] =	ssyncset.done $0x0  }
0x68: {  	s22 =	simm.s32 $0x580;
	[sflag:s3] =	ssyncadd.s32 $0xFFFFC000  }
0x69: {  	[tilespmem:s7], [sflag:$0x2] =	stream.indirect.gather [hbm4b:s4+s5], $0x80, s22, s5, $0xb8;
	[tilespmem:$0x8800] =	vst v63  }
0x6a: {  	_ =	swait.ge [sflag:s8], $0x4000  }
0x6b: {  	[sflag:s8] =	ssyncset.done $0x0  }
0x6c: {  	s23 =	sadd.s32 $0x492600, s30;
	[sflag:s8] =	ssyncadd.s32 $0xFFFFC000  }
0x6d: {  	[hbm4b:s23+s2] =	stream.linear.scatter [tilespmem:s6], [sflag:$0x3], $0x4000, $0x38;
	[tilespmem:$0x8800] =	vst v63  }
0x6e: {  	_ =	swait.ge [sflag:s3], $0x4000  }
0x6f: {  	[sflag:s3] =	ssyncset.done $0x0  }
0x70: {  	s24 =	simm.s32 $0x600;
	[sflag:s3] =	ssyncadd.s32 $0xFFFFC000  }
0x71: {  	[tilespmem:s6], [sflag:$0x1] =	stream.indirect.gather [hbm4b:s4+s5], $0x80, s24, s5, $0xb8;
	[tilespmem:$0x8800] =	vst v63  }
0x72: {  	_ =	swait.ge [sflag:s10], $0x4000  }
0x73: {  	[sflag:s10] =	ssyncset.done $0x0  }
0x74: {  	s25 =	sadd.s32 $0x492E00, s30;
	[sflag:s10] =	ssyncadd.s32 $0xFFFFC000  }
0x75: {  	[hbm4b:s25+s2] =	stream.linear.scatter [tilespmem:s7], [sflag:$0x3], $0x4000, $0x38;
	[tilespmem:$0x8800] =	vst v63  }
0x76: {  	_ =	swait.ge [sflag:s3], $0x4000  }
0x77: {  	[sflag:s3] =	ssyncset.done $0x0  }
0x78: {  	s26 =	simm.s32 $0x680;
	[sflag:s3] =	ssyncadd.s32 $0xFFFFC000  }
0x79: {  	[tilespmem:s7], [sflag:$0x2] =	stream.indirect.gather [hbm4b:s4+s5], $0x80, s26, s5, $0xb8;
	[tilespmem:$0x8800] =	vst v63  }
0x7a: {  	_ =	swait.ge [sflag:s8], $0x4000  }
0x7b: {  	[sflag:s8] =	ssyncset.done $0x0  }
0x7c: {  	s28 =	sadd.s32 $0x493600, s30;
	[sflag:s8] =	ssyncadd.s32 $0xFFFFC000  }
0x7d: {  	[hbm4b:s28+s2] =	stream.linear.scatter [tilespmem:s6], [sflag:$0x3], $0x4000, $0x38;
	[tilespmem:$0x8800] =	vst v63  }
0x7e: {  	_ =	swait.ge [sflag:s3], $0x4000  }
0x7f: {  	[sflag:s3] =	ssyncset.done $0x0  }
0x80: {  	s29 =	simm.s32 $0x700;
	[sflag:s3] =	ssyncadd.s32 $0xFFFFC000  }
0x81: {  	[tilespmem:s6], [sflag:$0x1] =	stream.indirect.gather [hbm4b:s4+s5], $0x80, s29, s5, $0xb8;
	[tilespmem:$0x8800] =	vst v63  }
0x82: {  	_ =	swait.ge [sflag:s10], $0x4000  }
0x83: {  	[sflag:s10] =	ssyncset.done $0x0  }
0x84: {  	s30 =	sadd.s32 $0x493E00, s30;
	[sflag:s10] =	ssyncadd.s32 $0xFFFFC000  }
0x85: {  	[hbm4b:s30+s2] =	stream.linear.scatter [tilespmem:s7], [sflag:$0x3], $0x4000, $0x38;
	[tilespmem:$0x8800] =	vst v63  }
0x86: {  	_ =	swait.ge [sflag:s3], $0x4000  }
0x87: {  	[sflag:s3] =	ssyncset.done $0x0  }
0x88: {  	s31 =	simm.s32 $0x780;
	[sflag:s3] =	ssyncadd.s32 $0xFFFFC000  }
0x89: {  	[tilespmem:s7], [sflag:$0x2] =	stream.indirect.gather [hbm4b:s4+s5], $0x80, s31, s5, $0xb8;
	[tilespmem:$0x8800] =	vst v63  }
0x8a: {  	_ =	swait.ge [sflag:s8], $0x4000  }
0x8b: {  	[sflag:s8] =	ssyncset.done $0x0  }
0x8c: {  	s0 =	rddreg [dreg:$0x4];
	[sflag:s8] =	ssyncadd.s32 $0xFFFFC000  }
0x8d: {  	[hbm4b:s0+s2] =	stream.linear.scatter [tilespmem:s6], [sflag:$0x3], $0x4000, $0x38;
	[tilespmem:$0x8800] =	vst v63  }
0x8e: {  	_ =	swait.ge [sflag:s3], $0x4000  }
0x8f: {  	[sflag:s3] =	ssyncset.done $0x0  }
0x90: {  	[sflag:s3] =	ssyncadd.s32 $0xFFFFC000  }
0x91: {  	_ =	swait.ge [sflag:s10], $0x4000  }
0x92: {  	s0 =	ssub.s32 $0x2, s1;
	s1 =	rddreg [dreg:$0x5]  }
0x93: {  	[dreg:$0xc] =	wrdreg s1;
	s1 =	sshrl.u32 s0, $0x1  }
0x94: {  	s0 =	ssub.s32 s0, s1  }
0x95: {  	s0 =	smax.u32 s0, $0x1  }
0x96: {  	p0 =	sne.s32 s0, $0x1  }
.Ltmp0:
0x97: {  	_ = 	snop;
	(pc) =	sbr.rel @!p0 .LBB2_2-.Ltmp0, $4  }
0x98: {  	[sflag:s10] =	ssyncset.done $0x0  }
0x99: {  	[sflag:s10] =	ssyncadd.s32 $0xFFFFC000;
	s1 =	rddreg [dreg:$0xc]  }
0x9a: {  	[hbm4b:s1+s2] =	stream.linear.scatter [tilespmem:s7], [sflag:$0x3], $0x4000, $0x38;
	[tilespmem:$0x8800] =	vst v63  }
0x9b: {  	s1 =	sadd.s32 $0xFFFFFFFF, s0;
	_ =	swait.ge [sflag:s3], $0x4000  }
.LBB2_1:
0x9c: {  	[sflag:s3] =	ssyncset.done $0x0  }
0x9d: {  	s0 =	rddreg [dreg:$0x2];
	[sflag:s3] =	ssyncadd.s32 $0xFFFFC000  }
0x9e: {  	[tilespmem:s2], [sflag:$0x3] =	stream.linear.gather [hbm4b:s0+s2], $0x800, $0x38;
	[tilespmem:$0x8800] =	vst v63  }
0x9f: {  	_ =	swait.ge [sflag:s3], $0x800  }
0xa0: {  	[sflag:s3] =	ssyncset.done $0x0  }
0xa1: {  	[sflag:s3] =	ssyncadd.s32 $0xFFFFF800  }
0xa2: {  	[tilespmem:s6], [sflag:$0x1] =	stream.indirect.gather [hbm4b:s4+s5], $0x80, s2, s5, $0xb8;
	[tilespmem:$0x8800] =	vst v63  }
0xa3: {  	_ = 	snop  }
0xa4: {  	[tilespmem:s7], [sflag:$0x2] =	stream.indirect.gather [hbm4b:s4+s5], $0x80, s5, s5, $0xb8;
	[tilespmem:$0x8800] =	vst v63  }
0xa5: {  	_ =	swait.ge [sflag:s8], $0x4000  }
0xa6: {  	[sflag:s8] =	ssyncset.done $0x0  }
0xa7: {  	s0 =	rddreg [dreg:$0x3];
	[sflag:s8] =	ssyncadd.s32 $0xFFFFC000  }
0xa8: {  	[hbm4b:s0+s2] =	stream.linear.scatter [tilespmem:s6], [sflag:$0x3], $0x4000, $0x38;
	[tilespmem:$0x8800] =	vst v63  }
0xa9: {  	_ =	swait.ge [sflag:s3], $0x4000  }
0xaa: {  	[sflag:s3] =	ssyncset.done $0x0  }
0xab: {  	[sflag:s3] =	ssyncadd.s32 $0xFFFFC000  }
0xac: {  	[tilespmem:s6], [sflag:$0x1] =	stream.indirect.gather [hbm4b:s4+s5], $0x80, s9, s5, $0xb8;
	[tilespmem:$0x8800] =	vst v63  }
0xad: {  	_ =	swait.ge [sflag:s10], $0x4000  }
0xae: {  	[sflag:s10] =	ssyncset.done $0x0  }
0xaf: {  	s0 =	rddreg [dreg:$0x6];
	[sflag:s10] =	ssyncadd.s32 $0xFFFFC000  }
0xb0: {  	[hbm4b:s0+s2] =	stream.linear.scatter [tilespmem:s7], [sflag:$0x3], $0x4000, $0x38;
	[tilespmem:$0x8800] =	vst v63  }
0xb1: {  	_ =	swait.ge [sflag:s3], $0x4000  }
0xb2: {  	[sflag:s3] =	ssyncset.done $0x0  }
0xb3: {  	[sflag:s3] =	ssyncadd.s32 $0xFFFFC000  }
0xb4: {  	[tilespmem:s7], [sflag:$0x2] =	stream.indirect.gather [hbm4b:s4+s5], $0x80, s11, s5, $0xb8;
	[tilespmem:$0x8800] =	vst v63  }
0xb5: {  	_ =	swait.ge [sflag:s8], $0x4000  }
0xb6: {  	[sflag:s8] =	ssyncset.done $0x0  }
0xb7: {  	s0 =	rddreg [dreg:$0x7];
	[sflag:s8] =	ssyncadd.s32 $0xFFFFC000  }
0xb8: {  	[hbm4b:s0+s2] =	stream.linear.scatter [tilespmem:s6], [sflag:$0x3], $0x4000, $0x38;
	[tilespmem:$0x8800] =	vst v63  }
0xb9: {  	_ =	swait.ge [sflag:s3], $0x4000  }
0xba: {  	[sflag:s3] =	ssyncset.done $0x0  }
0xbb: {  	[sflag:s3] =	ssyncadd.s32 $0xFFFFC000  }
0xbc: {  	[tilespmem:s6], [sflag:$0x1] =	stream.indirect.gather [hbm4b:s4+s5], $0x80, s12, s5, $0xb8;
	[tilespmem:$0x8800] =	vst v63  }
0xbd: {  	_ =	swait.ge [sflag:s10], $0x4000  }
0xbe: {  	[sflag:s10] =	ssyncset.done $0x0  }
0xbf: {  	s0 =	rddreg [dreg:$0x8];
	[sflag:s10] =	ssyncadd.s32 $0xFFFFC000  }
0xc0: {  	[hbm4b:s0+s2] =	stream.linear.scatter [tilespmem:s7], [sflag:$0x3], $0x4000, $0x38;
	[tilespmem:$0x8800] =	vst v63  }
0xc1: {  	_ =	swait.ge [sflag:s3], $0x4000  }
0xc2: {  	[sflag:s3] =	ssyncset.done $0x0  }
0xc3: {  	[sflag:s3] =	ssyncadd.s32 $0xFFFFC000  }
0xc4: {  	[tilespmem:s7], [sflag:$0x2] =	stream.indirect.gather [hbm4b:s4+s5], $0x80, s13, s5, $0xb8;
	[tilespmem:$0x8800] =	vst v63  }
0xc5: {  	_ =	swait.ge [sflag:s8], $0x4000  }
0xc6: {  	[sflag:s8] =	ssyncset.done $0x0  }
0xc7: {  	s0 =	rddreg [dreg:$0x9];
	[sflag:s8] =	ssyncadd.s32 $0xFFFFC000  }
0xc8: {  	[hbm4b:s0+s2] =	stream.linear.scatter [tilespmem:s6], [sflag:$0x3], $0x4000, $0x38;
	[tilespmem:$0x8800] =	vst v63  }
0xc9: {  	_ =	swait.ge [sflag:s3], $0x4000  }
0xca: {  	[sflag:s3] =	ssyncset.done $0x0  }
0xcb: {  	[sflag:s3] =	ssyncadd.s32 $0xFFFFC000  }
0xcc: {  	[tilespmem:s6], [sflag:$0x1] =	stream.indirect.gather [hbm4b:s4+s5], $0x80, s14, s5, $0xb8;
	[tilespmem:$0x8800] =	vst v63  }
0xcd: {  	_ =	swait.ge [sflag:s10], $0x4000  }
0xce: {  	[sflag:s10] =	ssyncset.done $0x0  }
0xcf: {  	s0 =	rddreg [dreg:$0xa];
	[sflag:s10] =	ssyncadd.s32 $0xFFFFC000  }
0xd0: {  	[hbm4b:s0+s2] =	stream.linear.scatter [tilespmem:s7], [sflag:$0x3], $0x4000, $0x38;
	[tilespmem:$0x8800] =	vst v63  }
0xd1: {  	_ =	swait.ge [sflag:s3], $0x4000  }
0xd2: {  	[sflag:s3] =	ssyncset.done $0x0  }
0xd3: {  	[sflag:s3] =	ssyncadd.s32 $0xFFFFC000  }
0xd4: {  	[tilespmem:s7], [sflag:$0x2] =	stream.indirect.gather [hbm4b:s4+s5], $0x80, s15, s5, $0xb8;
	[tilespmem:$0x8800] =	vst v63  }
0xd5: {  	_ =	swait.ge [sflag:s8], $0x4000  }
0xd6: {  	[sflag:s8] =	ssyncset.done $0x0  }
0xd7: {  	s0 =	rddreg [dreg:$0xb];
	[sflag:s8] =	ssyncadd.s32 $0xFFFFC000  }
0xd8: {  	[hbm4b:s0+s2] =	stream.linear.scatter [tilespmem:s6], [sflag:$0x3], $0x4000, $0x38;
	[tilespmem:$0x8800] =	vst v63  }
0xd9: {  	_ =	swait.ge [sflag:s3], $0x4000  }
0xda: {  	[sflag:s3] =	ssyncset.done $0x0  }
0xdb: {  	[sflag:s3] =	ssyncadd.s32 $0xFFFFC000  }
0xdc: {  	[tilespmem:s6], [sflag:$0x1] =	stream.indirect.gather [hbm4b:s4+s5], $0x80, s16, s5, $0xb8;
	[tilespmem:$0x8800] =	vst v63  }
0xdd: {  	_ =	swait.ge [sflag:s10], $0x4000  }
0xde: {  	[sflag:s10] =	ssyncset.done $0x0  }
0xdf: {  	[sflag:s10] =	ssyncadd.s32 $0xFFFFC000  }
0xe0: {  	[hbm4b:s17+s2] =	stream.linear.scatter [tilespmem:s7], [sflag:$0x3], $0x4000, $0x38;
	[tilespmem:$0x8800] =	vst v63  }
0xe1: {  	_ =	swait.ge [sflag:s3], $0x4000  }
0xe2: {  	[sflag:s3] =	ssyncset.done $0x0  }
0xe3: {  	[sflag:s3] =	ssyncadd.s32 $0xFFFFC000  }
0xe4: {  	[tilespmem:s7], [sflag:$0x2] =	stream.indirect.gather [hbm4b:s4+s5], $0x80, s18, s5, $0xb8;
	[tilespmem:$0x8800] =	vst v63  }
0xe5: {  	_ =	swait.ge [sflag:s8], $0x4000  }
0xe6: {  	[sflag:s8] =	ssyncset.done $0x0  }
0xe7: {  	[sflag:s8] =	ssyncadd.s32 $0xFFFFC000  }
0xe8: {  	[hbm4b:s19+s2] =	stream.linear.scatter [tilespmem:s6], [sflag:$0x3], $0x4000, $0x38;
	[tilespmem:$0x8800] =	vst v63  }
0xe9: {  	_ =	swait.ge [sflag:s3], $0x4000  }
0xea: {  	[sflag:s3] =	ssyncset.done $0x0  }
0xeb: {  	[sflag:s3] =	ssyncadd.s32 $0xFFFFC000  }
0xec: {  	[tilespmem:s6], [sflag:$0x1] =	stream.indirect.gather [hbm4b:s4+s5], $0x80, s20, s5, $0xb8;
	[tilespmem:$0x8800] =	vst v63  }
0xed: {  	_ =	swait.ge [sflag:s10], $0x4000  }
0xee: {  	[sflag:s10] =	ssyncset.done $0x0  }
0xef: {  	[sflag:s10] =	ssyncadd.s32 $0xFFFFC000  }
0xf0: {  	[hbm4b:s21+s2] =	stream.linear.scatter [tilespmem:s7], [sflag:$0x3], $0x4000, $0x38;
	[tilespmem:$0x8800] =	vst v63  }
0xf1: {  	_ =	swait.ge [sflag:s3], $0x4000  }
0xf2: {  	[sflag:s3] =	ssyncset.done $0x0  }
0xf3: {  	[sflag:s3] =	ssyncadd.s32 $0xFFFFC000  }
0xf4: {  	[tilespmem:s7], [sflag:$0x2] =	stream.indirect.gather [hbm4b:s4+s5], $0x80, s22, s5, $0xb8;
	[tilespmem:$0x8800] =	vst v63  }
0xf5: {  	_ =	swait.ge [sflag:s8], $0x4000  }
0xf6: {  	[sflag:s8] =	ssyncset.done $0x0  }
0xf7: {  	[sflag:s8] =	ssyncadd.s32 $0xFFFFC000  }
0xf8: {  	[hbm4b:s23+s2] =	stream.linear.scatter [tilespmem:s6], [sflag:$0x3], $0x4000, $0x38;
	[tilespmem:$0x8800] =	vst v63  }
0xf9: {  	_ =	swait.ge [sflag:s3], $0x4000  }
0xfa: {  	[sflag:s3] =	ssyncset.done $0x0  }
0xfb: {  	[sflag:s3] =	ssyncadd.s32 $0xFFFFC000  }
0xfc: {  	[tilespmem:s6], [sflag:$0x1] =	stream.indirect.gather [hbm4b:s4+s5], $0x80, s24, s5, $0xb8;
	[tilespmem:$0x8800] =	vst v63  }
0xfd: {  	_ =	swait.ge [sflag:s10], $0x4000  }
0xfe: {  	[sflag:s10] =	ssyncset.done $0x0  }
0xff: {  	[sflag:s10] =	ssyncadd.s32 $0xFFFFC000  }
0x100: {  	[hbm4b:s25+s2] =	stream.linear.scatter [tilespmem:s7], [sflag:$0x3], $0x4000, $0x38;
	[tilespmem:$0x8800] =	vst v63  }
0x101: {  	_ =	swait.ge [sflag:s3], $0x4000  }
0x102: {  	[sflag:s3] =	ssyncset.done $0x0  }
0x103: {  	[sflag:s3] =	ssyncadd.s32 $0xFFFFC000  }
0x104: {  	[tilespmem:s7], [sflag:$0x2] =	stream.indirect.gather [hbm4b:s4+s5], $0x80, s26, s5, $0xb8;
	[tilespmem:$0x8800] =	vst v63  }
0x105: {  	_ =	swait.ge [sflag:s8], $0x4000  }
0x106: {  	[sflag:s8] =	ssyncset.done $0x0  }
0x107: {  	[sflag:s8] =	ssyncadd.s32 $0xFFFFC000  }
0x108: {  	[hbm4b:s28+s2] =	stream.linear.scatter [tilespmem:s6], [sflag:$0x3], $0x4000, $0x38;
	[tilespmem:$0x8800] =	vst v63  }
0x109: {  	_ =	swait.ge [sflag:s3], $0x4000  }
0x10a: {  	[sflag:s3] =	ssyncset.done $0x0  }
0x10b: {  	[sflag:s3] =	ssyncadd.s32 $0xFFFFC000  }
0x10c: {  	[tilespmem:s6], [sflag:$0x1] =	stream.indirect.gather [hbm4b:s4+s5], $0x80, s29, s5, $0xb8;
	[tilespmem:$0x8800] =	vst v63  }
0x10d: {  	_ =	swait.ge [sflag:s10], $0x4000  }
0x10e: {  	[sflag:s10] =	ssyncset.done $0x0  }
0x10f: {  	[sflag:s10] =	ssyncadd.s32 $0xFFFFC000  }
0x110: {  	[hbm4b:s30+s2] =	stream.linear.scatter [tilespmem:s7], [sflag:$0x3], $0x4000, $0x38;
	[tilespmem:$0x8800] =	vst v63  }
0x111: {  	_ =	swait.ge [sflag:s3], $0x4000  }
0x112: {  	[sflag:s3] =	ssyncset.done $0x0  }
0x113: {  	[sflag:s3] =	ssyncadd.s32 $0xFFFFC000  }
0x114: {  	[tilespmem:s7], [sflag:$0x2] =	stream.indirect.gather [hbm4b:s4+s5], $0x80, s31, s5, $0xb8;
	[tilespmem:$0x8800] =	vst v63  }
0x115: {  	_ =	swait.ge [sflag:s8], $0x4000  }
0x116: {  	[sflag:s8] =	ssyncset.done $0x0  }
0x117: {  	s0 =	rddreg [dreg:$0x4];
	[sflag:s8] =	ssyncadd.s32 $0xFFFFC000  }
0x118: {  	[hbm4b:s0+s2] =	stream.linear.scatter [tilespmem:s6], [sflag:$0x3], $0x4000, $0x38;
	[tilespmem:$0x8800] =	vst v63  }
0x119: {  	_ =	swait.ge [sflag:s3], $0x4000  }
0x11a: {  	[sflag:s3] =	ssyncset.done $0x0  }
0x11b: {  	p0 =	sne.s32 s1, $0x1;
	[sflag:s3] =	ssyncadd.s32 $0xFFFFC000  }
.Ltmp1:
0x11c: {  	_ =	swait.ge [sflag:s10], $0x4000;
	(pc) =	sbr.rel @p0 .LBB2_1-.Ltmp1, $4  }
0x11d: {  	[sflag:s10] =	ssyncset.done $0x0  }
0x11e: {  	s0 =	rddreg [dreg:$0x5];
	[sflag:s10] =	ssyncadd.s32 $0xFFFFC000  }
0x11f: {  	[hbm4b:s0+s2] =	stream.linear.scatter [tilespmem:s7], [sflag:$0x3], $0x4000, $0x38;
	[tilespmem:$0x8800] =	vst v63  }
0x120: {  	s1 =	sadd.s32 $0xFFFFFFFF, s1;
	_ =	swait.ge [sflag:s3], $0x4000  }
.LBB2_2:
0x121: {  	[sflag:s3] =	ssyncset.done $0x0  }
0x122: {  	[sflag:s3] =	ssyncadd.s32 $0xFFFFC000  }
0x123: {  	_ =	sfence.sel $0x180000  }
0x124: {  	[bflag:$0x0] =	sbarrier.arrive $0xFFFF  }
0x125: {  	_ =	strace $0x90000050  }
0x126: {  	s0 =	stileid.u32;
	[bflag:$0x2] =	sbarrier.arrive $0xFFFF  }
0x127: {  	p0 =	sne.s32 s0, $0x0;
	s0 =	rddreg [dreg:$0x1]  }
0x128: {  	s0 =	sadd.s32 @!p0 $0x100000, s0  }
0x129: {  	[sflag:s0] =	ssyncadd.tile.s32 @!p0 $0x1;
	_ =	shalt  }
.Lfunc_end2:
_tile_overlayer_lowered:
.L_overlay_start_2:
0x12a: {  	(tag) =	ssettag $0x2  }
0x12b: {  	s0 =	rddreg [dreg:$0x0];
	s2 =	stileid.u32  }
0x12c: {  	s1 =	rddreg [dreg:$0x1];
	p0 =	sne.s32 s2, $0x0  }
0x12d: {  	s3 =	rddreg [dreg:$0x2];
	[bflag:$0x3] =	sbarrier.arrive $0xFFFF;
	s2 =	simm.s32 @!p0 $0x1C03  }
0x12e: {  	[timem:s3], [sflag:s2] =	dma.local @!p0 [hbm:s0], s1  }
0x12f: {  	s0 =	simm.s32 @!p0 $0x3  }
0x130: {  	_ =	swait.ge @!p0 [sflag:s0], s1  }
0x131: {  	s1 =	ssub.s32 @!p0 $0x0, s1;
	[sflag:s0] =	ssyncset.done @!p0 $0x0  }
0x132: {  	[sflag:s0] =	ssyncadd.s32 @!p0 s1  }
0x133: {  	[bflag:$0x3] =	sbarrier.arrive $0xFFFF  }
0x134: {  	_ =	shalt  }

// kernel: kernel.14.cloned.1.call-start
scs
__scs_entry_jumppad:
0x0: {  	(pc) =	sbr.rel $0x88, $3  }
0x1: {  	(tag) =	ssettag $0x0;
	lr =	simm.s32 $0x1  }
0x2: {  	[smem:$0x3F90] =	sst lr;
	_ =	strace $0xD0000000  }
0x3: {  	_ = 	snop  }
0x4: {  	_ = 	snop  }
0x5: {  	_ = 	snop  }
0x6: {  	_ = 	snop  }
0x7: {  	_ = 	snop  }
__scs_overlays_trampoline_lowered:
0x8: {  	[smem:$0x3F9F] =	sst s0  }
0x9: {  	[smem:$0x3FA0] =	sst s1  }
0xa: {  	[smem:$0x3FA1] =	sst s2  }
0xb: {  	[smem:$0x3FA2] =	sst s3  }
0xc: {  	[smem:$0x3FA3] =	sst s4  }
0xd: {  	[smem:$0x3FA4] =	sst s5  }
0xe: {  	[smem:$0x3FA5] =	sst s6  }
0xf: {  	[smem:$0x3FA6] =	sst s7  }
0x10: {  	[smem:$0x3FA7] =	sst s8  }
0x11: {  	[smem:$0x3FA8] =	sst s9;
	s0 =	simm.s32 @!p0 $0x0  }
0x12: {  	s1 =	sld [smem:$0x3F8E];
	s0 =	simm.s32 @p0 $0x1  }
0x13: {  	[smem:$0x3FA9] =	sst s0;
	s0 =	simm.s32 @!p1 $0x0  }
0x14: {  	s2 =	sld [smem:$0x3F8D];
	s0 =	simm.s32 @p1 $0x1  }
0x15: {  	[smem:$0x3FAA] =	sst s0;
	s0 =	simm.s32 @!p2 $0x0  }
0x16: {  	s3 =	sld [smem:$0x3FDB];
	s0 =	simm.s32 @p2 $0x1  }
0x17: {  	s4 =	simm.s32 $0x1BF5;
	[smem:$0x3FAC] =	sst s0  }
0x18: {  	s0 =	sld [smem:$0x3F8F];
	_ =	swait.ge [sflag:s4], $0x0  }
0x19: {  	s7 =	sld [smem:$0x3F90]  }
0x1a: {  	s8 =	sadd.s32 $0xFFFFE003, lr  }
0x1b: {  	s9 =	sadd.s32 $0xFFFFFEF7, lr;
	s5 =	simm.s32 $0xFFFFFFFF;
	p2 =	slt.u32 s8, $0xFFFFF086  }
0x1c: {  	p1 =	slt.u32 s9, $0xF7A;
	s5 =	simm.s32 @!p2 $0x0  }
0x1d: {  	s5 =	simm.s32 @p1 $0x1;
	p0 =	seq.s32 s7, s2  }
0x1e: {  	s7 =	smul.u32 @!p0 $0xF7A, s2;
	p2 =	seq.s32 @!p0 s5, $0x0  }
0x1f: {  	s9 =	smul.u32 $0xF7A, s1;
	s8 =	simm.s32 @!p0 $0x1BF5;
	p2 =	por !p2, p0  }
0x20: {  	[sflag:s8] =	ssyncset.s32 @!p0 $0xFFFFF086;
	s6 =	sadd.s32 @!p0 s3, s7;
	s7 =	simm.s32 @!p0 $0x108  }
0x21: {  	s3 =	sadd.s32 s3, s9;
	s6 =	sadd.s32 @!p0 $0x88, s6;
	s7 =	simm.s32 @p2 $0x1082  }
0x22: {  	[simem:s7], [sflag:s8] =	dma.local @!p0 [hbm:s6], $0xF7A  }
0x23: {  	s9 =	sor.u32 $0xD0000000, s2;
	s6 =	simm.s32 $0x108;
	_ =	swait.ge @!p0 [sflag:s8], $0x0  }
0x24: {  	s3 =	sadd.s32 $0x88, s3;
	s6 =	simm.s32 @!p1 $0x1082;
	[sflag:s4] =	ssyncset.s32 $0xFFFFF086  }
0x25: {  	[simem:s6], [sflag:s4] =	dma.local [hbm:s3], $0xF7A  }
0x26: {  	[smem:$0x3F90] =	sst s1;
	(tag) =	ssettag s2;
	_ =	strace s9  }
0x27: {  	s1 =	sld [smem:$0x3FA0]  }
0x28: {  	s2 =	sld [smem:$0x3FA1]  }
0x29: {  	s4 =	sld [smem:$0x3FA3]  }
0x2a: {  	p0 =	seq.s32 s5, $0x0;
	s5 =	sld [smem:$0x3FA4]  }
0x2b: {  	s6 =	sld [smem:$0x3FA5]  }
0x2c: {  	s7 =	sld [smem:$0x3FA6]  }
0x2d: {  	s3 =	simm.s32 $0x108;
	s8 =	sld [smem:$0x3FA7]  }
0x2e: {  	s3 =	simm.s32 @!p0 $0x1082;
	s9 =	sld [smem:$0x3FA8]  }
0x2f: {  	lr =	sadd.s32 s0, s3;
	s0 =	sld [smem:$0x3F9F]  }
0x30: {  	s3 =	sld [smem:$0x3FA2]  }
0x31: {  	[smem:$0x3FAB] =	sst s10  }
0x32: {  	s10 =	sld [smem:$0x3FA9];
	_ =	sdelay $0x3  }
0x33: {  	p0 =	seq.s32 s10, $0x1;
	s10 =	sld [smem:$0x3FAB];
	_ =	sdelay $0x3  }
0x34: {  	[smem:$0x3FAB] =	sst s10  }
0x35: {  	s10 =	sld [smem:$0x3FAA];
	_ =	sdelay $0x3  }
0x36: {  	p1 =	seq.s32 s10, $0x1;
	s10 =	sld [smem:$0x3FAB];
	_ =	sdelay $0x3  }
0x37: {  	[smem:$0x3FAB] =	sst s10  }
0x38: {  	s10 =	sld [smem:$0x3FAC]  }
0x39: {  	_ = 	snop;
	(pc) =	sbr.ind lr, $3  }
0x3a: {  	_ = 	snop  }
0x3b: {  	_ = 	snop  }
0x3c: {  	p2 =	seq.s32 s10, $0x1;
	s10 =	sld [smem:$0x3FAB]  }
0x3d: {  	_ =	shalt  }
0x3e: {  	_ =	shalt  }
0x3f: {  	_ =	shalt  }
0x40: {  	_ =	shalt  }
0x41: {  	_ =	shalt  }
0x42: {  	_ =	shalt  }
0x43: {  	_ =	shalt  }
0x44: {  	_ =	shalt  }
0x45: {  	_ =	shalt  }
0x46: {  	_ =	shalt  }
0x47: {  	_ =	shalt  }
0x48: {  	_ =	shalt  }
0x49: {  	_ =	shalt  }
0x4a: {  	_ =	shalt  }
0x4b: {  	_ =	shalt  }
0x4c: {  	_ =	shalt  }
0x4d: {  	_ =	shalt  }
0x4e: {  	_ =	shalt  }
0x4f: {  	_ =	shalt  }
0x50: {  	_ =	shalt  }
0x51: {  	_ =	shalt  }
0x52: {  	_ =	shalt  }
0x53: {  	_ =	shalt  }
0x54: {  	_ =	shalt  }
0x55: {  	_ =	shalt  }
0x56: {  	_ =	shalt  }
0x57: {  	_ =	shalt  }
0x58: {  	_ =	shalt  }
0x59: {  	_ =	shalt  }
0x5a: {  	_ =	shalt  }
0x5b: {  	_ =	shalt  }
0x5c: {  	_ =	shalt  }
0x5d: {  	_ =	shalt  }
0x5e: {  	_ =	shalt  }
0x5f: {  	_ =	shalt  }
0x60: {  	_ =	shalt  }
0x61: {  	_ =	shalt  }
0x62: {  	_ =	shalt  }
0x63: {  	_ =	shalt  }
0x64: {  	_ =	shalt  }
0x65: {  	_ =	shalt  }
0x66: {  	_ =	shalt  }
0x67: {  	_ =	shalt  }
0x68: {  	_ =	shalt  }
0x69: {  	_ =	shalt  }
0x6a: {  	_ =	shalt  }
0x6b: {  	_ =	shalt  }
0x6c: {  	_ =	shalt  }
0x6d: {  	_ =	shalt  }
0x6e: {  	_ =	shalt  }
0x6f: {  	_ =	shalt  }
0x70: {  	_ =	shalt  }
0x71: {  	_ =	shalt  }
0x72: {  	_ =	shalt  }
0x73: {  	_ =	shalt  }
0x74: {  	_ =	shalt  }
0x75: {  	_ =	shalt  }
0x76: {  	_ =	shalt  }
0x77: {  	_ =	shalt  }
0x78: {  	_ =	shalt  }
0x79: {  	_ =	shalt  }
0x7a: {  	_ =	shalt  }
0x7b: {  	_ =	shalt  }
0x7c: {  	_ =	shalt  }
0x7d: {  	_ =	shalt  }
0x7e: {  	_ =	shalt  }
0x7f: {  	_ =	shalt  }
0x80: {  	_ =	shalt  }
0x81: {  	_ =	shalt  }
0x82: {  	_ =	shalt  }
0x83: {  	_ =	shalt  }
0x84: {  	_ =	shalt  }
0x85: {  	_ =	shalt  }
0x86: {  	_ =	shalt  }
0x87: {  	_ =	shalt  }
.Lfunc_end0:
.L_simem_size_0:
called_computation.1_lowered:
.L_overlay_start_0:
0x88: {  	s2 =	sld [smem:$0x3FD9]  }
0x89: {  	s3 =	sld [smem:$0x3FFE];
	_ =	sdelay $0x1  }
0x8a: {  	s1 =	srdreg.scid  }
0x8b: {  	s0 =	sand.u32 $0x1, s1  }
0x8c: {  	s17 =	sshll.u32 s0, $0xA;
	s2 =	sadd.s32 s3, s2  }
0x8d: {  	s2 =	sadd.s32 s2, s17  }
0x8e: {  	[smem:$0x3FB7] =	sst s2  }
0x8f: {  	_ = 	snop  }
0x90: {  	s18 =	sld [smem:$0x3FD0];
	(tm) =	ssettm $0x1  }
0x91: {  	s19 =	sld [smem:$0x3FFB];
	_ =	sdelay $0x3  }
0x92: {  	_ =	strace s19  }
0x93: {  	s2 =	sld [smem:$0x3FFC];
	_ =	sdelay $0x3  }
0x94: {  	_ =	strace s2  }
0x95: {  	s2 =	sld [smem:$0x3FFD];
	_ =	sdelay $0x3  }
0x96: {  	_ =	strace s2  }
0x97: {  	_ =	strace $0x8FFFFFFF  }
0x98: {  	s20 =	sld [smem:$0x3FDB];
	_ =	sdelay $0x1  }
0x99: {  	s4 =	simm.s32 $_scs_section_size  }
0x9a: {  	s5 =	simm.s32 $_size__tile_overlayer_lowered;
	s6 =	simm.s32 $_tile_overlayer_lowered  }
0x9b: {  	s7 =	simm.s32 $0x1BFF;
	s21 =	sshll.u32 s6, $0x1;
	s4 =	sadd.s32 s4, s20  }
0x9c: {  	s22 =	simm.s32 $0x0;
	s5 =	sshll.u32 s5, $0x1;
	s6 =	sadd.s32 s21, s4  }
0x9d: {  	[timem:s22], [sflag:s7] =	dma.local [hbm:s6], s5  }
0x9e: {  	_ =	swait.ge [sflag:s7], s5  }
0x9f: {  	s5 =	ssub.s32 $0x0, s5;
	[sflag:s7] =	ssyncset.done $0x0  }
0xa0: {  	[sflag:s7] =	ssyncadd.s32 s5;
	_ =	sdelay $0x1  }
0xa1: {  	s23 =	simm.s32 $0x1B8B  }
0xa2: {  	_ =	swait.ge [sflag:s23], $0x1  }
0xa3: {  	[sflag:s23] =	ssyncset.done $0x0  }
0xa4: {  	[sflag:s23] =	ssyncadd.s32 $0xFFFFFFFF  }
0xa5: {  	s5 =	sld [smem:$0x0]  }
0xa6: {  	s6 =	sand.u32 $0xFFFFFFFE, s1  }
0xa7: {  	p0 =	sne.s32 s1, s6  }
0xa8: {  	s6 =	sshll.u32 @p0 s6, $0xE  }
0xa9: {  	s6 =	sadd.s32 @p0 $0x11B8D, s6;
	s7 =	sshll.u32 @p0 s5, $0x11  }
0xaa: {  	s6 =	sor.u32 @p0 s7, s6  }
0xab: {  	[sflag:s6] =	ssyncadd.remote.s32 @p0 $0x1;
	_ =	sdelay $0x1  }
0xac: {  	s6 =	simm.s32 @p0 $0x1B8D  }
0xad: {  	_ =	swait.eq @p0 [sflag:s6], $0x1  }
0xae: {  	[sflag:s6] =	ssyncadd.s32 @p0 $0xFFFFFFFF  }
0xaf: {  	s7 =	sshll.u32 @!p0 s1, $0xE  }
0xb0: {  	s7 =	sor.u32 @!p0 $0x4000, s7;
	s6 =	simm.s32 @!p0 $0x1B8D  }
0xb1: {  	s5 =	sshll.u32 @!p0 s5, $0x11;
	s7 =	sadd.s32 @!p0 $0x11B8D, s7;
	_ =	swait.eq @!p0 [sflag:s6], $0x1  }
0xb2: {  	s5 =	sor.u32 @!p0 s5, s7;
	[sflag:s6] =	ssyncadd.s32 @!p0 $0xFFFFFFFF  }
0xb3: {  	s25 =	simm.s32 $0x1B8E;
	s24 =	sld [smem:$0x3FFE];
	[sflag:s5] =	ssyncadd.remote.s32 @!p0 $0x1  }
0xb4: {  	s26 =	simm.s32 $execute0_lowered;
	[smem:$0x3FD2] =	sst s25  }
0xb5: {  	s6 =	sshll.u32 s26, $0x1;
	_ =	strace $0x8000004C;
	[dreg:$0x1] =	wrdreg $0xFFFFFFFF  }
0xb6: {  	s28 =	simm.s32 $_size_execute0_lowered;
	s4 =	sadd.s32 s4, s6;
	[dreg:$0x0] =	wrdreg $0x0  }
0xb7: {  	s6 =	sshll.u32 s28, $0x1;
	[dreg:$0x2] =	wrdreg s4  }
0xb8: {  	[dreg:$0x3] =	wrdreg s6  }
0xb9: {  	[dreg:$0x4] =	wrdreg $0xC0  }
0xba: {  	_ =	task [dreg:s22], $0x5FFFF  }
0xbb: {  	[dreg:$0x1] =	wrdreg $0xFFFFFFFF  }
0xbc: {  	[dreg:$0x0] =	wrdreg $0x60  }
0xbd: {  	[dreg:$0x2] =	wrdreg s24  }
0xbe: {  	[dreg:$0x3] =	wrdreg s18  }
0xbf: {  	[dreg:$0x4] =	wrdreg $0xA  }
0xc0: {  	_ =	task.clear_ibuf [dreg:s22], $0x5FFFF;
	_ =	strace $0x9000004C  }
0xc1: {  	s29 =	simm.s32 $0xA;
	_ =	strace $0x8000004E  }
0xc2: {  	_ =	swait.ge [sflag:s29], $0x1  }
0xc3: {  	[sflag:s29] =	ssyncadd.s32 $0xFFFFFFFF  }
0xc4: {  	_ =	strace $0x9000004E  }
0xc5: {  	_ =	sfence  }
0xc6: {  	s30 =	sld [smem:$0x0];
	_ =	sdelay $0x2  }
0xc7: {  	s31 =	sshll.u32 s1, $0xD;
	s1 =	sshrl.u32 s1, $0x2  }
0xc8: {  	s4 =	sand.u32 $0x4000, s31;
	s1 =	sadd.s32 s1, s30  }
0xc9: {  	s0 =	sor.u32 s4, s0;
	s1 =	sshll.u32 s1, $0x11  }
0xca: {  	s0 =	sor.u32 s1, s0  }
0xcb: {  	s0 =	sadd.s32 $0x8F2B, s0  }
0xcc: {  	[sflag:s0] =	ssyncadd.remote.s32 $0x1  }
0xcd: {  	_ =	sfence.sel $0xFFFF  }
0xce: {  	[dreg:$0x0] =	wrdreg $0xFFFFFFFF;
	(pc) =	sbr.abs _section_cstart, $3  }
0xcf: {  	[dreg:$0x1] =	wrdreg $0xFFFFFFFF  }
0xd0: {  	_ =	task.clear_ibuf [dreg:s22], $0x2FFFF;
	_ =	strace $0x9FFFFFFF  }
0xd1: {  	(tm) =	ssettm $0x7FFFFFFF  }
tec
execute0_lowered:
.L_overlay_start_1:
0x0: {  	(tag) =	ssettag $0x1  }
0x1: {  	s1 =	srdreg.scid  }
0x2: {  	s0 =	stileid.u32;
	s1 =	sand.u32 $0x1, s1  }
0x3: {  	s4 =	rddreg [dreg:$0x0];
	s5 =	sshll.u32 s0, $0xC;
	s6 =	sshll.u32 s1, $0xB  }
0x4: {  	s3 =	rddreg [dreg:$0x1];
	s5 =	sor.u32 s6, s5  }
0x5: {  	s2 =	simm.s32 $0x0;
	s6 =	sshll.u32 s5, $0x4;
	s5 =	sshrl.u32 s5, $0x3  }
0x6: {  	[smem:$0x7FF] =	sst s2;
	s30 =	sadd.s32 s6, s4;
	s3 =	sadd.s32 s3, s5  }
0x7: {  	_ =	strace $0x8000004D;
	[dreg:$0x3] =	wrdreg s3;
	s17 =	sadd.s32 $0x38D600, s30  }
0x8: {  	s18 =	sadd.s32 $0x394600, s30;
	[dreg:$0x4] =	wrdreg s17  }
0x9: {  	s19 =	sadd.s32 $0x394E00, s30;
	[dreg:$0x5] =	wrdreg s18  }
0xa: {  	s20 =	sadd.s32 $0x38DE00, s30;
	[dreg:$0x6] =	wrdreg s19  }
0xb: {  	s21 =	sadd.s32 $0x38E600, s30;
	[dreg:$0x7] =	wrdreg s20  }
0xc: {  	s22 =	sadd.s32 $0x38EE00, s30;
	[dreg:$0x8] =	wrdreg s21  }
0xd: {  	s23 =	sadd.s32 $0x38F600, s30;
	[dreg:$0x9] =	wrdreg s22  }
0xe: {  	[dreg:$0xa] =	wrdreg s23  }
0xf: {  	s24 =	sadd.s32 $0x38FE00, s30;
	s25 =	rddreg [dreg:$0x3]  }
0x10: {  	s26 =	sadd.s32 $0x390600, s30;
	[dreg:$0xb] =	wrdreg s24  }
0x11: {  	s3 =	simm.s32 $0x3;
	[dreg:$0xc] =	wrdreg s26  }
0x12: {  	[tilespmem:s2], [sflag:$0x3] =	stream.linear.gather [hbm4b:s25+s2], $0x800, $0x38;
	[tilespmem:$0x8800] =	vst v63  }
0x13: {  	_ =	swait.ge [sflag:s3], $0x800  }
0x14: {  	s4 =	sadd.s32 $0xCA000, s4;
	[sflag:s3] =	ssyncset.done $0x0  }
0x15: {  	s5 =	simm.s32 $0x80;
	s6 =	simm.s32 $0x800;
	[sflag:s3] =	ssyncadd.s32 $0xFFFFF800  }
0x16: {  	[tilespmem:s6], [sflag:$0x1] =	stream.indirect.gather [hbm4b:s4+s5], $0x80, s2, s5, $0xb8;
	[tilespmem:$0x8800] =	vst v63  }
0x17: {  	s7 =	simm.s32 $0x4800;
	s8 =	simm.s32 $0x1  }
0x18: {  	[tilespmem:s7], [sflag:$0x2] =	stream.indirect.gather [hbm4b:s4+s5], $0x80, s5, s5, $0xb8;
	[tilespmem:$0x8800] =	vst v63  }
0x19: {  	_ =	swait.ge [sflag:s8], $0x4000  }
0x1a: {  	[sflag:s8] =	ssyncset.done $0x0  }
0x1b: {  	s9 =	rddreg [dreg:$0x4];
	[sflag:s8] =	ssyncadd.s32 $0xFFFFC000  }
0x1c: {  	[hbm4b:s9+s2] =	stream.linear.scatter [tilespmem:s6], [sflag:$0x3], $0x4000, $0x38;
	[tilespmem:$0x8800] =	vst v63  }
0x1d: {  	_ =	swait.ge [sflag:s3], $0x4000  }
0x1e: {  	[sflag:s3] =	ssyncset.done $0x0  }
0x1f: {  	s10 =	simm.s32 $0x2;
	s9 =	simm.s32 $0x100;
	[sflag:s3] =	ssyncadd.s32 $0xFFFFC000  }
0x20: {  	[tilespmem:s6], [sflag:$0x1] =	stream.indirect.gather [hbm4b:s4+s5], $0x80, s9, s5, $0xb8;
	[tilespmem:$0x8800] =	vst v63  }
0x21: {  	_ =	swait.ge [sflag:s10], $0x4000  }
0x22: {  	[sflag:s10] =	ssyncset.done $0x0  }
0x23: {  	s11 =	rddreg [dreg:$0x7];
	[sflag:s10] =	ssyncadd.s32 $0xFFFFC000  }
0x24: {  	[hbm4b:s11+s2] =	stream.linear.scatter [tilespmem:s7], [sflag:$0x3], $0x4000, $0x38;
	[tilespmem:$0x8800] =	vst v63  }
0x25: {  	_ =	swait.ge [sflag:s3], $0x4000  }
0x26: {  	[sflag:s3] =	ssyncset.done $0x0  }
0x27: {  	s11 =	simm.s32 $0x180;
	[sflag:s3] =	ssyncadd.s32 $0xFFFFC000  }
0x28: {  	[tilespmem:s7], [sflag:$0x2] =	stream.indirect.gather [hbm4b:s4+s5], $0x80, s11, s5, $0xb8;
	[tilespmem:$0x8800] =	vst v63  }
0x29: {  	_ =	swait.ge [sflag:s8], $0x4000  }
0x2a: {  	[sflag:s8] =	ssyncset.done $0x0  }
0x2b: {  	s12 =	rddreg [dreg:$0x8];
	[sflag:s8] =	ssyncadd.s32 $0xFFFFC000  }
0x2c: {  	[hbm4b:s12+s2] =	stream.linear.scatter [tilespmem:s6], [sflag:$0x3], $0x4000, $0x38;
	[tilespmem:$0x8800] =	vst v63  }
0x2d: {  	_ =	swait.ge [sflag:s3], $0x4000  }
0x2e: {  	[sflag:s3] =	ssyncset.done $0x0  }
0x2f: {  	s12 =	simm.s32 $0x200;
	[sflag:s3] =	ssyncadd.s32 $0xFFFFC000  }
0x30: {  	[tilespmem:s6], [sflag:$0x1] =	stream.indirect.gather [hbm4b:s4+s5], $0x80, s12, s5, $0xb8;
	[tilespmem:$0x8800] =	vst v63  }
0x31: {  	_ =	swait.ge [sflag:s10], $0x4000  }
0x32: {  	[sflag:s10] =	ssyncset.done $0x0  }
0x33: {  	s13 =	rddreg [dreg:$0x9];
	[sflag:s10] =	ssyncadd.s32 $0xFFFFC000  }
0x34: {  	[hbm4b:s13+s2] =	stream.linear.scatter [tilespmem:s7], [sflag:$0x3], $0x4000, $0x38;
	[tilespmem:$0x8800] =	vst v63  }
0x35: {  	_ =	swait.ge [sflag:s3], $0x4000  }
0x36: {  	[sflag:s3] =	ssyncset.done $0x0  }
0x37: {  	s13 =	simm.s32 $0x280;
	[sflag:s3] =	ssyncadd.s32 $0xFFFFC000  }
0x38: {  	[tilespmem:s7], [sflag:$0x2] =	stream.indirect.gather [hbm4b:s4+s5], $0x80, s13, s5, $0xb8;
	[tilespmem:$0x8800] =	vst v63  }
0x39: {  	_ =	swait.ge [sflag:s8], $0x4000  }
0x3a: {  	[sflag:s8] =	ssyncset.done $0x0  }
0x3b: {  	s14 =	rddreg [dreg:$0xa];
	[sflag:s8] =	ssyncadd.s32 $0xFFFFC000  }
0x3c: {  	[hbm4b:s14+s2] =	stream.linear.scatter [tilespmem:s6], [sflag:$0x3], $0x4000, $0x38;
	[tilespmem:$0x8800] =	vst v63  }
0x3d: {  	_ =	swait.ge [sflag:s3], $0x4000  }
0x3e: {  	[sflag:s3] =	ssyncset.done $0x0  }
0x3f: {  	s14 =	simm.s32 $0x300;
	[sflag:s3] =	ssyncadd.s32 $0xFFFFC000  }
0x40: {  	[tilespmem:s6], [sflag:$0x1] =	stream.indirect.gather [hbm4b:s4+s5], $0x80, s14, s5, $0xb8;
	[tilespmem:$0x8800] =	vst v63  }
0x41: {  	_ =	swait.ge [sflag:s10], $0x4000  }
0x42: {  	[sflag:s10] =	ssyncset.done $0x0  }
0x43: {  	s15 =	rddreg [dreg:$0xb];
	[sflag:s10] =	ssyncadd.s32 $0xFFFFC000  }
0x44: {  	[hbm4b:s15+s2] =	stream.linear.scatter [tilespmem:s7], [sflag:$0x3], $0x4000, $0x38;
	[tilespmem:$0x8800] =	vst v63  }
0x45: {  	_ =	swait.ge [sflag:s3], $0x4000  }
0x46: {  	[sflag:s3] =	ssyncset.done $0x0  }
0x47: {  	s15 =	simm.s32 $0x380;
	[sflag:s3] =	ssyncadd.s32 $0xFFFFC000  }
0x48: {  	[tilespmem:s7], [sflag:$0x2] =	stream.indirect.gather [hbm4b:s4+s5], $0x80, s15, s5, $0xb8;
	[tilespmem:$0x8800] =	vst v63  }
0x49: {  	_ =	swait.ge [sflag:s8], $0x4000  }
0x4a: {  	[sflag:s8] =	ssyncset.done $0x0  }
0x4b: {  	s16 =	rddreg [dreg:$0xc];
	[sflag:s8] =	ssyncadd.s32 $0xFFFFC000  }
0x4c: {  	[hbm4b:s16+s2] =	stream.linear.scatter [tilespmem:s6], [sflag:$0x3], $0x4000, $0x38;
	[tilespmem:$0x8800] =	vst v63  }
0x4d: {  	_ =	swait.ge [sflag:s3], $0x4000  }
0x4e: {  	[sflag:s3] =	ssyncset.done $0x0  }
0x4f: {  	s16 =	simm.s32 $0x400;
	[sflag:s3] =	ssyncadd.s32 $0xFFFFC000  }
0x50: {  	[tilespmem:s6], [sflag:$0x1] =	stream.indirect.gather [hbm4b:s4+s5], $0x80, s16, s5, $0xb8;
	[tilespmem:$0x8800] =	vst v63  }
0x51: {  	_ =	swait.ge [sflag:s10], $0x4000  }
0x52: {  	[sflag:s10] =	ssyncset.done $0x0  }
0x53: {  	s17 =	sadd.s32 $0x390E00, s30;
	[sflag:s10] =	ssyncadd.s32 $0xFFFFC000  }
0x54: {  	[hbm4b:s17+s2] =	stream.linear.scatter [tilespmem:s7], [sflag:$0x3], $0x4000, $0x38;
	[tilespmem:$0x8800] =	vst v63  }
0x55: {  	_ =	swait.ge [sflag:s3], $0x4000  }
0x56: {  	[sflag:s3] =	ssyncset.done $0x0  }
0x57: {  	s18 =	simm.s32 $0x480;
	[sflag:s3] =	ssyncadd.s32 $0xFFFFC000  }
0x58: {  	[tilespmem:s7], [sflag:$0x2] =	stream.indirect.gather [hbm4b:s4+s5], $0x80, s18, s5, $0xb8;
	[tilespmem:$0x8800] =	vst v63  }
0x59: {  	_ =	swait.ge [sflag:s8], $0x4000  }
0x5a: {  	[sflag:s8] =	ssyncset.done $0x0  }
0x5b: {  	s19 =	sadd.s32 $0x391600, s30;
	[sflag:s8] =	ssyncadd.s32 $0xFFFFC000  }
0x5c: {  	[hbm4b:s19+s2] =	stream.linear.scatter [tilespmem:s6], [sflag:$0x3], $0x4000, $0x38;
	[tilespmem:$0x8800] =	vst v63  }
0x5d: {  	_ =	swait.ge [sflag:s3], $0x4000  }
0x5e: {  	[sflag:s3] =	ssyncset.done $0x0  }
0x5f: {  	s20 =	simm.s32 $0x500;
	[sflag:s3] =	ssyncadd.s32 $0xFFFFC000  }
0x60: {  	[tilespmem:s6], [sflag:$0x1] =	stream.indirect.gather [hbm4b:s4+s5], $0x80, s20, s5, $0xb8;
	[tilespmem:$0x8800] =	vst v63  }
0x61: {  	_ =	swait.ge [sflag:s10], $0x4000  }
0x62: {  	[sflag:s10] =	ssyncset.done $0x0  }
0x63: {  	s21 =	sadd.s32 $0x391E00, s30;
	[sflag:s10] =	ssyncadd.s32 $0xFFFFC000  }
0x64: {  	[hbm4b:s21+s2] =	stream.linear.scatter [tilespmem:s7], [sflag:$0x3], $0x4000, $0x38;
	[tilespmem:$0x8800] =	vst v63  }
0x65: {  	_ =	swait.ge [sflag:s3], $0x4000  }
0x66: {  	[sflag:s3] =	ssyncset.done $0x0  }
0x67: {  	s22 =	simm.s32 $0x580;
	[sflag:s3] =	ssyncadd.s32 $0xFFFFC000  }
0x68: {  	[tilespmem:s7], [sflag:$0x2] =	stream.indirect.gather [hbm4b:s4+s5], $0x80, s22, s5, $0xb8;
	[tilespmem:$0x8800] =	vst v63  }
0x69: {  	_ =	swait.ge [sflag:s8], $0x4000  }
0x6a: {  	[sflag:s8] =	ssyncset.done $0x0  }
0x6b: {  	s23 =	sadd.s32 $0x392600, s30;
	[sflag:s8] =	ssyncadd.s32 $0xFFFFC000  }
0x6c: {  	[hbm4b:s23+s2] =	stream.linear.scatter [tilespmem:s6], [sflag:$0x3], $0x4000, $0x38;
	[tilespmem:$0x8800] =	vst v63  }
0x6d: {  	_ =	swait.ge [sflag:s3], $0x4000  }
0x6e: {  	[sflag:s3] =	ssyncset.done $0x0  }
0x6f: {  	s24 =	simm.s32 $0x600;
	[sflag:s3] =	ssyncadd.s32 $0xFFFFC000  }
0x70: {  	[tilespmem:s6], [sflag:$0x1] =	stream.indirect.gather [hbm4b:s4+s5], $0x80, s24, s5, $0xb8;
	[tilespmem:$0x8800] =	vst v63  }
0x71: {  	_ =	swait.ge [sflag:s10], $0x4000  }
0x72: {  	[sflag:s10] =	ssyncset.done $0x0  }
0x73: {  	s25 =	sadd.s32 $0x392E00, s30;
	[sflag:s10] =	ssyncadd.s32 $0xFFFFC000  }
0x74: {  	[hbm4b:s25+s2] =	stream.linear.scatter [tilespmem:s7], [sflag:$0x3], $0x4000, $0x38;
	[tilespmem:$0x8800] =	vst v63  }
0x75: {  	_ =	swait.ge [sflag:s3], $0x4000  }
0x76: {  	[sflag:s3] =	ssyncset.done $0x0  }
0x77: {  	s26 =	simm.s32 $0x680;
	[sflag:s3] =	ssyncadd.s32 $0xFFFFC000  }
0x78: {  	[tilespmem:s7], [sflag:$0x2] =	stream.indirect.gather [hbm4b:s4+s5], $0x80, s26, s5, $0xb8;
	[tilespmem:$0x8800] =	vst v63  }
0x79: {  	_ =	swait.ge [sflag:s8], $0x4000  }
0x7a: {  	[sflag:s8] =	ssyncset.done $0x0  }
0x7b: {  	s28 =	sadd.s32 $0x393600, s30;
	[sflag:s8] =	ssyncadd.s32 $0xFFFFC000  }
0x7c: {  	[hbm4b:s28+s2] =	stream.linear.scatter [tilespmem:s6], [sflag:$0x3], $0x4000, $0x38;
	[tilespmem:$0x8800] =	vst v63  }
0x7d: {  	_ =	swait.ge [sflag:s3], $0x4000  }
0x7e: {  	[sflag:s3] =	ssyncset.done $0x0  }
0x7f: {  	s29 =	simm.s32 $0x700;
	[sflag:s3] =	ssyncadd.s32 $0xFFFFC000  }
0x80: {  	[tilespmem:s6], [sflag:$0x1] =	stream.indirect.gather [hbm4b:s4+s5], $0x80, s29, s5, $0xb8;
	[tilespmem:$0x8800] =	vst v63  }
0x81: {  	_ =	swait.ge [sflag:s10], $0x4000  }
0x82: {  	[sflag:s10] =	ssyncset.done $0x0  }
0x83: {  	s30 =	sadd.s32 $0x393E00, s30;
	[sflag:s10] =	ssyncadd.s32 $0xFFFFC000  }
0x84: {  	[hbm4b:s30+s2] =	stream.linear.scatter [tilespmem:s7], [sflag:$0x3], $0x4000, $0x38;
	[tilespmem:$0x8800] =	vst v63  }
0x85: {  	_ =	swait.ge [sflag:s3], $0x4000  }
0x86: {  	[sflag:s3] =	ssyncset.done $0x0  }
0x87: {  	s31 =	simm.s32 $0x780;
	[sflag:s3] =	ssyncadd.s32 $0xFFFFC000  }
0x88: {  	[tilespmem:s7], [sflag:$0x2] =	stream.indirect.gather [hbm4b:s4+s5], $0x80, s31, s5, $0xb8;
	[tilespmem:$0x8800] =	vst v63  }
0x89: {  	_ =	swait.ge [sflag:s8], $0x4000  }
0x8a: {  	[sflag:s8] =	ssyncset.done $0x0  }
0x8b: {  	s0 =	rddreg [dreg:$0x5];
	[sflag:s8] =	ssyncadd.s32 $0xFFFFC000  }
0x8c: {  	[hbm4b:s0+s2] =	stream.linear.scatter [tilespmem:s6], [sflag:$0x3], $0x4000, $0x38;
	[tilespmem:$0x8800] =	vst v63  }
0x8d: {  	_ =	swait.ge [sflag:s3], $0x4000  }
0x8e: {  	[sflag:s3] =	ssyncset.done $0x0  }
0x8f: {  	[sflag:s3] =	ssyncadd.s32 $0xFFFFC000  }
0x90: {  	_ =	swait.ge [sflag:s10], $0x4000  }
0x91: {  	s0 =	ssub.s32 $0x2, s1;
	s1 =	rddreg [dreg:$0x6]  }
0x92: {  	[dreg:$0xd] =	wrdreg s1;
	s1 =	sshrl.u32 s0, $0x1  }
0x93: {  	s0 =	ssub.s32 s0, s1  }
0x94: {  	s0 =	smax.u32 s0, $0x1  }
0x95: {  	p0 =	sne.s32 s0, $0x1  }
.Ltmp0:
0x96: {  	_ = 	snop;
	(pc) =	sbr.rel @!p0 .LBB2_2-.Ltmp0, $4  }
0x97: {  	[sflag:s10] =	ssyncset.done $0x0  }
0x98: {  	[sflag:s10] =	ssyncadd.s32 $0xFFFFC000;
	s1 =	rddreg [dreg:$0xd]  }
0x99: {  	[hbm4b:s1+s2] =	stream.linear.scatter [tilespmem:s7], [sflag:$0x3], $0x4000, $0x38;
	[tilespmem:$0x8800] =	vst v63  }
0x9a: {  	s1 =	sadd.s32 $0xFFFFFFFF, s0;
	_ =	swait.ge [sflag:s3], $0x4000  }
.LBB2_1:
0x9b: {  	[sflag:s3] =	ssyncset.done $0x0  }
0x9c: {  	s0 =	rddreg [dreg:$0x3];
	[sflag:s3] =	ssyncadd.s32 $0xFFFFC000  }
0x9d: {  	[tilespmem:s2], [sflag:$0x3] =	stream.linear.gather [hbm4b:s0+s2], $0x800, $0x38;
	[tilespmem:$0x8800] =	vst v63  }
0x9e: {  	_ =	swait.ge [sflag:s3], $0x800  }
0x9f: {  	[sflag:s3] =	ssyncset.done $0x0  }
0xa0: {  	[sflag:s3] =	ssyncadd.s32 $0xFFFFF800  }
0xa1: {  	[tilespmem:s6], [sflag:$0x1] =	stream.indirect.gather [hbm4b:s4+s5], $0x80, s2, s5, $0xb8;
	[tilespmem:$0x8800] =	vst v63  }
0xa2: {  	_ = 	snop  }
0xa3: {  	[tilespmem:s7], [sflag:$0x2] =	stream.indirect.gather [hbm4b:s4+s5], $0x80, s5, s5, $0xb8;
	[tilespmem:$0x8800] =	vst v63  }
0xa4: {  	_ =	swait.ge [sflag:s8], $0x4000  }
0xa5: {  	[sflag:s8] =	ssyncset.done $0x0  }
0xa6: {  	s0 =	rddreg [dreg:$0x4];
	[sflag:s8] =	ssyncadd.s32 $0xFFFFC000  }
0xa7: {  	[hbm4b:s0+s2] =	stream.linear.scatter [tilespmem:s6], [sflag:$0x3], $0x4000, $0x38;
	[tilespmem:$0x8800] =	vst v63  }
0xa8: {  	_ =	swait.ge [sflag:s3], $0x4000  }
0xa9: {  	[sflag:s3] =	ssyncset.done $0x0  }
0xaa: {  	[sflag:s3] =	ssyncadd.s32 $0xFFFFC000  }
0xab: {  	[tilespmem:s6], [sflag:$0x1] =	stream.indirect.gather [hbm4b:s4+s5], $0x80, s9, s5, $0xb8;
	[tilespmem:$0x8800] =	vst v63  }
0xac: {  	_ =	swait.ge [sflag:s10], $0x4000  }
0xad: {  	[sflag:s10] =	ssyncset.done $0x0  }
0xae: {  	s0 =	rddreg [dreg:$0x7];
	[sflag:s10] =	ssyncadd.s32 $0xFFFFC000  }
0xaf: {  	[hbm4b:s0+s2] =	stream.linear.scatter [tilespmem:s7], [sflag:$0x3], $0x4000, $0x38;
	[tilespmem:$0x8800] =	vst v63  }
0xb0: {  	_ =	swait.ge [sflag:s3], $0x4000  }
0xb1: {  	[sflag:s3] =	ssyncset.done $0x0  }
0xb2: {  	[sflag:s3] =	ssyncadd.s32 $0xFFFFC000  }
0xb3: {  	[tilespmem:s7], [sflag:$0x2] =	stream.indirect.gather [hbm4b:s4+s5], $0x80, s11, s5, $0xb8;
	[tilespmem:$0x8800] =	vst v63  }
0xb4: {  	_ =	swait.ge [sflag:s8], $0x4000  }
0xb5: {  	[sflag:s8] =	ssyncset.done $0x0  }
0xb6: {  	s0 =	rddreg [dreg:$0x8];
	[sflag:s8] =	ssyncadd.s32 $0xFFFFC000  }
0xb7: {  	[hbm4b:s0+s2] =	stream.linear.scatter [tilespmem:s6], [sflag:$0x3], $0x4000, $0x38;
	[tilespmem:$0x8800] =	vst v63  }
0xb8: {  	_ =	swait.ge [sflag:s3], $0x4000  }
0xb9: {  	[sflag:s3] =	ssyncset.done $0x0  }
0xba: {  	[sflag:s3] =	ssyncadd.s32 $0xFFFFC000  }
0xbb: {  	[tilespmem:s6], [sflag:$0x1] =	stream.indirect.gather [hbm4b:s4+s5], $0x80, s12, s5, $0xb8;
	[tilespmem:$0x8800] =	vst v63  }
0xbc: {  	_ =	swait.ge [sflag:s10], $0x4000  }
0xbd: {  	[sflag:s10] =	ssyncset.done $0x0  }
0xbe: {  	s0 =	rddreg [dreg:$0x9];
	[sflag:s10] =	ssyncadd.s32 $0xFFFFC000  }
0xbf: {  	[hbm4b:s0+s2] =	stream.linear.scatter [tilespmem:s7], [sflag:$0x3], $0x4000, $0x38;
	[tilespmem:$0x8800] =	vst v63  }
0xc0: {  	_ =	swait.ge [sflag:s3], $0x4000  }
0xc1: {  	[sflag:s3] =	ssyncset.done $0x0  }
0xc2: {  	[sflag:s3] =	ssyncadd.s32 $0xFFFFC000  }
0xc3: {  	[tilespmem:s7], [sflag:$0x2] =	stream.indirect.gather [hbm4b:s4+s5], $0x80, s13, s5, $0xb8;
	[tilespmem:$0x8800] =	vst v63  }
0xc4: {  	_ =	swait.ge [sflag:s8], $0x4000  }
0xc5: {  	[sflag:s8] =	ssyncset.done $0x0  }
0xc6: {  	s0 =	rddreg [dreg:$0xa];
	[sflag:s8] =	ssyncadd.s32 $0xFFFFC000  }
0xc7: {  	[hbm4b:s0+s2] =	stream.linear.scatter [tilespmem:s6], [sflag:$0x3], $0x4000, $0x38;
	[tilespmem:$0x8800] =	vst v63  }
0xc8: {  	_ =	swait.ge [sflag:s3], $0x4000  }
0xc9: {  	[sflag:s3] =	ssyncset.done $0x0  }
0xca: {  	[sflag:s3] =	ssyncadd.s32 $0xFFFFC000  }
0xcb: {  	[tilespmem:s6], [sflag:$0x1] =	stream.indirect.gather [hbm4b:s4+s5], $0x80, s14, s5, $0xb8;
	[tilespmem:$0x8800] =	vst v63  }
0xcc: {  	_ =	swait.ge [sflag:s10], $0x4000  }
0xcd: {  	[sflag:s10] =	ssyncset.done $0x0  }
0xce: {  	s0 =	rddreg [dreg:$0xb];
	[sflag:s10] =	ssyncadd.s32 $0xFFFFC000  }
0xcf: {  	[hbm4b:s0+s2] =	stream.linear.scatter [tilespmem:s7], [sflag:$0x3], $0x4000, $0x38;
	[tilespmem:$0x8800] =	vst v63  }
0xd0: {  	_ =	swait.ge [sflag:s3], $0x4000  }
0xd1: {  	[sflag:s3] =	ssyncset.done $0x0  }
0xd2: {  	[sflag:s3] =	ssyncadd.s32 $0xFFFFC000  }
0xd3: {  	[tilespmem:s7], [sflag:$0x2] =	stream.indirect.gather [hbm4b:s4+s5], $0x80, s15, s5, $0xb8;
	[tilespmem:$0x8800] =	vst v63  }
0xd4: {  	_ =	swait.ge [sflag:s8], $0x4000  }
0xd5: {  	[sflag:s8] =	ssyncset.done $0x0  }
0xd6: {  	s0 =	rddreg [dreg:$0xc];
	[sflag:s8] =	ssyncadd.s32 $0xFFFFC000  }
0xd7: {  	[hbm4b:s0+s2] =	stream.linear.scatter [tilespmem:s6], [sflag:$0x3], $0x4000, $0x38;
	[tilespmem:$0x8800] =	vst v63  }
0xd8: {  	_ =	swait.ge [sflag:s3], $0x4000  }
0xd9: {  	[sflag:s3] =	ssyncset.done $0x0  }
0xda: {  	[sflag:s3] =	ssyncadd.s32 $0xFFFFC000  }
0xdb: {  	[tilespmem:s6], [sflag:$0x1] =	stream.indirect.gather [hbm4b:s4+s5], $0x80, s16, s5, $0xb8;
	[tilespmem:$0x8800] =	vst v63  }
0xdc: {  	_ =	swait.ge [sflag:s10], $0x4000  }
0xdd: {  	[sflag:s10] =	ssyncset.done $0x0  }
0xde: {  	[sflag:s10] =	ssyncadd.s32 $0xFFFFC000  }
0xdf: {  	[hbm4b:s17+s2] =	stream.linear.scatter [tilespmem:s7], [sflag:$0x3], $0x4000, $0x38;
	[tilespmem:$0x8800] =	vst v63  }
0xe0: {  	_ =	swait.ge [sflag:s3], $0x4000  }
0xe1: {  	[sflag:s3] =	ssyncset.done $0x0  }
0xe2: {  	[sflag:s3] =	ssyncadd.s32 $0xFFFFC000  }
0xe3: {  	[tilespmem:s7], [sflag:$0x2] =	stream.indirect.gather [hbm4b:s4+s5], $0x80, s18, s5, $0xb8;
	[tilespmem:$0x8800] =	vst v63  }
0xe4: {  	_ =	swait.ge [sflag:s8], $0x4000  }
0xe5: {  	[sflag:s8] =	ssyncset.done $0x0  }
0xe6: {  	[sflag:s8] =	ssyncadd.s32 $0xFFFFC000  }
0xe7: {  	[hbm4b:s19+s2] =	stream.linear.scatter [tilespmem:s6], [sflag:$0x3], $0x4000, $0x38;
	[tilespmem:$0x8800] =	vst v63  }
0xe8: {  	_ =	swait.ge [sflag:s3], $0x4000  }
0xe9: {  	[sflag:s3] =	ssyncset.done $0x0  }
0xea: {  	[sflag:s3] =	ssyncadd.s32 $0xFFFFC000  }
0xeb: {  	[tilespmem:s6], [sflag:$0x1] =	stream.indirect.gather [hbm4b:s4+s5], $0x80, s20, s5, $0xb8;
	[tilespmem:$0x8800] =	vst v63  }
0xec: {  	_ =	swait.ge [sflag:s10], $0x4000  }
0xed: {  	[sflag:s10] =	ssyncset.done $0x0  }
0xee: {  	[sflag:s10] =	ssyncadd.s32 $0xFFFFC000  }
0xef: {  	[hbm4b:s21+s2] =	stream.linear.scatter [tilespmem:s7], [sflag:$0x3], $0x4000, $0x38;
	[tilespmem:$0x8800] =	vst v63  }
0xf0: {  	_ =	swait.ge [sflag:s3], $0x4000  }
0xf1: {  	[sflag:s3] =	ssyncset.done $0x0  }
0xf2: {  	[sflag:s3] =	ssyncadd.s32 $0xFFFFC000  }
0xf3: {  	[tilespmem:s7], [sflag:$0x2] =	stream.indirect.gather [hbm4b:s4+s5], $0x80, s22, s5, $0xb8;
	[tilespmem:$0x8800] =	vst v63  }
0xf4: {  	_ =	swait.ge [sflag:s8], $0x4000  }
0xf5: {  	[sflag:s8] =	ssyncset.done $0x0  }
0xf6: {  	[sflag:s8] =	ssyncadd.s32 $0xFFFFC000  }
0xf7: {  	[hbm4b:s23+s2] =	stream.linear.scatter [tilespmem:s6], [sflag:$0x3], $0x4000, $0x38;
	[tilespmem:$0x8800] =	vst v63  }
0xf8: {  	_ =	swait.ge [sflag:s3], $0x4000  }
0xf9: {  	[sflag:s3] =	ssyncset.done $0x0  }
0xfa: {  	[sflag:s3] =	ssyncadd.s32 $0xFFFFC000  }
0xfb: {  	[tilespmem:s6], [sflag:$0x1] =	stream.indirect.gather [hbm4b:s4+s5], $0x80, s24, s5, $0xb8;
	[tilespmem:$0x8800] =	vst v63  }
0xfc: {  	_ =	swait.ge [sflag:s10], $0x4000  }
0xfd: {  	[sflag:s10] =	ssyncset.done $0x0  }
0xfe: {  	[sflag:s10] =	ssyncadd.s32 $0xFFFFC000  }
0xff: {  	[hbm4b:s25+s2] =	stream.linear.scatter [tilespmem:s7], [sflag:$0x3], $0x4000, $0x38;
	[tilespmem:$0x8800] =	vst v63  }
0x100: {  	_ =	swait.ge [sflag:s3], $0x4000  }
0x101: {  	[sflag:s3] =	ssyncset.done $0x0  }
0x102: {  	[sflag:s3] =	ssyncadd.s32 $0xFFFFC000  }
0x103: {  	[tilespmem:s7], [sflag:$0x2] =	stream.indirect.gather [hbm4b:s4+s5], $0x80, s26, s5, $0xb8;
	[tilespmem:$0x8800] =	vst v63  }
0x104: {  	_ =	swait.ge [sflag:s8], $0x4000  }
0x105: {  	[sflag:s8] =	ssyncset.done $0x0  }
0x106: {  	[sflag:s8] =	ssyncadd.s32 $0xFFFFC000  }
0x107: {  	[hbm4b:s28+s2] =	stream.linear.scatter [tilespmem:s6], [sflag:$0x3], $0x4000, $0x38;
	[tilespmem:$0x8800] =	vst v63  }
0x108: {  	_ =	swait.ge [sflag:s3], $0x4000  }
0x109: {  	[sflag:s3] =	ssyncset.done $0x0  }
0x10a: {  	[sflag:s3] =	ssyncadd.s32 $0xFFFFC000  }
0x10b: {  	[tilespmem:s6], [sflag:$0x1] =	stream.indirect.gather [hbm4b:s4+s5], $0x80, s29, s5, $0xb8;
	[tilespmem:$0x8800] =	vst v63  }
0x10c: {  	_ =	swait.ge [sflag:s10], $0x4000  }
0x10d: {  	[sflag:s10] =	ssyncset.done $0x0  }
0x10e: {  	[sflag:s10] =	ssyncadd.s32 $0xFFFFC000  }
0x10f: {  	[hbm4b:s30+s2] =	stream.linear.scatter [tilespmem:s7], [sflag:$0x3], $0x4000, $0x38;
	[tilespmem:$0x8800] =	vst v63  }
0x110: {  	_ =	swait.ge [sflag:s3], $0x4000  }
0x111: {  	[sflag:s3] =	ssyncset.done $0x0  }
0x112: {  	[sflag:s3] =	ssyncadd.s32 $0xFFFFC000  }
0x113: {  	[tilespmem:s7], [sflag:$0x2] =	stream.indirect.gather [hbm4b:s4+s5], $0x80, s31, s5, $0xb8;
	[tilespmem:$0x8800] =	vst v63  }
0x114: {  	_ =	swait.ge [sflag:s8], $0x4000  }
0x115: {  	[sflag:s8] =	ssyncset.done $0x0  }
0x116: {  	s0 =	rddreg [dreg:$0x5];
	[sflag:s8] =	ssyncadd.s32 $0xFFFFC000  }
0x117: {  	[hbm4b:s0+s2] =	stream.linear.scatter [tilespmem:s6], [sflag:$0x3], $0x4000, $0x38;
	[tilespmem:$0x8800] =	vst v63  }
0x118: {  	_ =	swait.ge [sflag:s3], $0x4000  }
0x119: {  	[sflag:s3] =	ssyncset.done $0x0  }
0x11a: {  	p0 =	sne.s32 s1, $0x1;
	[sflag:s3] =	ssyncadd.s32 $0xFFFFC000  }
.Ltmp1:
0x11b: {  	_ =	swait.ge [sflag:s10], $0x4000;
	(pc) =	sbr.rel @p0 .LBB2_1-.Ltmp1, $4  }
0x11c: {  	[sflag:s10] =	ssyncset.done $0x0  }
0x11d: {  	s0 =	rddreg [dreg:$0x6];
	[sflag:s10] =	ssyncadd.s32 $0xFFFFC000  }
0x11e: {  	[hbm4b:s0+s2] =	stream.linear.scatter [tilespmem:s7], [sflag:$0x3], $0x4000, $0x38;
	[tilespmem:$0x8800] =	vst v63  }
0x11f: {  	s1 =	sadd.s32 $0xFFFFFFFF, s1;
	_ =	swait.ge [sflag:s3], $0x4000  }
.LBB2_2:
0x120: {  	[sflag:s3] =	ssyncset.done $0x0  }
0x121: {  	[sflag:s3] =	ssyncadd.s32 $0xFFFFC000  }
0x122: {  	_ =	sfence.sel $0x180000  }
0x123: {  	[bflag:$0x0] =	sbarrier.arrive $0xFFFF  }
0x124: {  	_ =	strace $0x9000004D  }
0x125: {  	s0 =	stileid.u32;
	[bflag:$0x2] =	sbarrier.arrive $0xFFFF  }
0x126: {  	p0 =	sne.s32 s0, $0x0;
	s0 =	rddreg [dreg:$0x2]  }
0x127: {  	s0 =	sadd.s32 @!p0 $0x100000, s0  }
0x128: {  	[sflag:s0] =	ssyncadd.tile.s32 @!p0 $0x1;
	_ =	shalt  }
.Lfunc_end2:
_tile_overlayer_lowered:
.L_overlay_start_2:
0x129: {  	(tag) =	ssettag $0x2  }
0x12a: {  	s0 =	rddreg [dreg:$0x0];
	s2 =	stileid.u32  }
0x12b: {  	s1 =	rddreg [dreg:$0x1];
	p0 =	sne.s32 s2, $0x0  }
0x12c: {  	s3 =	rddreg [dreg:$0x2];
	[bflag:$0x3] =	sbarrier.arrive $0xFFFF;
	s2 =	simm.s32 @!p0 $0x1C03  }
0x12d: {  	[timem:s3], [sflag:s2] =	dma.local @!p0 [hbm:s0], s1  }
0x12e: {  	s0 =	simm.s32 @!p0 $0x3  }
0x12f: {  	_ =	swait.ge @!p0 [sflag:s0], s1  }
0x130: {  	s1 =	ssub.s32 @!p0 $0x0, s1;
	[sflag:s0] =	ssyncset.done @!p0 $0x0  }
0x131: {  	[sflag:s0] =	ssyncadd.s32 @!p0 s1  }
0x132: {  	[bflag:$0x3] =	sbarrier.arrive $0xFFFF  }
0x133: {  	_ =	shalt  }

// kernel: kernel.17.cloned.1.call-start
scs
__scs_entry_jumppad:
0x0: {  	(pc) =	sbr.rel $0x88, $3  }
0x1: {  	(tag) =	ssettag $0x0;
	lr =	simm.s32 $0x1  }
0x2: {  	[smem:$0x3F90] =	sst lr;
	_ =	strace $0xD0000000  }
0x3: {  	_ = 	snop  }
0x4: {  	_ = 	snop  }
0x5: {  	_ = 	snop  }
0x6: {  	_ = 	snop  }
0x7: {  	_ = 	snop  }
__scs_overlays_trampoline_lowered:
0x8: {  	[smem:$0x3F9F] =	sst s0  }
0x9: {  	[smem:$0x3FA0] =	sst s1  }
0xa: {  	[smem:$0x3FA1] =	sst s2  }
0xb: {  	[smem:$0x3FA2] =	sst s3  }
0xc: {  	[smem:$0x3FA3] =	sst s4  }
0xd: {  	[smem:$0x3FA4] =	sst s5  }
0xe: {  	[smem:$0x3FA5] =	sst s6  }
0xf: {  	[smem:$0x3FA6] =	sst s7  }
0x10: {  	[smem:$0x3FA7] =	sst s8  }
0x11: {  	[smem:$0x3FA8] =	sst s9;
	s0 =	simm.s32 @!p0 $0x0  }
0x12: {  	s1 =	sld [smem:$0x3F8E];
	s0 =	simm.s32 @p0 $0x1  }
0x13: {  	[smem:$0x3FA9] =	sst s0;
	s0 =	simm.s32 @!p1 $0x0  }
0x14: {  	s2 =	sld [smem:$0x3F8D];
	s0 =	simm.s32 @p1 $0x1  }
0x15: {  	[smem:$0x3FAA] =	sst s0;
	s0 =	simm.s32 @!p2 $0x0  }
0x16: {  	s3 =	sld [smem:$0x3FDB];
	s0 =	simm.s32 @p2 $0x1  }
0x17: {  	s4 =	simm.s32 $0x1BF5;
	[smem:$0x3FAC] =	sst s0  }
0x18: {  	s0 =	sld [smem:$0x3F8F];
	_ =	swait.ge [sflag:s4], $0x0  }
0x19: {  	s7 =	sld [smem:$0x3F90]  }
0x1a: {  	s8 =	sadd.s32 $0xFFFFE003, lr  }
0x1b: {  	s9 =	sadd.s32 $0xFFFFFEF7, lr;
	s5 =	simm.s32 $0xFFFFFFFF;
	p2 =	slt.u32 s8, $0xFFFFF086  }
0x1c: {  	p1 =	slt.u32 s9, $0xF7A;
	s5 =	simm.s32 @!p2 $0x0  }
0x1d: {  	s5 =	simm.s32 @p1 $0x1;
	p0 =	seq.s32 s7, s2  }
0x1e: {  	s7 =	smul.u32 @!p0 $0xF7A, s2;
	p2 =	seq.s32 @!p0 s5, $0x0  }
0x1f: {  	s9 =	smul.u32 $0xF7A, s1;
	s8 =	simm.s32 @!p0 $0x1BF5;
	p2 =	por !p2, p0  }
0x20: {  	[sflag:s8] =	ssyncset.s32 @!p0 $0xFFFFF086;
	s6 =	sadd.s32 @!p0 s3, s7;
	s7 =	simm.s32 @!p0 $0x108  }
0x21: {  	s3 =	sadd.s32 s3, s9;
	s6 =	sadd.s32 @!p0 $0x88, s6;
	s7 =	simm.s32 @p2 $0x1082  }
0x22: {  	[simem:s7], [sflag:s8] =	dma.local @!p0 [hbm:s6], $0xF7A  }
0x23: {  	s9 =	sor.u32 $0xD0000000, s2;
	s6 =	simm.s32 $0x108;
	_ =	swait.ge @!p0 [sflag:s8], $0x0  }
0x24: {  	s3 =	sadd.s32 $0x88, s3;
	s6 =	simm.s32 @!p1 $0x1082;
	[sflag:s4] =	ssyncset.s32 $0xFFFFF086  }
0x25: {  	[simem:s6], [sflag:s4] =	dma.local [hbm:s3], $0xF7A  }
0x26: {  	[smem:$0x3F90] =	sst s1;
	(tag) =	ssettag s2;
	_ =	strace s9  }
0x27: {  	s1 =	sld [smem:$0x3FA0]  }
0x28: {  	s2 =	sld [smem:$0x3FA1]  }
0x29: {  	s4 =	sld [smem:$0x3FA3]  }
0x2a: {  	p0 =	seq.s32 s5, $0x0;
	s5 =	sld [smem:$0x3FA4]  }
0x2b: {  	s6 =	sld [smem:$0x3FA5]  }
0x2c: {  	s7 =	sld [smem:$0x3FA6]  }
0x2d: {  	s3 =	simm.s32 $0x108;
	s8 =	sld [smem:$0x3FA7]  }
0x2e: {  	s3 =	simm.s32 @!p0 $0x1082;
	s9 =	sld [smem:$0x3FA8]  }
0x2f: {  	lr =	sadd.s32 s0, s3;
	s0 =	sld [smem:$0x3F9F]  }
0x30: {  	s3 =	sld [smem:$0x3FA2]  }
0x31: {  	[smem:$0x3FAB] =	sst s10  }
0x32: {  	s10 =	sld [smem:$0x3FA9];
	_ =	sdelay $0x3  }
0x33: {  	p0 =	seq.s32 s10, $0x1;
	s10 =	sld [smem:$0x3FAB];
	_ =	sdelay $0x3  }
0x34: {  	[smem:$0x3FAB] =	sst s10  }
0x35: {  	s10 =	sld [smem:$0x3FAA];
	_ =	sdelay $0x3  }
0x36: {  	p1 =	seq.s32 s10, $0x1;
	s10 =	sld [smem:$0x3FAB];
	_ =	sdelay $0x3  }
0x37: {  	[smem:$0x3FAB] =	sst s10  }
0x38: {  	s10 =	sld [smem:$0x3FAC]  }
0x39: {  	_ = 	snop;
	(pc) =	sbr.ind lr, $3  }
0x3a: {  	_ = 	snop  }
0x3b: {  	_ = 	snop  }
0x3c: {  	p2 =	seq.s32 s10, $0x1;
	s10 =	sld [smem:$0x3FAB]  }
0x3d: {  	_ =	shalt  }
0x3e: {  	_ =	shalt  }
0x3f: {  	_ =	shalt  }
0x40: {  	_ =	shalt  }
0x41: {  	_ =	shalt  }
0x42: {  	_ =	shalt  }
0x43: {  	_ =	shalt  }
0x44: {  	_ =	shalt  }
0x45: {  	_ =	shalt  }
0x46: {  	_ =	shalt  }
0x47: {  	_ =	shalt  }
0x48: {  	_ =	shalt  }
0x49: {  	_ =	shalt  }
0x4a: {  	_ =	shalt  }
0x4b: {  	_ =	shalt  }
0x4c: {  	_ =	shalt  }
0x4d: {  	_ =	shalt  }
0x4e: {  	_ =	shalt  }
0x4f: {  	_ =	shalt  }
0x50: {  	_ =	shalt  }
0x51: {  	_ =	shalt  }
0x52: {  	_ =	shalt  }
0x53: {  	_ =	shalt  }
0x54: {  	_ =	shalt  }
0x55: {  	_ =	shalt  }
0x56: {  	_ =	shalt  }
0x57: {  	_ =	shalt  }
0x58: {  	_ =	shalt  }
0x59: {  	_ =	shalt  }
0x5a: {  	_ =	shalt  }
0x5b: {  	_ =	shalt  }
0x5c: {  	_ =	shalt  }
0x5d: {  	_ =	shalt  }
0x5e: {  	_ =	shalt  }
0x5f: {  	_ =	shalt  }
0x60: {  	_ =	shalt  }
0x61: {  	_ =	shalt  }
0x62: {  	_ =	shalt  }
0x63: {  	_ =	shalt  }
0x64: {  	_ =	shalt  }
0x65: {  	_ =	shalt  }
0x66: {  	_ =	shalt  }
0x67: {  	_ =	shalt  }
0x68: {  	_ =	shalt  }
0x69: {  	_ =	shalt  }
0x6a: {  	_ =	shalt  }
0x6b: {  	_ =	shalt  }
0x6c: {  	_ =	shalt  }
0x6d: {  	_ =	shalt  }
0x6e: {  	_ =	shalt  }
0x6f: {  	_ =	shalt  }
0x70: {  	_ =	shalt  }
0x71: {  	_ =	shalt  }
0x72: {  	_ =	shalt  }
0x73: {  	_ =	shalt  }
0x74: {  	_ =	shalt  }
0x75: {  	_ =	shalt  }
0x76: {  	_ =	shalt  }
0x77: {  	_ =	shalt  }
0x78: {  	_ =	shalt  }
0x79: {  	_ =	shalt  }
0x7a: {  	_ =	shalt  }
0x7b: {  	_ =	shalt  }
0x7c: {  	_ =	shalt  }
0x7d: {  	_ =	shalt  }
0x7e: {  	_ =	shalt  }
0x7f: {  	_ =	shalt  }
0x80: {  	_ =	shalt  }
0x81: {  	_ =	shalt  }
0x82: {  	_ =	shalt  }
0x83: {  	_ =	shalt  }
0x84: {  	_ =	shalt  }
0x85: {  	_ =	shalt  }
0x86: {  	_ =	shalt  }
0x87: {  	_ =	shalt  }
.Lfunc_end0:
.L_simem_size_0:
called_computation.2_lowered:
.L_overlay_start_0:
0x88: {  	s2 =	sld [smem:$0x3FD9]  }
0x89: {  	s3 =	sld [smem:$0x3FFE];
	_ =	sdelay $0x1  }
0x8a: {  	s1 =	srdreg.scid  }
0x8b: {  	s0 =	sand.u32 $0x1, s1  }
0x8c: {  	s17 =	sshll.u32 s0, $0xA;
	s2 =	sadd.s32 s3, s2  }
0x8d: {  	s2 =	sadd.s32 s2, s17  }
0x8e: {  	[smem:$0x3FB7] =	sst s2  }
0x8f: {  	_ = 	snop  }
0x90: {  	(tm) =	ssettm $0x1  }
0x91: {  	s18 =	sld [smem:$0x3FFB];
	_ =	sdelay $0x3  }
0x92: {  	_ =	strace s18  }
0x93: {  	s2 =	sld [smem:$0x3FFC];
	_ =	sdelay $0x3  }
0x94: {  	_ =	strace s2  }
0x95: {  	s2 =	sld [smem:$0x3FFD];
	_ =	sdelay $0x3  }
0x96: {  	_ =	strace s2  }
0x97: {  	_ =	strace $0x8FFFFFFF  }
0x98: {  	s19 =	sld [smem:$0x3FDB];
	_ =	sdelay $0x1  }
0x99: {  	s20 =	simm.s32 $_scs_section_size  }
0x9a: {  	s4 =	simm.s32 $_size__tile_overlayer_lowered;
	s5 =	simm.s32 $_tile_overlayer_lowered  }
0x9b: {  	s6 =	simm.s32 $0x1BFF;
	s21 =	sshll.u32 s5, $0x1;
	s3 =	sadd.s32 s20, s19  }
0x9c: {  	s22 =	simm.s32 $0x0;
	s4 =	sshll.u32 s4, $0x1;
	s5 =	sadd.s32 s21, s3  }
0x9d: {  	[timem:s22], [sflag:s6] =	dma.local [hbm:s5], s4  }
0x9e: {  	_ =	swait.ge [sflag:s6], s4  }
0x9f: {  	s4 =	ssub.s32 $0x0, s4;
	[sflag:s6] =	ssyncset.done $0x0  }
0xa0: {  	[sflag:s6] =	ssyncadd.s32 s4;
	_ =	sdelay $0x1  }
0xa1: {  	s23 =	simm.s32 $0x1B8B  }
0xa2: {  	_ =	swait.ge [sflag:s23], $0x1  }
0xa3: {  	[sflag:s23] =	ssyncset.done $0x0  }
0xa4: {  	[sflag:s23] =	ssyncadd.s32 $0xFFFFFFFF  }
0xa5: {  	s4 =	sld [smem:$0x0]  }
0xa6: {  	s5 =	sand.u32 $0xFFFFFFFE, s1  }
0xa7: {  	p0 =	sne.s32 s1, s5  }
0xa8: {  	s5 =	sshll.u32 @p0 s5, $0xE  }
0xa9: {  	s5 =	sadd.s32 @p0 $0x11B8D, s5;
	s6 =	sshll.u32 @p0 s4, $0x11  }
0xaa: {  	s5 =	sor.u32 @p0 s6, s5  }
0xab: {  	[sflag:s5] =	ssyncadd.remote.s32 @p0 $0x1;
	_ =	sdelay $0x1  }
0xac: {  	s5 =	simm.s32 @p0 $0x1B8D  }
0xad: {  	_ =	swait.eq @p0 [sflag:s5], $0x1  }
0xae: {  	[sflag:s5] =	ssyncadd.s32 @p0 $0xFFFFFFFF  }
0xaf: {  	s6 =	sshll.u32 @!p0 s1, $0xE  }
0xb0: {  	s6 =	sor.u32 @!p0 $0x4000, s6;
	s5 =	simm.s32 @!p0 $0x1B8D  }
0xb1: {  	s4 =	sshll.u32 @!p0 s4, $0x11;
	s6 =	sadd.s32 @!p0 $0x11B8D, s6;
	_ =	swait.eq @!p0 [sflag:s5], $0x1  }
0xb2: {  	s4 =	sor.u32 @!p0 s4, s6;
	[sflag:s5] =	ssyncadd.s32 @!p0 $0xFFFFFFFF  }
0xb3: {  	s25 =	simm.s32 $0x1B8E;
	s24 =	sld [smem:$0x3FFE];
	[sflag:s4] =	ssyncadd.remote.s32 @!p0 $0x1  }
0xb4: {  	s26 =	simm.s32 $execute0_lowered;
	[smem:$0x3FD2] =	sst s25  }
0xb5: {  	s5 =	sshll.u32 s26, $0x1;
	_ =	strace $0x80000049;
	[dreg:$0x1] =	wrdreg $0xFFFFFFFF  }
0xb6: {  	s28 =	simm.s32 $_size_execute0_lowered;
	s3 =	sadd.s32 s3, s5;
	[dreg:$0x0] =	wrdreg $0x0  }
0xb7: {  	s5 =	sshll.u32 s28, $0x1;
	[dreg:$0x2] =	wrdreg s3  }
0xb8: {  	[dreg:$0x3] =	wrdreg s5  }
0xb9: {  	[dreg:$0x4] =	wrdreg $0xC0  }
0xba: {  	_ =	task [dreg:s22], $0x5FFFF  }
0xbb: {  	[dreg:$0x1] =	wrdreg $0xFFFFFFFF  }
0xbc: {  	[dreg:$0x0] =	wrdreg $0x60  }
0xbd: {  	[dreg:$0x2] =	wrdreg s24  }
0xbe: {  	[dreg:$0x3] =	wrdreg $0xB  }
0xbf: {  	_ =	task.clear_ibuf [dreg:s22], $0x4FFFF;
	_ =	strace $0x90000049  }
0xc0: {  	s29 =	simm.s32 $0xB;
	_ =	strace $0x8000004B  }
0xc1: {  	_ =	swait.ge [sflag:s29], $0x1  }
0xc2: {  	[sflag:s29] =	ssyncadd.s32 $0xFFFFFFFF  }
0xc3: {  	_ =	strace $0x9000004B  }
0xc4: {  	_ =	sfence  }
0xc5: {  	s30 =	sld [smem:$0x0];
	_ =	sdelay $0x2  }
0xc6: {  	s31 =	sshll.u32 s1, $0xD;
	s1 =	sshrl.u32 s1, $0x2  }
0xc7: {  	s4 =	sand.u32 $0x4000, s31;
	s1 =	sadd.s32 s1, s30  }
0xc8: {  	s0 =	sor.u32 s4, s0;
	s1 =	sshll.u32 s1, $0x11  }
0xc9: {  	s0 =	sor.u32 s1, s0  }
0xca: {  	s0 =	sadd.s32 $0x8F2B, s0  }
0xcb: {  	[sflag:s0] =	ssyncadd.remote.s32 $0x1  }
0xcc: {  	_ =	sfence.sel $0xFFFF  }
0xcd: {  	[dreg:$0x0] =	wrdreg $0xFFFFFFFF;
	(pc) =	sbr.abs _section_cstart, $3  }
0xce: {  	[dreg:$0x1] =	wrdreg $0xFFFFFFFF  }
0xcf: {  	_ =	task.clear_ibuf [dreg:s22], $0x2FFFF;
	_ =	strace $0x9FFFFFFF  }
0xd0: {  	(tm) =	ssettm $0x7FFFFFFF  }
0xd1: {  	_ =	shalt  }
tec
execute0_lowered:
.L_overlay_start_1:
0x0: {  	(tag) =	ssettag $0x1  }
0x1: {  	s1 =	srdreg.scid  }
0x2: {  	s0 =	stileid.u32;
	s1 =	sand.u32 $0x1, s1  }
0x3: {  	s2 =	sshll.u32 s0, $0xC;
	s3 =	sshll.u32 s1, $0xB  }
0x4: {  	s3 =	sor.u32 s3, s2  }
0x5: {  	s4 =	rddreg [dreg:$0x0];
	s5 =	sshrl.u32 s3, $0x3  }
0x6: {  	s2 =	simm.s32 $0x0;
	s3 =	sshll.u32 s3, $0x4;
	s5 =	sadd.s32 s5, s4  }
0x7: {  	[smem:$0x7FF] =	sst s2;
	s30 =	sadd.s32 s3, s4;
	s16 =	sadd.s32 $0x4A00, s5  }
0x8: {  	_ =	strace $0x8000004A;
	s17 =	sadd.s32 $0x28D600, s30;
	[dreg:$0x2] =	wrdreg s16  }
0x9: {  	s18 =	sadd.s32 $0x294600, s30;
	[dreg:$0x3] =	wrdreg s17  }
0xa: {  	s19 =	sadd.s32 $0x294E00, s30;
	[dreg:$0x4] =	wrdreg s18  }
0xb: {  	s20 =	sadd.s32 $0x28DE00, s30;
	[dreg:$0x5] =	wrdreg s19  }
0xc: {  	s21 =	sadd.s32 $0x28E600, s30;
	[dreg:$0x6] =	wrdreg s20  }
0xd: {  	s22 =	sadd.s32 $0x28EE00, s30;
	[dreg:$0x7] =	wrdreg s21  }
0xe: {  	s23 =	sadd.s32 $0x28F600, s30;
	[dreg:$0x8] =	wrdreg s22  }
0xf: {  	s24 =	sadd.s32 $0x28FE00, s30;
	[dreg:$0x9] =	wrdreg s23  }
0x10: {  	s26 =	sadd.s32 $0x290600, s30;
	[dreg:$0xa] =	wrdreg s24  }
0x11: {  	[dreg:$0xb] =	wrdreg s26  }
0x12: {  	s3 =	simm.s32 $0x3;
	s25 =	rddreg [dreg:$0x2]  }
0x13: {  	[tilespmem:s2], [sflag:$0x3] =	stream.linear.gather [hbm4b:s25+s2], $0x800, $0x38;
	[tilespmem:$0x8800] =	vst v63  }
0x14: {  	_ =	swait.ge [sflag:s3], $0x800  }
0x15: {  	s6 =	simm.s32 $0x800;
	[sflag:s3] =	ssyncset.done $0x0  }
0x16: {  	s4 =	sadd.s32 $0xCA000, s4;
	s5 =	simm.s32 $0x80;
	[sflag:s3] =	ssyncadd.s32 $0xFFFFF800  }
0x17: {  	[tilespmem:s6], [sflag:$0x1] =	stream.indirect.gather [hbm4b:s4+s5], $0x80, s2, s5, $0xb8;
	[tilespmem:$0x8800] =	vst v63  }
0x18: {  	s7 =	simm.s32 $0x4800;
	s8 =	simm.s32 $0x1  }
0x19: {  	[tilespmem:s7], [sflag:$0x2] =	stream.indirect.gather [hbm4b:s4+s5], $0x80, s5, s5, $0xb8;
	[tilespmem:$0x8800] =	vst v63  }
0x1a: {  	_ =	swait.ge [sflag:s8], $0x4000  }
0x1b: {  	[sflag:s8] =	ssyncset.done $0x0  }
0x1c: {  	s9 =	rddreg [dreg:$0x3];
	[sflag:s8] =	ssyncadd.s32 $0xFFFFC000  }
0x1d: {  	[hbm4b:s9+s2] =	stream.linear.scatter [tilespmem:s6], [sflag:$0x3], $0x4000, $0x38;
	[tilespmem:$0x8800] =	vst v63  }
0x1e: {  	_ =	swait.ge [sflag:s3], $0x4000  }
0x1f: {  	[sflag:s3] =	ssyncset.done $0x0  }
0x20: {  	s10 =	simm.s32 $0x2;
	s9 =	simm.s32 $0x100;
	[sflag:s3] =	ssyncadd.s32 $0xFFFFC000  }
0x21: {  	[tilespmem:s6], [sflag:$0x1] =	stream.indirect.gather [hbm4b:s4+s5], $0x80, s9, s5, $0xb8;
	[tilespmem:$0x8800] =	vst v63  }
0x22: {  	_ =	swait.ge [sflag:s10], $0x4000  }
0x23: {  	[sflag:s10] =	ssyncset.done $0x0  }
0x24: {  	s11 =	rddreg [dreg:$0x6];
	[sflag:s10] =	ssyncadd.s32 $0xFFFFC000  }
0x25: {  	[hbm4b:s11+s2] =	stream.linear.scatter [tilespmem:s7], [sflag:$0x3], $0x4000, $0x38;
	[tilespmem:$0x8800] =	vst v63  }
0x26: {  	_ =	swait.ge [sflag:s3], $0x4000  }
0x27: {  	[sflag:s3] =	ssyncset.done $0x0  }
0x28: {  	s11 =	simm.s32 $0x180;
	[sflag:s3] =	ssyncadd.s32 $0xFFFFC000  }
0x29: {  	[tilespmem:s7], [sflag:$0x2] =	stream.indirect.gather [hbm4b:s4+s5], $0x80, s11, s5, $0xb8;
	[tilespmem:$0x8800] =	vst v63  }
0x2a: {  	_ =	swait.ge [sflag:s8], $0x4000  }
0x2b: {  	[sflag:s8] =	ssyncset.done $0x0  }
0x2c: {  	s12 =	rddreg [dreg:$0x7];
	[sflag:s8] =	ssyncadd.s32 $0xFFFFC000  }
0x2d: {  	[hbm4b:s12+s2] =	stream.linear.scatter [tilespmem:s6], [sflag:$0x3], $0x4000, $0x38;
	[tilespmem:$0x8800] =	vst v63  }
0x2e: {  	_ =	swait.ge [sflag:s3], $0x4000  }
0x2f: {  	[sflag:s3] =	ssyncset.done $0x0  }
0x30: {  	s12 =	simm.s32 $0x200;
	[sflag:s3] =	ssyncadd.s32 $0xFFFFC000  }
0x31: {  	[tilespmem:s6], [sflag:$0x1] =	stream.indirect.gather [hbm4b:s4+s5], $0x80, s12, s5, $0xb8;
	[tilespmem:$0x8800] =	vst v63  }
0x32: {  	_ =	swait.ge [sflag:s10], $0x4000  }
0x33: {  	[sflag:s10] =	ssyncset.done $0x0  }
0x34: {  	s13 =	rddreg [dreg:$0x8];
	[sflag:s10] =	ssyncadd.s32 $0xFFFFC000  }
0x35: {  	[hbm4b:s13+s2] =	stream.linear.scatter [tilespmem:s7], [sflag:$0x3], $0x4000, $0x38;
	[tilespmem:$0x8800] =	vst v63  }
0x36: {  	_ =	swait.ge [sflag:s3], $0x4000  }
0x37: {  	[sflag:s3] =	ssyncset.done $0x0  }
0x38: {  	s13 =	simm.s32 $0x280;
	[sflag:s3] =	ssyncadd.s32 $0xFFFFC000  }
0x39: {  	[tilespmem:s7], [sflag:$0x2] =	stream.indirect.gather [hbm4b:s4+s5], $0x80, s13, s5, $0xb8;
	[tilespmem:$0x8800] =	vst v63  }
0x3a: {  	_ =	swait.ge [sflag:s8], $0x4000  }
0x3b: {  	[sflag:s8] =	ssyncset.done $0x0  }
0x3c: {  	s14 =	rddreg [dreg:$0x9];
	[sflag:s8] =	ssyncadd.s32 $0xFFFFC000  }
0x3d: {  	[hbm4b:s14+s2] =	stream.linear.scatter [tilespmem:s6], [sflag:$0x3], $0x4000, $0x38;
	[tilespmem:$0x8800] =	vst v63  }
0x3e: {  	_ =	swait.ge [sflag:s3], $0x4000  }
0x3f: {  	[sflag:s3] =	ssyncset.done $0x0  }
0x40: {  	s14 =	simm.s32 $0x300;
	[sflag:s3] =	ssyncadd.s32 $0xFFFFC000  }
0x41: {  	[tilespmem:s6], [sflag:$0x1] =	stream.indirect.gather [hbm4b:s4+s5], $0x80, s14, s5, $0xb8;
	[tilespmem:$0x8800] =	vst v63  }
0x42: {  	_ =	swait.ge [sflag:s10], $0x4000  }
0x43: {  	[sflag:s10] =	ssyncset.done $0x0  }
0x44: {  	s15 =	rddreg [dreg:$0xa];
	[sflag:s10] =	ssyncadd.s32 $0xFFFFC000  }
0x45: {  	[hbm4b:s15+s2] =	stream.linear.scatter [tilespmem:s7], [sflag:$0x3], $0x4000, $0x38;
	[tilespmem:$0x8800] =	vst v63  }
0x46: {  	_ =	swait.ge [sflag:s3], $0x4000  }
0x47: {  	[sflag:s3] =	ssyncset.done $0x0  }
0x48: {  	s15 =	simm.s32 $0x380;
	[sflag:s3] =	ssyncadd.s32 $0xFFFFC000  }
0x49: {  	[tilespmem:s7], [sflag:$0x2] =	stream.indirect.gather [hbm4b:s4+s5], $0x80, s15, s5, $0xb8;
	[tilespmem:$0x8800] =	vst v63  }
0x4a: {  	_ =	swait.ge [sflag:s8], $0x4000  }
0x4b: {  	[sflag:s8] =	ssyncset.done $0x0  }
0x4c: {  	s16 =	rddreg [dreg:$0xb];
	[sflag:s8] =	ssyncadd.s32 $0xFFFFC000  }
0x4d: {  	[hbm4b:s16+s2] =	stream.linear.scatter [tilespmem:s6], [sflag:$0x3], $0x4000, $0x38;
	[tilespmem:$0x8800] =	vst v63  }
0x4e: {  	_ =	swait.ge [sflag:s3], $0x4000  }
0x4f: {  	[sflag:s3] =	ssyncset.done $0x0  }
0x50: {  	s16 =	simm.s32 $0x400;
	[sflag:s3] =	ssyncadd.s32 $0xFFFFC000  }
0x51: {  	[tilespmem:s6], [sflag:$0x1] =	stream.indirect.gather [hbm4b:s4+s5], $0x80, s16, s5, $0xb8;
	[tilespmem:$0x8800] =	vst v63  }
0x52: {  	_ =	swait.ge [sflag:s10], $0x4000  }
0x53: {  	[sflag:s10] =	ssyncset.done $0x0  }
0x54: {  	s17 =	sadd.s32 $0x290E00, s30;
	[sflag:s10] =	ssyncadd.s32 $0xFFFFC000  }
0x55: {  	[hbm4b:s17+s2] =	stream.linear.scatter [tilespmem:s7], [sflag:$0x3], $0x4000, $0x38;
	[tilespmem:$0x8800] =	vst v63  }
0x56: {  	_ =	swait.ge [sflag:s3], $0x4000  }
0x57: {  	[sflag:s3] =	ssyncset.done $0x0  }
0x58: {  	s18 =	simm.s32 $0x480;
	[sflag:s3] =	ssyncadd.s32 $0xFFFFC000  }
0x59: {  	[tilespmem:s7], [sflag:$0x2] =	stream.indirect.gather [hbm4b:s4+s5], $0x80, s18, s5, $0xb8;
	[tilespmem:$0x8800] =	vst v63  }
0x5a: {  	_ =	swait.ge [sflag:s8], $0x4000  }
0x5b: {  	[sflag:s8] =	ssyncset.done $0x0  }
0x5c: {  	s19 =	sadd.s32 $0x291600, s30;
	[sflag:s8] =	ssyncadd.s32 $0xFFFFC000  }
0x5d: {  	[hbm4b:s19+s2] =	stream.linear.scatter [tilespmem:s6], [sflag:$0x3], $0x4000, $0x38;
	[tilespmem:$0x8800] =	vst v63  }
0x5e: {  	_ =	swait.ge [sflag:s3], $0x4000  }
0x5f: {  	[sflag:s3] =	ssyncset.done $0x0  }
0x60: {  	s20 =	simm.s32 $0x500;
	[sflag:s3] =	ssyncadd.s32 $0xFFFFC000  }
0x61: {  	[tilespmem:s6], [sflag:$0x1] =	stream.indirect.gather [hbm4b:s4+s5], $0x80, s20, s5, $0xb8;
	[tilespmem:$0x8800] =	vst v63  }
0x62: {  	_ =	swait.ge [sflag:s10], $0x4000  }
0x63: {  	[sflag:s10] =	ssyncset.done $0x0  }
0x64: {  	s21 =	sadd.s32 $0x291E00, s30;
	[sflag:s10] =	ssyncadd.s32 $0xFFFFC000  }
0x65: {  	[hbm4b:s21+s2] =	stream.linear.scatter [tilespmem:s7], [sflag:$0x3], $0x4000, $0x38;
	[tilespmem:$0x8800] =	vst v63  }
0x66: {  	_ =	swait.ge [sflag:s3], $0x4000  }
0x67: {  	[sflag:s3] =	ssyncset.done $0x0  }
0x68: {  	s22 =	simm.s32 $0x580;
	[sflag:s3] =	ssyncadd.s32 $0xFFFFC000  }
0x69: {  	[tilespmem:s7], [sflag:$0x2] =	stream.indirect.gather [hbm4b:s4+s5], $0x80, s22, s5, $0xb8;
	[tilespmem:$0x8800] =	vst v63  }
0x6a: {  	_ =	swait.ge [sflag:s8], $0x4000  }
0x6b: {  	[sflag:s8] =	ssyncset.done $0x0  }
0x6c: {  	s23 =	sadd.s32 $0x292600, s30;
	[sflag:s8] =	ssyncadd.s32 $0xFFFFC000  }
0x6d: {  	[hbm4b:s23+s2] =	stream.linear.scatter [tilespmem:s6], [sflag:$0x3], $0x4000, $0x38;
	[tilespmem:$0x8800] =	vst v63  }
0x6e: {  	_ =	swait.ge [sflag:s3], $0x4000  }
0x6f: {  	[sflag:s3] =	ssyncset.done $0x0  }
0x70: {  	s24 =	simm.s32 $0x600;
	[sflag:s3] =	ssyncadd.s32 $0xFFFFC000  }
0x71: {  	[tilespmem:s6], [sflag:$0x1] =	stream.indirect.gather [hbm4b:s4+s5], $0x80, s24, s5, $0xb8;
	[tilespmem:$0x8800] =	vst v63  }
0x72: {  	_ =	swait.ge [sflag:s10], $0x4000  }
0x73: {  	[sflag:s10] =	ssyncset.done $0x0  }
0x74: {  	s25 =	sadd.s32 $0x292E00, s30;
	[sflag:s10] =	ssyncadd.s32 $0xFFFFC000  }
0x75: {  	[hbm4b:s25+s2] =	stream.linear.scatter [tilespmem:s7], [sflag:$0x3], $0x4000, $0x38;
	[tilespmem:$0x8800] =	vst v63  }
0x76: {  	_ =	swait.ge [sflag:s3], $0x4000  }
0x77: {  	[sflag:s3] =	ssyncset.done $0x0  }
0x78: {  	s26 =	simm.s32 $0x680;
	[sflag:s3] =	ssyncadd.s32 $0xFFFFC000  }
0x79: {  	[tilespmem:s7], [sflag:$0x2] =	stream.indirect.gather [hbm4b:s4+s5], $0x80, s26, s5, $0xb8;
	[tilespmem:$0x8800] =	vst v63  }
0x7a: {  	_ =	swait.ge [sflag:s8], $0x4000  }
0x7b: {  	[sflag:s8] =	ssyncset.done $0x0  }
0x7c: {  	s28 =	sadd.s32 $0x293600, s30;
	[sflag:s8] =	ssyncadd.s32 $0xFFFFC000  }
0x7d: {  	[hbm4b:s28+s2] =	stream.linear.scatter [tilespmem:s6], [sflag:$0x3], $0x4000, $0x38;
	[tilespmem:$0x8800] =	vst v63  }
0x7e: {  	_ =	swait.ge [sflag:s3], $0x4000  }
0x7f: {  	[sflag:s3] =	ssyncset.done $0x0  }
0x80: {  	s29 =	simm.s32 $0x700;
	[sflag:s3] =	ssyncadd.s32 $0xFFFFC000  }
0x81: {  	[tilespmem:s6], [sflag:$0x1] =	stream.indirect.gather [hbm4b:s4+s5], $0x80, s29, s5, $0xb8;
	[tilespmem:$0x8800] =	vst v63  }
0x82: {  	_ =	swait.ge [sflag:s10], $0x4000  }
0x83: {  	[sflag:s10] =	ssyncset.done $0x0  }
0x84: {  	s30 =	sadd.s32 $0x293E00, s30;
	[sflag:s10] =	ssyncadd.s32 $0xFFFFC000  }
0x85: {  	[hbm4b:s30+s2] =	stream.linear.scatter [tilespmem:s7], [sflag:$0x3], $0x4000, $0x38;
	[tilespmem:$0x8800] =	vst v63  }
0x86: {  	_ =	swait.ge [sflag:s3], $0x4000  }
0x87: {  	[sflag:s3] =	ssyncset.done $0x0  }
0x88: {  	s31 =	simm.s32 $0x780;
	[sflag:s3] =	ssyncadd.s32 $0xFFFFC000  }
0x89: {  	[tilespmem:s7], [sflag:$0x2] =	stream.indirect.gather [hbm4b:s4+s5], $0x80, s31, s5, $0xb8;
	[tilespmem:$0x8800] =	vst v63  }
0x8a: {  	_ =	swait.ge [sflag:s8], $0x4000  }
0x8b: {  	[sflag:s8] =	ssyncset.done $0x0  }
0x8c: {  	s0 =	rddreg [dreg:$0x4];
	[sflag:s8] =	ssyncadd.s32 $0xFFFFC000  }
0x8d: {  	[hbm4b:s0+s2] =	stream.linear.scatter [tilespmem:s6], [sflag:$0x3], $0x4000, $0x38;
	[tilespmem:$0x8800] =	vst v63  }
0x8e: {  	_ =	swait.ge [sflag:s3], $0x4000  }
0x8f: {  	[sflag:s3] =	ssyncset.done $0x0  }
0x90: {  	[sflag:s3] =	ssyncadd.s32 $0xFFFFC000  }
0x91: {  	_ =	swait.ge [sflag:s10], $0x4000  }
0x92: {  	s0 =	ssub.s32 $0x2, s1;
	s1 =	rddreg [dreg:$0x5]  }
0x93: {  	[dreg:$0xc] =	wrdreg s1;
	s1 =	sshrl.u32 s0, $0x1  }
0x94: {  	s0 =	ssub.s32 s0, s1  }
0x95: {  	s0 =	smax.u32 s0, $0x1  }
0x96: {  	p0 =	sne.s32 s0, $0x1  }
.Ltmp0:
0x97: {  	_ = 	snop;
	(pc) =	sbr.rel @!p0 .LBB2_2-.Ltmp0, $4  }
0x98: {  	[sflag:s10] =	ssyncset.done $0x0  }
0x99: {  	[sflag:s10] =	ssyncadd.s32 $0xFFFFC000;
	s1 =	rddreg [dreg:$0xc]  }
0x9a: {  	[hbm4b:s1+s2] =	stream.linear.scatter [tilespmem:s7], [sflag:$0x3], $0x4000, $0x38;
	[tilespmem:$0x8800] =	vst v63  }
0x9b: {  	s1 =	sadd.s32 $0xFFFFFFFF, s0;
	_ =	swait.ge [sflag:s3], $0x4000  }
.LBB2_1:
0x9c: {  	[sflag:s3] =	ssyncset.done $0x0  }
0x9d: {  	s0 =	rddreg [dreg:$0x2];
	[sflag:s3] =	ssyncadd.s32 $0xFFFFC000  }
0x9e: {  	[tilespmem:s2], [sflag:$0x3] =	stream.linear.gather [hbm4b:s0+s2], $0x800, $0x38;
	[tilespmem:$0x8800] =	vst v63  }
0x9f: {  	_ =	swait.ge [sflag:s3], $0x800  }
0xa0: {  	[sflag:s3] =	ssyncset.done $0x0  }
0xa1: {  	[sflag:s3] =	ssyncadd.s32 $0xFFFFF800  }
0xa2: {  	[tilespmem:s6], [sflag:$0x1] =	stream.indirect.gather [hbm4b:s4+s5], $0x80, s2, s5, $0xb8;
	[tilespmem:$0x8800] =	vst v63  }
0xa3: {  	_ = 	snop  }
0xa4: {  	[tilespmem:s7], [sflag:$0x2] =	stream.indirect.gather [hbm4b:s4+s5], $0x80, s5, s5, $0xb8;
	[tilespmem:$0x8800] =	vst v63  }
0xa5: {  	_ =	swait.ge [sflag:s8], $0x4000  }
0xa6: {  	[sflag:s8] =	ssyncset.done $0x0  }
0xa7: {  	s0 =	rddreg [dreg:$0x3];
	[sflag:s8] =	ssyncadd.s32 $0xFFFFC000  }
0xa8: {  	[hbm4b:s0+s2] =	stream.linear.scatter [tilespmem:s6], [sflag:$0x3], $0x4000, $0x38;
	[tilespmem:$0x8800] =	vst v63  }
0xa9: {  	_ =	swait.ge [sflag:s3], $0x4000  }
0xaa: {  	[sflag:s3] =	ssyncset.done $0x0  }
0xab: {  	[sflag:s3] =	ssyncadd.s32 $0xFFFFC000  }
0xac: {  	[tilespmem:s6], [sflag:$0x1] =	stream.indirect.gather [hbm4b:s4+s5], $0x80, s9, s5, $0xb8;
	[tilespmem:$0x8800] =	vst v63  }
0xad: {  	_ =	swait.ge [sflag:s10], $0x4000  }
0xae: {  	[sflag:s10] =	ssyncset.done $0x0  }
0xaf: {  	s0 =	rddreg [dreg:$0x6];
	[sflag:s10] =	ssyncadd.s32 $0xFFFFC000  }
0xb0: {  	[hbm4b:s0+s2] =	stream.linear.scatter [tilespmem:s7], [sflag:$0x3], $0x4000, $0x38;
	[tilespmem:$0x8800] =	vst v63  }
0xb1: {  	_ =	swait.ge [sflag:s3], $0x4000  }
0xb2: {  	[sflag:s3] =	ssyncset.done $0x0  }
0xb3: {  	[sflag:s3] =	ssyncadd.s32 $0xFFFFC000  }
0xb4: {  	[tilespmem:s7], [sflag:$0x2] =	stream.indirect.gather [hbm4b:s4+s5], $0x80, s11, s5, $0xb8;
	[tilespmem:$0x8800] =	vst v63  }
0xb5: {  	_ =	swait.ge [sflag:s8], $0x4000  }
0xb6: {  	[sflag:s8] =	ssyncset.done $0x0  }
0xb7: {  	s0 =	rddreg [dreg:$0x7];
	[sflag:s8] =	ssyncadd.s32 $0xFFFFC000  }
0xb8: {  	[hbm4b:s0+s2] =	stream.linear.scatter [tilespmem:s6], [sflag:$0x3], $0x4000, $0x38;
	[tilespmem:$0x8800] =	vst v63  }
0xb9: {  	_ =	swait.ge [sflag:s3], $0x4000  }
0xba: {  	[sflag:s3] =	ssyncset.done $0x0  }
0xbb: {  	[sflag:s3] =	ssyncadd.s32 $0xFFFFC000  }
0xbc: {  	[tilespmem:s6], [sflag:$0x1] =	stream.indirect.gather [hbm4b:s4+s5], $0x80, s12, s5, $0xb8;
	[tilespmem:$0x8800] =	vst v63  }
0xbd: {  	_ =	swait.ge [sflag:s10], $0x4000  }
0xbe: {  	[sflag:s10] =	ssyncset.done $0x0  }
0xbf: {  	s0 =	rddreg [dreg:$0x8];
	[sflag:s10] =	ssyncadd.s32 $0xFFFFC000  }
0xc0: {  	[hbm4b:s0+s2] =	stream.linear.scatter [tilespmem:s7], [sflag:$0x3], $0x4000, $0x38;
	[tilespmem:$0x8800] =	vst v63  }
0xc1: {  	_ =	swait.ge [sflag:s3], $0x4000  }
0xc2: {  	[sflag:s3] =	ssyncset.done $0x0  }
0xc3: {  	[sflag:s3] =	ssyncadd.s32 $0xFFFFC000  }
0xc4: {  	[tilespmem:s7], [sflag:$0x2] =	stream.indirect.gather [hbm4b:s4+s5], $0x80, s13, s5, $0xb8;
	[tilespmem:$0x8800] =	vst v63  }
0xc5: {  	_ =	swait.ge [sflag:s8], $0x4000  }
0xc6: {  	[sflag:s8] =	ssyncset.done $0x0  }
0xc7: {  	s0 =	rddreg [dreg:$0x9];
	[sflag:s8] =	ssyncadd.s32 $0xFFFFC000  }
0xc8: {  	[hbm4b:s0+s2] =	stream.linear.scatter [tilespmem:s6], [sflag:$0x3], $0x4000, $0x38;
	[tilespmem:$0x8800] =	vst v63  }
0xc9: {  	_ =	swait.ge [sflag:s3], $0x4000  }
0xca: {  	[sflag:s3] =	ssyncset.done $0x0  }
0xcb: {  	[sflag:s3] =	ssyncadd.s32 $0xFFFFC000  }
0xcc: {  	[tilespmem:s6], [sflag:$0x1] =	stream.indirect.gather [hbm4b:s4+s5], $0x80, s14, s5, $0xb8;
	[tilespmem:$0x8800] =	vst v63  }
0xcd: {  	_ =	swait.ge [sflag:s10], $0x4000  }
0xce: {  	[sflag:s10] =	ssyncset.done $0x0  }
0xcf: {  	s0 =	rddreg [dreg:$0xa];
	[sflag:s10] =	ssyncadd.s32 $0xFFFFC000  }
0xd0: {  	[hbm4b:s0+s2] =	stream.linear.scatter [tilespmem:s7], [sflag:$0x3], $0x4000, $0x38;
	[tilespmem:$0x8800] =	vst v63  }
0xd1: {  	_ =	swait.ge [sflag:s3], $0x4000  }
0xd2: {  	[sflag:s3] =	ssyncset.done $0x0  }
0xd3: {  	[sflag:s3] =	ssyncadd.s32 $0xFFFFC000  }
0xd4: {  	[tilespmem:s7], [sflag:$0x2] =	stream.indirect.gather [hbm4b:s4+s5], $0x80, s15, s5, $0xb8;
	[tilespmem:$0x8800] =	vst v63  }
0xd5: {  	_ =	swait.ge [sflag:s8], $0x4000  }
0xd6: {  	[sflag:s8] =	ssyncset.done $0x0  }
0xd7: {  	s0 =	rddreg [dreg:$0xb];
	[sflag:s8] =	ssyncadd.s32 $0xFFFFC000  }
0xd8: {  	[hbm4b:s0+s2] =	stream.linear.scatter [tilespmem:s6], [sflag:$0x3], $0x4000, $0x38;
	[tilespmem:$0x8800] =	vst v63  }
0xd9: {  	_ =	swait.ge [sflag:s3], $0x4000  }
0xda: {  	[sflag:s3] =	ssyncset.done $0x0  }
0xdb: {  	[sflag:s3] =	ssyncadd.s32 $0xFFFFC000  }
0xdc: {  	[tilespmem:s6], [sflag:$0x1] =	stream.indirect.gather [hbm4b:s4+s5], $0x80, s16, s5, $0xb8;
	[tilespmem:$0x8800] =	vst v63  }
0xdd: {  	_ =	swait.ge [sflag:s10], $0x4000  }
0xde: {  	[sflag:s10] =	ssyncset.done $0x0  }
0xdf: {  	[sflag:s10] =	ssyncadd.s32 $0xFFFFC000  }
0xe0: {  	[hbm4b:s17+s2] =	stream.linear.scatter [tilespmem:s7], [sflag:$0x3], $0x4000, $0x38;
	[tilespmem:$0x8800] =	vst v63  }
0xe1: {  	_ =	swait.ge [sflag:s3], $0x4000  }
0xe2: {  	[sflag:s3] =	ssyncset.done $0x0  }
0xe3: {  	[sflag:s3] =	ssyncadd.s32 $0xFFFFC000  }
0xe4: {  	[tilespmem:s7], [sflag:$0x2] =	stream.indirect.gather [hbm4b:s4+s5], $0x80, s18, s5, $0xb8;
	[tilespmem:$0x8800] =	vst v63  }
0xe5: {  	_ =	swait.ge [sflag:s8], $0x4000  }
0xe6: {  	[sflag:s8] =	ssyncset.done $0x0  }
0xe7: {  	[sflag:s8] =	ssyncadd.s32 $0xFFFFC000  }
0xe8: {  	[hbm4b:s19+s2] =	stream.linear.scatter [tilespmem:s6], [sflag:$0x3], $0x4000, $0x38;
	[tilespmem:$0x8800] =	vst v63  }
0xe9: {  	_ =	swait.ge [sflag:s3], $0x4000  }
0xea: {  	[sflag:s3] =	ssyncset.done $0x0  }
0xeb: {  	[sflag:s3] =	ssyncadd.s32 $0xFFFFC000  }
0xec: {  	[tilespmem:s6], [sflag:$0x1] =	stream.indirect.gather [hbm4b:s4+s5], $0x80, s20, s5, $0xb8;
	[tilespmem:$0x8800] =	vst v63  }
0xed: {  	_ =	swait.ge [sflag:s10], $0x4000  }
0xee: {  	[sflag:s10] =	ssyncset.done $0x0  }
0xef: {  	[sflag:s10] =	ssyncadd.s32 $0xFFFFC000  }
0xf0: {  	[hbm4b:s21+s2] =	stream.linear.scatter [tilespmem:s7], [sflag:$0x3], $0x4000, $0x38;
	[tilespmem:$0x8800] =	vst v63  }
0xf1: {  	_ =	swait.ge [sflag:s3], $0x4000  }
0xf2: {  	[sflag:s3] =	ssyncset.done $0x0  }
0xf3: {  	[sflag:s3] =	ssyncadd.s32 $0xFFFFC000  }
0xf4: {  	[tilespmem:s7], [sflag:$0x2] =	stream.indirect.gather [hbm4b:s4+s5], $0x80, s22, s5, $0xb8;
	[tilespmem:$0x8800] =	vst v63  }
0xf5: {  	_ =	swait.ge [sflag:s8], $0x4000  }
0xf6: {  	[sflag:s8] =	ssyncset.done $0x0  }
0xf7: {  	[sflag:s8] =	ssyncadd.s32 $0xFFFFC000  }
0xf8: {  	[hbm4b:s23+s2] =	stream.linear.scatter [tilespmem:s6], [sflag:$0x3], $0x4000, $0x38;
	[tilespmem:$0x8800] =	vst v63  }
0xf9: {  	_ =	swait.ge [sflag:s3], $0x4000  }
0xfa: {  	[sflag:s3] =	ssyncset.done $0x0  }
0xfb: {  	[sflag:s3] =	ssyncadd.s32 $0xFFFFC000  }
0xfc: {  	[tilespmem:s6], [sflag:$0x1] =	stream.indirect.gather [hbm4b:s4+s5], $0x80, s24, s5, $0xb8;
	[tilespmem:$0x8800] =	vst v63  }
0xfd: {  	_ =	swait.ge [sflag:s10], $0x4000  }
0xfe: {  	[sflag:s10] =	ssyncset.done $0x0  }
0xff: {  	[sflag:s10] =	ssyncadd.s32 $0xFFFFC000  }
0x100: {  	[hbm4b:s25+s2] =	stream.linear.scatter [tilespmem:s7], [sflag:$0x3], $0x4000, $0x38;
	[tilespmem:$0x8800] =	vst v63  }
0x101: {  	_ =	swait.ge [sflag:s3], $0x4000  }
0x102: {  	[sflag:s3] =	ssyncset.done $0x0  }
0x103: {  	[sflag:s3] =	ssyncadd.s32 $0xFFFFC000  }
0x104: {  	[tilespmem:s7], [sflag:$0x2] =	stream.indirect.gather [hbm4b:s4+s5], $0x80, s26, s5, $0xb8;
	[tilespmem:$0x8800] =	vst v63  }
0x105: {  	_ =	swait.ge [sflag:s8], $0x4000  }
0x106: {  	[sflag:s8] =	ssyncset.done $0x0  }
0x107: {  	[sflag:s8] =	ssyncadd.s32 $0xFFFFC000  }
0x108: {  	[hbm4b:s28+s2] =	stream.linear.scatter [tilespmem:s6], [sflag:$0x3], $0x4000, $0x38;
	[tilespmem:$0x8800] =	vst v63  }
0x109: {  	_ =	swait.ge [sflag:s3], $0x4000  }
0x10a: {  	[sflag:s3] =	ssyncset.done $0x0  }
0x10b: {  	[sflag:s3] =	ssyncadd.s32 $0xFFFFC000  }
0x10c: {  	[tilespmem:s6], [sflag:$0x1] =	stream.indirect.gather [hbm4b:s4+s5], $0x80, s29, s5, $0xb8;
	[tilespmem:$0x8800] =	vst v63  }
0x10d: {  	_ =	swait.ge [sflag:s10], $0x4000  }
0x10e: {  	[sflag:s10] =	ssyncset.done $0x0  }
0x10f: {  	[sflag:s10] =	ssyncadd.s32 $0xFFFFC000  }
0x110: {  	[hbm4b:s30+s2] =	stream.linear.scatter [tilespmem:s7], [sflag:$0x3], $0x4000, $0x38;
	[tilespmem:$0x8800] =	vst v63  }
0x111: {  	_ =	swait.ge [sflag:s3], $0x4000  }
0x112: {  	[sflag:s3] =	ssyncset.done $0x0  }
0x113: {  	[sflag:s3] =	ssyncadd.s32 $0xFFFFC000  }
0x114: {  	[tilespmem:s7], [sflag:$0x2] =	stream.indirect.gather [hbm4b:s4+s5], $0x80, s31, s5, $0xb8;
	[tilespmem:$0x8800] =	vst v63  }
0x115: {  	_ =	swait.ge [sflag:s8], $0x4000  }
0x116: {  	[sflag:s8] =	ssyncset.done $0x0  }
0x117: {  	s0 =	rddreg [dreg:$0x4];
	[sflag:s8] =	ssyncadd.s32 $0xFFFFC000  }
0x118: {  	[hbm4b:s0+s2] =	stream.linear.scatter [tilespmem:s6], [sflag:$0x3], $0x4000, $0x38;
	[tilespmem:$0x8800] =	vst v63  }
0x119: {  	_ =	swait.ge [sflag:s3], $0x4000  }
0x11a: {  	[sflag:s3] =	ssyncset.done $0x0  }
0x11b: {  	p0 =	sne.s32 s1, $0x1;
	[sflag:s3] =	ssyncadd.s32 $0xFFFFC000  }
.Ltmp1:
0x11c: {  	_ =	swait.ge [sflag:s10], $0x4000;
	(pc) =	sbr.rel @p0 .LBB2_1-.Ltmp1, $4  }
0x11d: {  	[sflag:s10] =	ssyncset.done $0x0  }
0x11e: {  	s0 =	rddreg [dreg:$0x5];
	[sflag:s10] =	ssyncadd.s32 $0xFFFFC000  }
0x11f: {  	[hbm4b:s0+s2] =	stream.linear.scatter [tilespmem:s7], [sflag:$0x3], $0x4000, $0x38;
	[tilespmem:$0x8800] =	vst v63  }
0x120: {  	s1 =	sadd.s32 $0xFFFFFFFF, s1;
	_ =	swait.ge [sflag:s3], $0x4000  }
.LBB2_2:
0x121: {  	[sflag:s3] =	ssyncset.done $0x0  }
0x122: {  	[sflag:s3] =	ssyncadd.s32 $0xFFFFC000  }
0x123: {  	_ =	sfence.sel $0x180000  }
0x124: {  	[bflag:$0x0] =	sbarrier.arrive $0xFFFF  }
0x125: {  	_ =	strace $0x9000004A  }
0x126: {  	s0 =	stileid.u32;
	[bflag:$0x2] =	sbarrier.arrive $0xFFFF  }
0x127: {  	p0 =	sne.s32 s0, $0x0;
	s0 =	rddreg [dreg:$0x1]  }
0x128: {  	s0 =	sadd.s32 @!p0 $0x100000, s0  }
0x129: {  	[sflag:s0] =	ssyncadd.tile.s32 @!p0 $0x1;
	_ =	shalt  }
.Lfunc_end2:
_tile_overlayer_lowered:
.L_overlay_start_2:
0x12a: {  	(tag) =	ssettag $0x2  }
0x12b: {  	s0 =	rddreg [dreg:$0x0];
	s2 =	stileid.u32  }
0x12c: {  	s1 =	rddreg [dreg:$0x1];
	p0 =	sne.s32 s2, $0x0  }
0x12d: {  	s3 =	rddreg [dreg:$0x2];
	[bflag:$0x3] =	sbarrier.arrive $0xFFFF;
	s2 =	simm.s32 @!p0 $0x1C03  }
0x12e: {  	[timem:s3], [sflag:s2] =	dma.local @!p0 [hbm:s0], s1  }
0x12f: {  	s0 =	simm.s32 @!p0 $0x3  }
0x130: {  	_ =	swait.ge @!p0 [sflag:s0], s1  }
0x131: {  	s1 =	ssub.s32 @!p0 $0x0, s1;
	[sflag:s0] =	ssyncset.done @!p0 $0x0  }
0x132: {  	[sflag:s0] =	ssyncadd.s32 @!p0 s1  }
0x133: {  	[bflag:$0x3] =	sbarrier.arrive $0xFFFF  }
0x134: {  	_ =	shalt  }

// kernel: kernel.20.cloned.1.call-start
scs
__scs_entry_jumppad:
0x0: {  	(pc) =	sbr.rel $0x88, $3  }
0x1: {  	(tag) =	ssettag $0x0;
	lr =	simm.s32 $0x1  }
0x2: {  	[smem:$0x3F90] =	sst lr;
	_ =	strace $0xD0000000  }
0x3: {  	_ = 	snop  }
0x4: {  	_ = 	snop  }
0x5: {  	_ = 	snop  }
0x6: {  	_ = 	snop  }
0x7: {  	_ = 	snop  }
__scs_overlays_trampoline_lowered:
0x8: {  	[smem:$0x3F9F] =	sst s0  }
0x9: {  	[smem:$0x3FA0] =	sst s1  }
0xa: {  	[smem:$0x3FA1] =	sst s2  }
0xb: {  	[smem:$0x3FA2] =	sst s3  }
0xc: {  	[smem:$0x3FA3] =	sst s4  }
0xd: {  	[smem:$0x3FA4] =	sst s5  }
0xe: {  	[smem:$0x3FA5] =	sst s6  }
0xf: {  	[smem:$0x3FA6] =	sst s7  }
0x10: {  	[smem:$0x3FA7] =	sst s8  }
0x11: {  	[smem:$0x3FA8] =	sst s9;
	s0 =	simm.s32 @!p0 $0x0  }
0x12: {  	s1 =	sld [smem:$0x3F8E];
	s0 =	simm.s32 @p0 $0x1  }
0x13: {  	[smem:$0x3FA9] =	sst s0;
	s0 =	simm.s32 @!p1 $0x0  }
0x14: {  	s2 =	sld [smem:$0x3F8D];
	s0 =	simm.s32 @p1 $0x1  }
0x15: {  	[smem:$0x3FAA] =	sst s0;
	s0 =	simm.s32 @!p2 $0x0  }
0x16: {  	s3 =	sld [smem:$0x3FDB];
	s0 =	simm.s32 @p2 $0x1  }
0x17: {  	s4 =	simm.s32 $0x1BF5;
	[smem:$0x3FAC] =	sst s0  }
0x18: {  	s0 =	sld [smem:$0x3F8F];
	_ =	swait.ge [sflag:s4], $0x0  }
0x19: {  	s7 =	sld [smem:$0x3F90]  }
0x1a: {  	s8 =	sadd.s32 $0xFFFFE003, lr  }
0x1b: {  	s9 =	sadd.s32 $0xFFFFFEF7, lr;
	s5 =	simm.s32 $0xFFFFFFFF;
	p2 =	slt.u32 s8, $0xFFFFF086  }
0x1c: {  	p1 =	slt.u32 s9, $0xF7A;
	s5 =	simm.s32 @!p2 $0x0  }
0x1d: {  	s5 =	simm.s32 @p1 $0x1;
	p0 =	seq.s32 s7, s2  }
0x1e: {  	s7 =	smul.u32 @!p0 $0xF7A, s2;
	p2 =	seq.s32 @!p0 s5, $0x0  }
0x1f: {  	s9 =	smul.u32 $0xF7A, s1;
	s8 =	simm.s32 @!p0 $0x1BF5;
	p2 =	por !p2, p0  }
0x20: {  	[sflag:s8] =	ssyncset.s32 @!p0 $0xFFFFF086;
	s6 =	sadd.s32 @!p0 s3, s7;
	s7 =	simm.s32 @!p0 $0x108  }
0x21: {  	s3 =	sadd.s32 s3, s9;
	s6 =	sadd.s32 @!p0 $0x88, s6;
	s7 =	simm.s32 @p2 $0x1082  }
0x22: {  	[simem:s7], [sflag:s8] =	dma.local @!p0 [hbm:s6], $0xF7A  }
0x23: {  	s9 =	sor.u32 $0xD0000000, s2;
	s6 =	simm.s32 $0x108;
	_ =	swait.ge @!p0 [sflag:s8], $0x0  }
0x24: {  	s3 =	sadd.s32 $0x88, s3;
	s6 =	simm.s32 @!p1 $0x1082;
	[sflag:s4] =	ssyncset.s32 $0xFFFFF086  }
0x25: {  	[simem:s6], [sflag:s4] =	dma.local [hbm:s3], $0xF7A  }
0x26: {  	[smem:$0x3F90] =	sst s1;
	(tag) =	ssettag s2;
	_ =	strace s9  }
0x27: {  	s1 =	sld [smem:$0x3FA0]  }
0x28: {  	s2 =	sld [smem:$0x3FA1]  }
0x29: {  	s4 =	sld [smem:$0x3FA3]  }
0x2a: {  	p0 =	seq.s32 s5, $0x0;
	s5 =	sld [smem:$0x3FA4]  }
0x2b: {  	s6 =	sld [smem:$0x3FA5]  }
0x2c: {  	s7 =	sld [smem:$0x3FA6]  }
0x2d: {  	s3 =	simm.s32 $0x108;
	s8 =	sld [smem:$0x3FA7]  }
0x2e: {  	s3 =	simm.s32 @!p0 $0x1082;
	s9 =	sld [smem:$0x3FA8]  }
0x2f: {  	lr =	sadd.s32 s0, s3;
	s0 =	sld [smem:$0x3F9F]  }
0x30: {  	s3 =	sld [smem:$0x3FA2]  }
0x31: {  	[smem:$0x3FAB] =	sst s10  }
0x32: {  	s10 =	sld [smem:$0x3FA9];
	_ =	sdelay $0x3  }
0x33: {  	p0 =	seq.s32 s10, $0x1;
	s10 =	sld [smem:$0x3FAB];
	_ =	sdelay $0x3  }
0x34: {  	[smem:$0x3FAB] =	sst s10  }
0x35: {  	s10 =	sld [smem:$0x3FAA];
	_ =	sdelay $0x3  }
0x36: {  	p1 =	seq.s32 s10, $0x1;
	s10 =	sld [smem:$0x3FAB];
	_ =	sdelay $0x3  }
0x37: {  	[smem:$0x3FAB] =	sst s10  }
0x38: {  	s10 =	sld [smem:$0x3FAC]  }
0x39: {  	_ = 	snop;
	(pc) =	sbr.ind lr, $3  }
0x3a: {  	_ = 	snop  }
0x3b: {  	_ = 	snop  }
0x3c: {  	p2 =	seq.s32 s10, $0x1;
	s10 =	sld [smem:$0x3FAB]  }
0x3d: {  	_ =	shalt  }
0x3e: {  	_ =	shalt  }
0x3f: {  	_ =	shalt  }
0x40: {  	_ =	shalt  }
0x41: {  	_ =	shalt  }
0x42: {  	_ =	shalt  }
0x43: {  	_ =	shalt  }
0x44: {  	_ =	shalt  }
0x45: {  	_ =	shalt  }
0x46: {  	_ =	shalt  }
0x47: {  	_ =	shalt  }
0x48: {  	_ =	shalt  }
0x49: {  	_ =	shalt  }
0x4a: {  	_ =	shalt  }
0x4b: {  	_ =	shalt  }
0x4c: {  	_ =	shalt  }
0x4d: {  	_ =	shalt  }
0x4e: {  	_ =	shalt  }
0x4f: {  	_ =	shalt  }
0x50: {  	_ =	shalt  }
0x51: {  	_ =	shalt  }
0x52: {  	_ =	shalt  }
0x53: {  	_ =	shalt  }
0x54: {  	_ =	shalt  }
0x55: {  	_ =	shalt  }
0x56: {  	_ =	shalt  }
0x57: {  	_ =	shalt  }
0x58: {  	_ =	shalt  }
0x59: {  	_ =	shalt  }
0x5a: {  	_ =	shalt  }
0x5b: {  	_ =	shalt  }
0x5c: {  	_ =	shalt  }
0x5d: {  	_ =	shalt  }
0x5e: {  	_ =	shalt  }
0x5f: {  	_ =	shalt  }
0x60: {  	_ =	shalt  }
0x61: {  	_ =	shalt  }
0x62: {  	_ =	shalt  }
0x63: {  	_ =	shalt  }
0x64: {  	_ =	shalt  }
0x65: {  	_ =	shalt  }
0x66: {  	_ =	shalt  }
0x67: {  	_ =	shalt  }
0x68: {  	_ =	shalt  }
0x69: {  	_ =	shalt  }
0x6a: {  	_ =	shalt  }
0x6b: {  	_ =	shalt  }
0x6c: {  	_ =	shalt  }
0x6d: {  	_ =	shalt  }
0x6e: {  	_ =	shalt  }
0x6f: {  	_ =	shalt  }
0x70: {  	_ =	shalt  }
0x71: {  	_ =	shalt  }
0x72: {  	_ =	shalt  }
0x73: {  	_ =	shalt  }
0x74: {  	_ =	shalt  }
0x75: {  	_ =	shalt  }
0x76: {  	_ =	shalt  }
0x77: {  	_ =	shalt  }
0x78: {  	_ =	shalt  }
0x79: {  	_ =	shalt  }
0x7a: {  	_ =	shalt  }
0x7b: {  	_ =	shalt  }
0x7c: {  	_ =	shalt  }
0x7d: {  	_ =	shalt  }
0x7e: {  	_ =	shalt  }
0x7f: {  	_ =	shalt  }
0x80: {  	_ =	shalt  }
0x81: {  	_ =	shalt  }
0x82: {  	_ =	shalt  }
0x83: {  	_ =	shalt  }
0x84: {  	_ =	shalt  }
0x85: {  	_ =	shalt  }
0x86: {  	_ =	shalt  }
0x87: {  	_ =	shalt  }
.Lfunc_end0:
.L_simem_size_0:
called_computation.3_lowered:
.L_overlay_start_0:
0x88: {  	s2 =	sld [smem:$0x3FD9]  }
0x89: {  	s3 =	sld [smem:$0x3FFE];
	_ =	sdelay $0x1  }
0x8a: {  	s1 =	srdreg.scid  }
0x8b: {  	s0 =	sand.u32 $0x1, s1  }
0x8c: {  	s16 =	sshll.u32 s0, $0xA;
	s2 =	sadd.s32 s3, s2  }
0x8d: {  	s2 =	sadd.s32 s2, s16  }
0x8e: {  	[smem:$0x3FB7] =	sst s2  }
0x8f: {  	_ = 	snop  }
0x90: {  	(tm) =	ssettm $0x1  }
0x91: {  	s17 =	sld [smem:$0x3FFB];
	_ =	sdelay $0x3  }
0x92: {  	_ =	strace s17  }
0x93: {  	s2 =	sld [smem:$0x3FFC];
	_ =	sdelay $0x3  }
0x94: {  	_ =	strace s2  }
0x95: {  	s2 =	sld [smem:$0x3FFD];
	_ =	sdelay $0x3  }
0x96: {  	_ =	strace s2  }
0x97: {  	_ =	strace $0x8FFFFFFF  }
0x98: {  	s18 =	sld [smem:$0x3FDB];
	_ =	sdelay $0x1  }
0x99: {  	s19 =	simm.s32 $_scs_section_size  }
0x9a: {  	s4 =	simm.s32 $_size__tile_overlayer_lowered;
	s5 =	simm.s32 $_tile_overlayer_lowered  }
0x9b: {  	s22 =	simm.s32 $0x1BFF;
	s21 =	sshll.u32 s5, $0x1;
	s2 =	sadd.s32 s19, s18  }
0x9c: {  	s6 =	simm.s32 $0x0;
	s20 =	sshll.u32 s4, $0x1;
	s4 =	sadd.s32 s21, s2  }
0x9d: {  	[timem:s6], [sflag:s22] =	dma.local [hbm:s4], s20  }
0x9e: {  	_ =	swait.ge [sflag:s22], s20  }
0x9f: {  	s3 =	ssub.s32 $0x0, s20;
	[sflag:s22] =	ssyncset.done $0x0  }
0xa0: {  	[sflag:s22] =	ssyncadd.s32 s3;
	_ =	sdelay $0x1  }
0xa1: {  	s23 =	simm.s32 $0x1B8B  }
0xa2: {  	_ =	swait.ge [sflag:s23], $0x1  }
0xa3: {  	[sflag:s23] =	ssyncset.done $0x0  }
0xa4: {  	s25 =	simm.s32 $0x1B8E;
	s24 =	sld [smem:$0x3FFE];
	[sflag:s23] =	ssyncadd.s32 $0xFFFFFFFF  }
0xa5: {  	s26 =	simm.s32 $execute0_lowered;
	[smem:$0x3FD2] =	sst s25  }
0xa6: {  	s4 =	sshll.u32 s26, $0x1;
	_ =	strace $0x80000046;
	[dreg:$0x1] =	wrdreg $0xFFFFFFFF  }
0xa7: {  	s28 =	simm.s32 $_size_execute0_lowered;
	s2 =	sadd.s32 s2, s4;
	[dreg:$0x0] =	wrdreg $0x0  }
0xa8: {  	s4 =	sshll.u32 s28, $0x1;
	[dreg:$0x2] =	wrdreg s2  }
0xa9: {  	[dreg:$0x3] =	wrdreg s4  }
0xaa: {  	[dreg:$0x4] =	wrdreg $0xC0  }
0xab: {  	_ =	task [dreg:s6], $0x5FFFF  }
0xac: {  	[dreg:$0x1] =	wrdreg $0xFFFFFFFF  }
0xad: {  	[dreg:$0x0] =	wrdreg $0x60  }
0xae: {  	[dreg:$0x2] =	wrdreg s24  }
0xaf: {  	[dreg:$0x3] =	wrdreg $0xC  }
0xb0: {  	_ =	task.clear_ibuf [dreg:s6], $0x4FFFF;
	_ =	strace $0x90000046  }
0xb1: {  	s29 =	simm.s32 $0xC;
	_ =	strace $0x80000048  }
0xb2: {  	_ =	swait.ge [sflag:s29], $0x1  }
0xb3: {  	[sflag:s29] =	ssyncadd.s32 $0xFFFFFFFF  }
0xb4: {  	_ =	strace $0x90000048  }
0xb5: {  	_ =	sfence  }
0xb6: {  	s30 =	sld [smem:$0x0];
	_ =	sdelay $0x2  }
0xb7: {  	s31 =	sshll.u32 s1, $0xD;
	s1 =	sshrl.u32 s1, $0x2  }
0xb8: {  	s3 =	sand.u32 $0x4000, s31;
	s1 =	sadd.s32 s1, s30  }
0xb9: {  	s0 =	sor.u32 s3, s0;
	s1 =	sshll.u32 s1, $0x11  }
0xba: {  	s0 =	sor.u32 s1, s0  }
0xbb: {  	s0 =	sadd.s32 $0x8F2B, s0  }
0xbc: {  	[sflag:s0] =	ssyncadd.remote.s32 $0x1  }
0xbd: {  	_ =	sfence.sel $0xFFFF  }
0xbe: {  	[dreg:$0x0] =	wrdreg $0xFFFFFFFF;
	(pc) =	sbr.abs _section_cstart, $3  }
0xbf: {  	[dreg:$0x1] =	wrdreg $0xFFFFFFFF  }
0xc0: {  	_ =	task.clear_ibuf [dreg:s6], $0x2FFFF;
	_ =	strace $0x9FFFFFFF  }
0xc1: {  	(tm) =	ssettm $0x7FFFFFFF  }
tec
execute0_lowered:
.L_overlay_start_1:
0x0: {  	(tag) =	ssettag $0x1  }
0x1: {  	s1 =	srdreg.scid  }
0x2: {  	s0 =	stileid.u32;
	s1 =	sand.u32 $0x1, s1  }
0x3: {  	s2 =	sshll.u32 s0, $0xC;
	s3 =	sshll.u32 s1, $0xB  }
0x4: {  	s3 =	sor.u32 s3, s2  }
0x5: {  	s4 =	rddreg [dreg:$0x0];
	s5 =	sshrl.u32 s3, $0x3  }
0x6: {  	s2 =	simm.s32 $0x0;
	s3 =	sshll.u32 s3, $0x4;
	s5 =	sadd.s32 s5, s4  }
0x7: {  	[smem:$0x7FF] =	sst s2;
	s30 =	sadd.s32 s3, s4;
	s16 =	sadd.s32 $0x2A00, s5  }
0x8: {  	_ =	strace $0x80000047;
	s17 =	sadd.s32 $0x18D600, s30;
	[dreg:$0x2] =	wrdreg s16  }
0x9: {  	s18 =	sadd.s32 $0x194600, s30;
	[dreg:$0x3] =	wrdreg s17  }
0xa: {  	s19 =	sadd.s32 $0x194E00, s30;
	[dreg:$0x4] =	wrdreg s18  }
0xb: {  	s20 =	sadd.s32 $0x18DE00, s30;
	[dreg:$0x5] =	wrdreg s19  }
0xc: {  	s21 =	sadd.s32 $0x18E600, s30;
	[dreg:$0x6] =	wrdreg s20  }
0xd: {  	s22 =	sadd.s32 $0x18EE00, s30;
	[dreg:$0x7] =	wrdreg s21  }
0xe: {  	s23 =	sadd.s32 $0x18F600, s30;
	[dreg:$0x8] =	wrdreg s22  }
0xf: {  	s24 =	sadd.s32 $0x18FE00, s30;
	[dreg:$0x9] =	wrdreg s23  }
0x10: {  	s26 =	sadd.s32 $0x190600, s30;
	[dreg:$0xa] =	wrdreg s24  }
0x11: {  	[dreg:$0xb] =	wrdreg s26  }
0x12: {  	s3 =	simm.s32 $0x3;
	s25 =	rddreg [dreg:$0x2]  }
0x13: {  	[tilespmem:s2], [sflag:$0x3] =	stream.linear.gather [hbm4b:s25+s2], $0x800, $0x38;
	[tilespmem:$0x8800] =	vst v63  }
0x14: {  	_ =	swait.ge [sflag:s3], $0x800  }
0x15: {  	s6 =	simm.s32 $0x800;
	[sflag:s3] =	ssyncset.done $0x0  }
0x16: {  	s4 =	sadd.s32 $0xCA000, s4;
	s5 =	simm.s32 $0x80;
	[sflag:s3] =	ssyncadd.s32 $0xFFFFF800  }
0x17: {  	[tilespmem:s6], [sflag:$0x1] =	stream.indirect.gather [hbm4b:s4+s5], $0x80, s2, s5, $0xb8;
	[tilespmem:$0x8800] =	vst v63  }
0x18: {  	s7 =	simm.s32 $0x4800;
	s8 =	simm.s32 $0x1  }
0x19: {  	[tilespmem:s7], [sflag:$0x2] =	stream.indirect.gather [hbm4b:s4+s5], $0x80, s5, s5, $0xb8;
	[tilespmem:$0x8800] =	vst v63  }
0x1a: {  	_ =	swait.ge [sflag:s8], $0x4000  }
0x1b: {  	[sflag:s8] =	ssyncset.done $0x0  }
0x1c: {  	s9 =	rddreg [dreg:$0x3];
	[sflag:s8] =	ssyncadd.s32 $0xFFFFC000  }
0x1d: {  	[hbm4b:s9+s2] =	stream.linear.scatter [tilespmem:s6], [sflag:$0x3], $0x4000, $0x38;
	[tilespmem:$0x8800] =	vst v63  }
0x1e: {  	_ =	swait.ge [sflag:s3], $0x4000  }
0x1f: {  	[sflag:s3] =	ssyncset.done $0x0  }
0x20: {  	s10 =	simm.s32 $0x2;
	s9 =	simm.s32 $0x100;
	[sflag:s3] =	ssyncadd.s32 $0xFFFFC000  }
0x21: {  	[tilespmem:s6], [sflag:$0x1] =	stream.indirect.gather [hbm4b:s4+s5], $0x80, s9, s5, $0xb8;
	[tilespmem:$0x8800] =	vst v63  }
0x22: {  	_ =	swait.ge [sflag:s10], $0x4000  }
0x23: {  	[sflag:s10] =	ssyncset.done $0x0  }
0x24: {  	s11 =	rddreg [dreg:$0x6];
	[sflag:s10] =	ssyncadd.s32 $0xFFFFC000  }
0x25: {  	[hbm4b:s11+s2] =	stream.linear.scatter [tilespmem:s7], [sflag:$0x3], $0x4000, $0x38;
	[tilespmem:$0x8800] =	vst v63  }
0x26: {  	_ =	swait.ge [sflag:s3], $0x4000  }
0x27: {  	[sflag:s3] =	ssyncset.done $0x0  }
0x28: {  	s11 =	simm.s32 $0x180;
	[sflag:s3] =	ssyncadd.s32 $0xFFFFC000  }
0x29: {  	[tilespmem:s7], [sflag:$0x2] =	stream.indirect.gather [hbm4b:s4+s5], $0x80, s11, s5, $0xb8;
	[tilespmem:$0x8800] =	vst v63  }
0x2a: {  	_ =	swait.ge [sflag:s8], $0x4000  }
0x2b: {  	[sflag:s8] =	ssyncset.done $0x0  }
0x2c: {  	s12 =	rddreg [dreg:$0x7];
	[sflag:s8] =	ssyncadd.s32 $0xFFFFC000  }
0x2d: {  	[hbm4b:s12+s2] =	stream.linear.scatter [tilespmem:s6], [sflag:$0x3], $0x4000, $0x38;
	[tilespmem:$0x8800] =	vst v63  }
0x2e: {  	_ =	swait.ge [sflag:s3], $0x4000  }
0x2f: {  	[sflag:s3] =	ssyncset.done $0x0  }
0x30: {  	s12 =	simm.s32 $0x200;
	[sflag:s3] =	ssyncadd.s32 $0xFFFFC000  }
0x31: {  	[tilespmem:s6], [sflag:$0x1] =	stream.indirect.gather [hbm4b:s4+s5], $0x80, s12, s5, $0xb8;
	[tilespmem:$0x8800] =	vst v63  }
0x32: {  	_ =	swait.ge [sflag:s10], $0x4000  }
0x33: {  	[sflag:s10] =	ssyncset.done $0x0  }
0x34: {  	s13 =	rddreg [dreg:$0x8];
	[sflag:s10] =	ssyncadd.s32 $0xFFFFC000  }
0x35: {  	[hbm4b:s13+s2] =	stream.linear.scatter [tilespmem:s7], [sflag:$0x3], $0x4000, $0x38;
	[tilespmem:$0x8800] =	vst v63  }
0x36: {  	_ =	swait.ge [sflag:s3], $0x4000  }
0x37: {  	[sflag:s3] =	ssyncset.done $0x0  }
0x38: {  	s13 =	simm.s32 $0x280;
	[sflag:s3] =	ssyncadd.s32 $0xFFFFC000  }
0x39: {  	[tilespmem:s7], [sflag:$0x2] =	stream.indirect.gather [hbm4b:s4+s5], $0x80, s13, s5, $0xb8;
	[tilespmem:$0x8800] =	vst v63  }
0x3a: {  	_ =	swait.ge [sflag:s8], $0x4000  }
0x3b: {  	[sflag:s8] =	ssyncset.done $0x0  }
0x3c: {  	s14 =	rddreg [dreg:$0x9];
	[sflag:s8] =	ssyncadd.s32 $0xFFFFC000  }
0x3d: {  	[hbm4b:s14+s2] =	stream.linear.scatter [tilespmem:s6], [sflag:$0x3], $0x4000, $0x38;
	[tilespmem:$0x8800] =	vst v63  }
0x3e: {  	_ =	swait.ge [sflag:s3], $0x4000  }
0x3f: {  	[sflag:s3] =	ssyncset.done $0x0  }
0x40: {  	s14 =	simm.s32 $0x300;
	[sflag:s3] =	ssyncadd.s32 $0xFFFFC000  }
0x41: {  	[tilespmem:s6], [sflag:$0x1] =	stream.indirect.gather [hbm4b:s4+s5], $0x80, s14, s5, $0xb8;
	[tilespmem:$0x8800] =	vst v63  }
0x42: {  	_ =	swait.ge [sflag:s10], $0x4000  }
0x43: {  	[sflag:s10] =	ssyncset.done $0x0  }
0x44: {  	s15 =	rddreg [dreg:$0xa];
	[sflag:s10] =	ssyncadd.s32 $0xFFFFC000  }
0x45: {  	[hbm4b:s15+s2] =	stream.linear.scatter [tilespmem:s7], [sflag:$0x3], $0x4000, $0x38;
	[tilespmem:$0x8800] =	vst v63  }
0x46: {  	_ =	swait.ge [sflag:s3], $0x4000  }
0x47: {  	[sflag:s3] =	ssyncset.done $0x0  }
0x48: {  	s15 =	simm.s32 $0x380;
	[sflag:s3] =	ssyncadd.s32 $0xFFFFC000  }
0x49: {  	[tilespmem:s7], [sflag:$0x2] =	stream.indirect.gather [hbm4b:s4+s5], $0x80, s15, s5, $0xb8;
	[tilespmem:$0x8800] =	vst v63  }
0x4a: {  	_ =	swait.ge [sflag:s8], $0x4000  }
0x4b: {  	[sflag:s8] =	ssyncset.done $0x0  }
0x4c: {  	s16 =	rddreg [dreg:$0xb];
	[sflag:s8] =	ssyncadd.s32 $0xFFFFC000  }
0x4d: {  	[hbm4b:s16+s2] =	stream.linear.scatter [tilespmem:s6], [sflag:$0x3], $0x4000, $0x38;
	[tilespmem:$0x8800] =	vst v63  }
0x4e: {  	_ =	swait.ge [sflag:s3], $0x4000  }
0x4f: {  	[sflag:s3] =	ssyncset.done $0x0  }
0x50: {  	s16 =	simm.s32 $0x400;
	[sflag:s3] =	ssyncadd.s32 $0xFFFFC000  }
0x51: {  	[tilespmem:s6], [sflag:$0x1] =	stream.indirect.gather [hbm4b:s4+s5], $0x80, s16, s5, $0xb8;
	[tilespmem:$0x8800] =	vst v63  }
0x52: {  	_ =	swait.ge [sflag:s10], $0x4000  }
0x53: {  	[sflag:s10] =	ssyncset.done $0x0  }
0x54: {  	s17 =	sadd.s32 $0x190E00, s30;
	[sflag:s10] =	ssyncadd.s32 $0xFFFFC000  }
0x55: {  	[hbm4b:s17+s2] =	stream.linear.scatter [tilespmem:s7], [sflag:$0x3], $0x4000, $0x38;
	[tilespmem:$0x8800] =	vst v63  }
0x56: {  	_ =	swait.ge [sflag:s3], $0x4000  }
0x57: {  	[sflag:s3] =	ssyncset.done $0x0  }
0x58: {  	s18 =	simm.s32 $0x480;
	[sflag:s3] =	ssyncadd.s32 $0xFFFFC000  }
0x59: {  	[tilespmem:s7], [sflag:$0x2] =	stream.indirect.gather [hbm4b:s4+s5], $0x80, s18, s5, $0xb8;
	[tilespmem:$0x8800] =	vst v63  }
0x5a: {  	_ =	swait.ge [sflag:s8], $0x4000  }
0x5b: {  	[sflag:s8] =	ssyncset.done $0x0  }
0x5c: {  	s19 =	sadd.s32 $0x191600, s30;
	[sflag:s8] =	ssyncadd.s32 $0xFFFFC000  }
0x5d: {  	[hbm4b:s19+s2] =	stream.linear.scatter [tilespmem:s6], [sflag:$0x3], $0x4000, $0x38;
	[tilespmem:$0x8800] =	vst v63  }
0x5e: {  	_ =	swait.ge [sflag:s3], $0x4000  }
0x5f: {  	[sflag:s3] =	ssyncset.done $0x0  }
0x60: {  	s20 =	simm.s32 $0x500;
	[sflag:s3] =	ssyncadd.s32 $0xFFFFC000  }
0x61: {  	[tilespmem:s6], [sflag:$0x1] =	stream.indirect.gather [hbm4b:s4+s5], $0x80, s20, s5, $0xb8;
	[tilespmem:$0x8800] =	vst v63  }
0x62: {  	_ =	swait.ge [sflag:s10], $0x4000  }
0x63: {  	[sflag:s10] =	ssyncset.done $0x0  }
0x64: {  	s21 =	sadd.s32 $0x191E00, s30;
	[sflag:s10] =	ssyncadd.s32 $0xFFFFC000  }
0x65: {  	[hbm4b:s21+s2] =	stream.linear.scatter [tilespmem:s7], [sflag:$0x3], $0x4000, $0x38;
	[tilespmem:$0x8800] =	vst v63  }
0x66: {  	_ =	swait.ge [sflag:s3], $0x4000  }
0x67: {  	[sflag:s3] =	ssyncset.done $0x0  }
0x68: {  	s22 =	simm.s32 $0x580;
	[sflag:s3] =	ssyncadd.s32 $0xFFFFC000  }
0x69: {  	[tilespmem:s7], [sflag:$0x2] =	stream.indirect.gather [hbm4b:s4+s5], $0x80, s22, s5, $0xb8;
	[tilespmem:$0x8800] =	vst v63  }
0x6a: {  	_ =	swait.ge [sflag:s8], $0x4000  }
0x6b: {  	[sflag:s8] =	ssyncset.done $0x0  }
0x6c: {  	s23 =	sadd.s32 $0x192600, s30;
	[sflag:s8] =	ssyncadd.s32 $0xFFFFC000  }
0x6d: {  	[hbm4b:s23+s2] =	stream.linear.scatter [tilespmem:s6], [sflag:$0x3], $0x4000, $0x38;
	[tilespmem:$0x8800] =	vst v63  }
0x6e: {  	_ =	swait.ge [sflag:s3], $0x4000  }
0x6f: {  	[sflag:s3] =	ssyncset.done $0x0  }
0x70: {  	s24 =	simm.s32 $0x600;
	[sflag:s3] =	ssyncadd.s32 $0xFFFFC000  }
0x71: {  	[tilespmem:s6], [sflag:$0x1] =	stream.indirect.gather [hbm4b:s4+s5], $0x80, s24, s5, $0xb8;
	[tilespmem:$0x8800] =	vst v63  }
0x72: {  	_ =	swait.ge [sflag:s10], $0x4000  }
0x73: {  	[sflag:s10] =	ssyncset.done $0x0  }
0x74: {  	s25 =	sadd.s32 $0x192E00, s30;
	[sflag:s10] =	ssyncadd.s32 $0xFFFFC000  }
0x75: {  	[hbm4b:s25+s2] =	stream.linear.scatter [tilespmem:s7], [sflag:$0x3], $0x4000, $0x38;
	[tilespmem:$0x8800] =	vst v63  }
0x76: {  	_ =	swait.ge [sflag:s3], $0x4000  }
0x77: {  	[sflag:s3] =	ssyncset.done $0x0  }
0x78: {  	s26 =	simm.s32 $0x680;
	[sflag:s3] =	ssyncadd.s32 $0xFFFFC000  }
0x79: {  	[tilespmem:s7], [sflag:$0x2] =	stream.indirect.gather [hbm4b:s4+s5], $0x80, s26, s5, $0xb8;
	[tilespmem:$0x8800] =	vst v63  }
0x7a: {  	_ =	swait.ge [sflag:s8], $0x4000  }
0x7b: {  	[sflag:s8] =	ssyncset.done $0x0  }
0x7c: {  	s28 =	sadd.s32 $0x193600, s30;
	[sflag:s8] =	ssyncadd.s32 $0xFFFFC000  }
0x7d: {  	[hbm4b:s28+s2] =	stream.linear.scatter [tilespmem:s6], [sflag:$0x3], $0x4000, $0x38;
	[tilespmem:$0x8800] =	vst v63  }
0x7e: {  	_ =	swait.ge [sflag:s3], $0x4000  }
0x7f: {  	[sflag:s3] =	ssyncset.done $0x0  }
0x80: {  	s29 =	simm.s32 $0x700;
	[sflag:s3] =	ssyncadd.s32 $0xFFFFC000  }
0x81: {  	[tilespmem:s6], [sflag:$0x1] =	stream.indirect.gather [hbm4b:s4+s5], $0x80, s29, s5, $0xb8;
	[tilespmem:$0x8800] =	vst v63  }
0x82: {  	_ =	swait.ge [sflag:s10], $0x4000  }
0x83: {  	[sflag:s10] =	ssyncset.done $0x0  }
0x84: {  	s30 =	sadd.s32 $0x193E00, s30;
	[sflag:s10] =	ssyncadd.s32 $0xFFFFC000  }
0x85: {  	[hbm4b:s30+s2] =	stream.linear.scatter [tilespmem:s7], [sflag:$0x3], $0x4000, $0x38;
	[tilespmem:$0x8800] =	vst v63  }
0x86: {  	_ =	swait.ge [sflag:s3], $0x4000  }
0x87: {  	[sflag:s3] =	ssyncset.done $0x0  }
0x88: {  	s31 =	simm.s32 $0x780;
	[sflag:s3] =	ssyncadd.s32 $0xFFFFC000  }
0x89: {  	[tilespmem:s7], [sflag:$0x2] =	stream.indirect.gather [hbm4b:s4+s5], $0x80, s31, s5, $0xb8;
	[tilespmem:$0x8800] =	vst v63  }
0x8a: {  	_ =	swait.ge [sflag:s8], $0x4000  }
0x8b: {  	[sflag:s8] =	ssyncset.done $0x0  }
0x8c: {  	s0 =	rddreg [dreg:$0x4];
	[sflag:s8] =	ssyncadd.s32 $0xFFFFC000  }
0x8d: {  	[hbm4b:s0+s2] =	stream.linear.scatter [tilespmem:s6], [sflag:$0x3], $0x4000, $0x38;
	[tilespmem:$0x8800] =	vst v63  }
0x8e: {  	_ =	swait.ge [sflag:s3], $0x4000  }
0x8f: {  	[sflag:s3] =	ssyncset.done $0x0  }
0x90: {  	[sflag:s3] =	ssyncadd.s32 $0xFFFFC000  }
0x91: {  	_ =	swait.ge [sflag:s10], $0x4000  }
0x92: {  	s0 =	ssub.s32 $0x2, s1;
	s1 =	rddreg [dreg:$0x5]  }
0x93: {  	[dreg:$0xc] =	wrdreg s1;
	s1 =	sshrl.u32 s0, $0x1  }
0x94: {  	s0 =	ssub.s32 s0, s1  }
0x95: {  	s0 =	smax.u32 s0, $0x1  }
0x96: {  	p0 =	sne.s32 s0, $0x1  }
.Ltmp0:
0x97: {  	_ = 	snop;
	(pc) =	sbr.rel @!p0 .LBB2_2-.Ltmp0, $4  }
0x98: {  	[sflag:s10] =	ssyncset.done $0x0  }
0x99: {  	[sflag:s10] =	ssyncadd.s32 $0xFFFFC000;
	s1 =	rddreg [dreg:$0xc]  }
0x9a: {  	[hbm4b:s1+s2] =	stream.linear.scatter [tilespmem:s7], [sflag:$0x3], $0x4000, $0x38;
	[tilespmem:$0x8800] =	vst v63  }
0x9b: {  	s1 =	sadd.s32 $0xFFFFFFFF, s0;
	_ =	swait.ge [sflag:s3], $0x4000  }
.LBB2_1:
0x9c: {  	[sflag:s3] =	ssyncset.done $0x0  }
0x9d: {  	s0 =	rddreg [dreg:$0x2];
	[sflag:s3] =	ssyncadd.s32 $0xFFFFC000  }
0x9e: {  	[tilespmem:s2], [sflag:$0x3] =	stream.linear.gather [hbm4b:s0+s2], $0x800, $0x38;
	[tilespmem:$0x8800] =	vst v63  }
0x9f: {  	_ =	swait.ge [sflag:s3], $0x800  }
0xa0: {  	[sflag:s3] =	ssyncset.done $0x0  }
0xa1: {  	[sflag:s3] =	ssyncadd.s32 $0xFFFFF800  }
0xa2: {  	[tilespmem:s6], [sflag:$0x1] =	stream.indirect.gather [hbm4b:s4+s5], $0x80, s2, s5, $0xb8;
	[tilespmem:$0x8800] =	vst v63  }
0xa3: {  	_ = 	snop  }
0xa4: {  	[tilespmem:s7], [sflag:$0x2] =	stream.indirect.gather [hbm4b:s4+s5], $0x80, s5, s5, $0xb8;
	[tilespmem:$0x8800] =	vst v63  }
0xa5: {  	_ =	swait.ge [sflag:s8], $0x4000  }
0xa6: {  	[sflag:s8] =	ssyncset.done $0x0  }
0xa7: {  	s0 =	rddreg [dreg:$0x3];
	[sflag:s8] =	ssyncadd.s32 $0xFFFFC000  }
0xa8: {  	[hbm4b:s0+s2] =	stream.linear.scatter [tilespmem:s6], [sflag:$0x3], $0x4000, $0x38;
	[tilespmem:$0x8800] =	vst v63  }
0xa9: {  	_ =	swait.ge [sflag:s3], $0x4000  }
0xaa: {  	[sflag:s3] =	ssyncset.done $0x0  }
0xab: {  	[sflag:s3] =	ssyncadd.s32 $0xFFFFC000  }
0xac: {  	[tilespmem:s6], [sflag:$0x1] =	stream.indirect.gather [hbm4b:s4+s5], $0x80, s9, s5, $0xb8;
	[tilespmem:$0x8800] =	vst v63  }
0xad: {  	_ =	swait.ge [sflag:s10], $0x4000  }
0xae: {  	[sflag:s10] =	ssyncset.done $0x0  }
0xaf: {  	s0 =	rddreg [dreg:$0x6];
	[sflag:s10] =	ssyncadd.s32 $0xFFFFC000  }
0xb0: {  	[hbm4b:s0+s2] =	stream.linear.scatter [tilespmem:s7], [sflag:$0x3], $0x4000, $0x38;
	[tilespmem:$0x8800] =	vst v63  }
0xb1: {  	_ =	swait.ge [sflag:s3], $0x4000  }
0xb2: {  	[sflag:s3] =	ssyncset.done $0x0  }
0xb3: {  	[sflag:s3] =	ssyncadd.s32 $0xFFFFC000  }
0xb4: {  	[tilespmem:s7], [sflag:$0x2] =	stream.indirect.gather [hbm4b:s4+s5], $0x80, s11, s5, $0xb8;
	[tilespmem:$0x8800] =	vst v63  }
0xb5: {  	_ =	swait.ge [sflag:s8], $0x4000  }
0xb6: {  	[sflag:s8] =	ssyncset.done $0x0  }
0xb7: {  	s0 =	rddreg [dreg:$0x7];
	[sflag:s8] =	ssyncadd.s32 $0xFFFFC000  }
0xb8: {  	[hbm4b:s0+s2] =	stream.linear.scatter [tilespmem:s6], [sflag:$0x3], $0x4000, $0x38;
	[tilespmem:$0x8800] =	vst v63  }
0xb9: {  	_ =	swait.ge [sflag:s3], $0x4000  }
0xba: {  	[sflag:s3] =	ssyncset.done $0x0  }
0xbb: {  	[sflag:s3] =	ssyncadd.s32 $0xFFFFC000  }
0xbc: {  	[tilespmem:s6], [sflag:$0x1] =	stream.indirect.gather [hbm4b:s4+s5], $0x80, s12, s5, $0xb8;
	[tilespmem:$0x8800] =	vst v63  }
0xbd: {  	_ =	swait.ge [sflag:s10], $0x4000  }
0xbe: {  	[sflag:s10] =	ssyncset.done $0x0  }
0xbf: {  	s0 =	rddreg [dreg:$0x8];
	[sflag:s10] =	ssyncadd.s32 $0xFFFFC000  }
0xc0: {  	[hbm4b:s0+s2] =	stream.linear.scatter [tilespmem:s7], [sflag:$0x3], $0x4000, $0x38;
	[tilespmem:$0x8800] =	vst v63  }
0xc1: {  	_ =	swait.ge [sflag:s3], $0x4000  }
0xc2: {  	[sflag:s3] =	ssyncset.done $0x0  }
0xc3: {  	[sflag:s3] =	ssyncadd.s32 $0xFFFFC000  }
0xc4: {  	[tilespmem:s7], [sflag:$0x2] =	stream.indirect.gather [hbm4b:s4+s5], $0x80, s13, s5, $0xb8;
	[tilespmem:$0x8800] =	vst v63  }
0xc5: {  	_ =	swait.ge [sflag:s8], $0x4000  }
0xc6: {  	[sflag:s8] =	ssyncset.done $0x0  }
0xc7: {  	s0 =	rddreg [dreg:$0x9];
	[sflag:s8] =	ssyncadd.s32 $0xFFFFC000  }
0xc8: {  	[hbm4b:s0+s2] =	stream.linear.scatter [tilespmem:s6], [sflag:$0x3], $0x4000, $0x38;
	[tilespmem:$0x8800] =	vst v63  }
0xc9: {  	_ =	swait.ge [sflag:s3], $0x4000  }
0xca: {  	[sflag:s3] =	ssyncset.done $0x0  }
0xcb: {  	[sflag:s3] =	ssyncadd.s32 $0xFFFFC000  }
0xcc: {  	[tilespmem:s6], [sflag:$0x1] =	stream.indirect.gather [hbm4b:s4+s5], $0x80, s14, s5, $0xb8;
	[tilespmem:$0x8800] =	vst v63  }
0xcd: {  	_ =	swait.ge [sflag:s10], $0x4000  }
0xce: {  	[sflag:s10] =	ssyncset.done $0x0  }
0xcf: {  	s0 =	rddreg [dreg:$0xa];
	[sflag:s10] =	ssyncadd.s32 $0xFFFFC000  }
0xd0: {  	[hbm4b:s0+s2] =	stream.linear.scatter [tilespmem:s7], [sflag:$0x3], $0x4000, $0x38;
	[tilespmem:$0x8800] =	vst v63  }
0xd1: {  	_ =	swait.ge [sflag:s3], $0x4000  }
0xd2: {  	[sflag:s3] =	ssyncset.done $0x0  }
0xd3: {  	[sflag:s3] =	ssyncadd.s32 $0xFFFFC000  }
0xd4: {  	[tilespmem:s7], [sflag:$0x2] =	stream.indirect.gather [hbm4b:s4+s5], $0x80, s15, s5, $0xb8;
	[tilespmem:$0x8800] =	vst v63  }
0xd5: {  	_ =	swait.ge [sflag:s8], $0x4000  }
0xd6: {  	[sflag:s8] =	ssyncset.done $0x0  }
0xd7: {  	s0 =	rddreg [dreg:$0xb];
	[sflag:s8] =	ssyncadd.s32 $0xFFFFC000  }
0xd8: {  	[hbm4b:s0+s2] =	stream.linear.scatter [tilespmem:s6], [sflag:$0x3], $0x4000, $0x38;
	[tilespmem:$0x8800] =	vst v63  }
0xd9: {  	_ =	swait.ge [sflag:s3], $0x4000  }
0xda: {  	[sflag:s3] =	ssyncset.done $0x0  }
0xdb: {  	[sflag:s3] =	ssyncadd.s32 $0xFFFFC000  }
0xdc: {  	[tilespmem:s6], [sflag:$0x1] =	stream.indirect.gather [hbm4b:s4+s5], $0x80, s16, s5, $0xb8;
	[tilespmem:$0x8800] =	vst v63  }
0xdd: {  	_ =	swait.ge [sflag:s10], $0x4000  }
0xde: {  	[sflag:s10] =	ssyncset.done $0x0  }
0xdf: {  	[sflag:s10] =	ssyncadd.s32 $0xFFFFC000  }
0xe0: {  	[hbm4b:s17+s2] =	stream.linear.scatter [tilespmem:s7], [sflag:$0x3], $0x4000, $0x38;
	[tilespmem:$0x8800] =	vst v63  }
0xe1: {  	_ =	swait.ge [sflag:s3], $0x4000  }
0xe2: {  	[sflag:s3] =	ssyncset.done $0x0  }
0xe3: {  	[sflag:s3] =	ssyncadd.s32 $0xFFFFC000  }
0xe4: {  	[tilespmem:s7], [sflag:$0x2] =	stream.indirect.gather [hbm4b:s4+s5], $0x80, s18, s5, $0xb8;
	[tilespmem:$0x8800] =	vst v63  }
0xe5: {  	_ =	swait.ge [sflag:s8], $0x4000  }
0xe6: {  	[sflag:s8] =	ssyncset.done $0x0  }
0xe7: {  	[sflag:s8] =	ssyncadd.s32 $0xFFFFC000  }
0xe8: {  	[hbm4b:s19+s2] =	stream.linear.scatter [tilespmem:s6], [sflag:$0x3], $0x4000, $0x38;
	[tilespmem:$0x8800] =	vst v63  }
0xe9: {  	_ =	swait.ge [sflag:s3], $0x4000  }
0xea: {  	[sflag:s3] =	ssyncset.done $0x0  }
0xeb: {  	[sflag:s3] =	ssyncadd.s32 $0xFFFFC000  }
0xec: {  	[tilespmem:s6], [sflag:$0x1] =	stream.indirect.gather [hbm4b:s4+s5], $0x80, s20, s5, $0xb8;
	[tilespmem:$0x8800] =	vst v63  }
0xed: {  	_ =	swait.ge [sflag:s10], $0x4000  }
0xee: {  	[sflag:s10] =	ssyncset.done $0x0  }
0xef: {  	[sflag:s10] =	ssyncadd.s32 $0xFFFFC000  }
0xf0: {  	[hbm4b:s21+s2] =	stream.linear.scatter [tilespmem:s7], [sflag:$0x3], $0x4000, $0x38;
	[tilespmem:$0x8800] =	vst v63  }
0xf1: {  	_ =	swait.ge [sflag:s3], $0x4000  }
0xf2: {  	[sflag:s3] =	ssyncset.done $0x0  }
0xf3: {  	[sflag:s3] =	ssyncadd.s32 $0xFFFFC000  }
0xf4: {  	[tilespmem:s7], [sflag:$0x2] =	stream.indirect.gather [hbm4b:s4+s5], $0x80, s22, s5, $0xb8;
	[tilespmem:$0x8800] =	vst v63  }
0xf5: {  	_ =	swait.ge [sflag:s8], $0x4000  }
0xf6: {  	[sflag:s8] =	ssyncset.done $0x0  }
0xf7: {  	[sflag:s8] =	ssyncadd.s32 $0xFFFFC000  }
0xf8: {  	[hbm4b:s23+s2] =	stream.linear.scatter [tilespmem:s6], [sflag:$0x3], $0x4000, $0x38;
	[tilespmem:$0x8800] =	vst v63  }
0xf9: {  	_ =	swait.ge [sflag:s3], $0x4000  }
0xfa: {  	[sflag:s3] =	ssyncset.done $0x0  }
0xfb: {  	[sflag:s3] =	ssyncadd.s32 $0xFFFFC000  }
0xfc: {  	[tilespmem:s6], [sflag:$0x1] =	stream.indirect.gather [hbm4b:s4+s5], $0x80, s24, s5, $0xb8;
	[tilespmem:$0x8800] =	vst v63  }
0xfd: {  	_ =	swait.ge [sflag:s10], $0x4000  }
0xfe: {  	[sflag:s10] =	ssyncset.done $0x0  }
0xff: {  	[sflag:s10] =	ssyncadd.s32 $0xFFFFC000  }
0x100: {  	[hbm4b:s25+s2] =	stream.linear.scatter [tilespmem:s7], [sflag:$0x3], $0x4000, $0x38;
	[tilespmem:$0x8800] =	vst v63  }
0x101: {  	_ =	swait.ge [sflag:s3], $0x4000  }
0x102: {  	[sflag:s3] =	ssyncset.done $0x0  }
0x103: {  	[sflag:s3] =	ssyncadd.s32 $0xFFFFC000  }
0x104: {  	[tilespmem:s7], [sflag:$0x2] =	stream.indirect.gather [hbm4b:s4+s5], $0x80, s26, s5, $0xb8;
	[tilespmem:$0x8800] =	vst v63  }
0x105: {  	_ =	swait.ge [sflag:s8], $0x4000  }
0x106: {  	[sflag:s8] =	ssyncset.done $0x0  }
0x107: {  	[sflag:s8] =	ssyncadd.s32 $0xFFFFC000  }
0x108: {  	[hbm4b:s28+s2] =	stream.linear.scatter [tilespmem:s6], [sflag:$0x3], $0x4000, $0x38;
	[tilespmem:$0x8800] =	vst v63  }
0x109: {  	_ =	swait.ge [sflag:s3], $0x4000  }
0x10a: {  	[sflag:s3] =	ssyncset.done $0x0  }
0x10b: {  	[sflag:s3] =	ssyncadd.s32 $0xFFFFC000  }
0x10c: {  	[tilespmem:s6], [sflag:$0x1] =	stream.indirect.gather [hbm4b:s4+s5], $0x80, s29, s5, $0xb8;
	[tilespmem:$0x8800] =	vst v63  }
0x10d: {  	_ =	swait.ge [sflag:s10], $0x4000  }
0x10e: {  	[sflag:s10] =	ssyncset.done $0x0  }
0x10f: {  	[sflag:s10] =	ssyncadd.s32 $0xFFFFC000  }
0x110: {  	[hbm4b:s30+s2] =	stream.linear.scatter [tilespmem:s7], [sflag:$0x3], $0x4000, $0x38;
	[tilespmem:$0x8800] =	vst v63  }
0x111: {  	_ =	swait.ge [sflag:s3], $0x4000  }
0x112: {  	[sflag:s3] =	ssyncset.done $0x0  }
0x113: {  	[sflag:s3] =	ssyncadd.s32 $0xFFFFC000  }
0x114: {  	[tilespmem:s7], [sflag:$0x2] =	stream.indirect.gather [hbm4b:s4+s5], $0x80, s31, s5, $0xb8;
	[tilespmem:$0x8800] =	vst v63  }
0x115: {  	_ =	swait.ge [sflag:s8], $0x4000  }
0x116: {  	[sflag:s8] =	ssyncset.done $0x0  }
0x117: {  	s0 =	rddreg [dreg:$0x4];
	[sflag:s8] =	ssyncadd.s32 $0xFFFFC000  }
0x118: {  	[hbm4b:s0+s2] =	stream.linear.scatter [tilespmem:s6], [sflag:$0x3], $0x4000, $0x38;
	[tilespmem:$0x8800] =	vst v63  }
0x119: {  	_ =	swait.ge [sflag:s3], $0x4000  }
0x11a: {  	[sflag:s3] =	ssyncset.done $0x0  }
0x11b: {  	p0 =	sne.s32 s1, $0x1;
	[sflag:s3] =	ssyncadd.s32 $0xFFFFC000  }
.Ltmp1:
0x11c: {  	_ =	swait.ge [sflag:s10], $0x4000;
	(pc) =	sbr.rel @p0 .LBB2_1-.Ltmp1, $4  }
0x11d: {  	[sflag:s10] =	ssyncset.done $0x0  }
0x11e: {  	s0 =	rddreg [dreg:$0x5];
	[sflag:s10] =	ssyncadd.s32 $0xFFFFC000  }
0x11f: {  	[hbm4b:s0+s2] =	stream.linear.scatter [tilespmem:s7], [sflag:$0x3], $0x4000, $0x38;
	[tilespmem:$0x8800] =	vst v63  }
0x120: {  	s1 =	sadd.s32 $0xFFFFFFFF, s1;
	_ =	swait.ge [sflag:s3], $0x4000  }
.LBB2_2:
0x121: {  	[sflag:s3] =	ssyncset.done $0x0  }
0x122: {  	[sflag:s3] =	ssyncadd.s32 $0xFFFFC000  }
0x123: {  	_ =	sfence.sel $0x180000  }
0x124: {  	[bflag:$0x0] =	sbarrier.arrive $0xFFFF  }
0x125: {  	_ =	strace $0x90000047  }
0x126: {  	s0 =	stileid.u32;
	[bflag:$0x2] =	sbarrier.arrive $0xFFFF  }
0x127: {  	p0 =	sne.s32 s0, $0x0;
	s0 =	rddreg [dreg:$0x1]  }
0x128: {  	s0 =	sadd.s32 @!p0 $0x100000, s0  }
0x129: {  	[sflag:s0] =	ssyncadd.tile.s32 @!p0 $0x1;
	_ =	shalt  }
.Lfunc_end2:
_tile_overlayer_lowered:
.L_overlay_start_2:
0x12a: {  	(tag) =	ssettag $0x2  }
0x12b: {  	s0 =	rddreg [dreg:$0x0];
	s2 =	stileid.u32  }
0x12c: {  	s1 =	rddreg [dreg:$0x1];
	p0 =	sne.s32 s2, $0x0  }
0x12d: {  	s3 =	rddreg [dreg:$0x2];
	[bflag:$0x3] =	sbarrier.arrive $0xFFFF;
	s2 =	simm.s32 @!p0 $0x1C03  }
0x12e: {  	[timem:s3], [sflag:s2] =	dma.local @!p0 [hbm:s0], s1  }
0x12f: {  	s0 =	simm.s32 @!p0 $0x3  }
0x130: {  	_ =	swait.ge @!p0 [sflag:s0], s1  }
0x131: {  	s1 =	ssub.s32 @!p0 $0x0, s1;
	[sflag:s0] =	ssyncset.done @!p0 $0x0  }
0x132: {  	[sflag:s0] =	ssyncadd.s32 @!p0 s1  }
0x133: {  	[bflag:$0x3] =	sbarrier.arrive $0xFFFF  }
0x134: {  	_ =	shalt  }

</sc_bundles>
